<compile_context>
chip_gen: v7x
topology: tpu7x:2x2x1
jax: 0.10.2.dev20260603
libtpu: 0.0.44.dev20260713+nightly
codegen_flags: <defaults>
</compile_context>

<pallas_src>
import functools

import jax
import jax.numpy as jnp
from jax import lax
from jax.experimental import pallas as pl
from jax.experimental.pallas import tpu as pltpu
from jax.experimental.pallas import tpu_sc as plsc

_N = 10000
_E = 320000
_D = 128
_H = 64
_O = 4
_R = 3

_NPAD = 10240
_K = 128
_ER = _E // _K
_ERP = 2560
_BLK = 1024
_NB = _NPAD // _BLK
_HW = _H // 2
_W2 = 2 * _O

_SR1 = 4 * _NPAD
_SA1 = _SR1 + 128
_ST1 = _SA1 // 16

_L2W = 16
_SR2 = 8 * _NPAD
_SA2 = _SR2 + 128
_ST2 = _SA2 // 16

_NCH1 = _ERP // 16
_PH1 = _NCH1 // 4
_NCH2 = _ERP // 32

_sc_params = pltpu.CompilerParams(use_tc_tiling_on_sc=False)


def _mm_body(x_ref, w_ref, b_ref, o_ref):
    o_ref[...] = (
        jnp.dot(x_ref[...], w_ref[...], preferred_element_type=jnp.float32,
                precision=lax.Precision.HIGHEST)
        + b_ref[...]
    )


def _edge_prep_body(ei_ref, t_ref, s4c_ref, s16_ref, x1_ref, x2_ref,
                    xc0_ref, xc1_ref, xc2_ref):
    i = pl.program_id(0)
    rows = _ERP // 10
    rid = jax.lax.broadcasted_iota(jnp.int32, (rows, _K), 0) + i * rows
    lane = jax.lax.broadcasted_iota(jnp.int32, (rows, _K), 1)
    live = rid < _ER
    s = ei_ref[0]
    d = ei_ref[1]
    t = t_ref[...]
    s4 = jnp.where(live, s * 4, 0)
    s4c_ref[0] = s4
    s4c_ref[1] = s4 + 1
    s16_ref[...] = jnp.where(live, s * 8, 0)
    x1_ref[...] = jnp.where(live, d * 4 + t, _SR1)
    x2_ref[...] = jnp.where(live, d * 8 + t, _SR2)
    garb = _SR1 + ((rid + lane) % 128)
    for r, ref in enumerate((xc0_ref, xc1_ref, xc2_ref)):
        ref[...] = jnp.where(live & (t == r), d * 4 + 3, garb)


def _seg1_body(s4c_hbm, x1_hbm, xc0_hbm, xc1_hbm, xc2_hbm, y_hbm, za_hbm,
               pat_hbm, aout_hbm,
               a_sh, src_v, sidx_v, xc0_v, xc1_v, xc2_v, rows0_v, rows1_v,
               pat0_v, pat1_v, pat2_v, sem0, sem1, semc):
    cid = lax.axis_index("c")
    sid = lax.axis_index("s")
    base = sid * _ST1

    pltpu.sync_copy(za_hbm, a_sh.at[pl.ds(base, _ST1)])
    pltpu.sync_copy(pat_hbm.at[pl.ds(0, _K)], pat0_v)
    pltpu.sync_copy(pat_hbm.at[pl.ds(_K, _K)], pat1_v)
    pltpu.sync_copy(pat_hbm.at[pl.ds(2 * _K, _K)], pat2_v)

    for p in range(4):
        row0 = sid * _NCH1 + p * _PH1
        pltpu.sync_copy(s4c_hbm.at[cid, pl.ds(row0, _PH1)], src_v)
        pltpu.sync_copy(x1_hbm.at[pl.ds(row0, _PH1)], sidx_v)
        pltpu.sync_copy(xc0_hbm.at[pl.ds(row0, _PH1)], xc0_v)
        pltpu.sync_copy(xc1_hbm.at[pl.ds(row0, _PH1)], xc1_v)
        pltpu.sync_copy(xc2_hbm.at[pl.ds(row0, _PH1)], xc2_v)
        if p == 0:
            plsc.subcore_barrier()

        do_counts = cid == p // 2

        def gather(ci, buf, sem):
            pltpu.async_copy(y_hbm.at[src_v.at[ci]], buf, sem)

        def drain_scatter(ci, buf, sem):
            pltpu.make_async_copy(y_hbm.at[src_v.at[ci]], buf, sem).wait()
            pltpu.sync_copy(buf, a_sh.at[sidx_v.at[ci]], add=True)

            @pl.when(do_counts)
            def _():
                pltpu.async_copy(pat0_v, a_sh.at[xc0_v.at[ci]], semc,
                                 add=True)
                pltpu.async_copy(pat1_v, a_sh.at[xc1_v.at[ci]], semc,
                                 add=True)
                pltpu.async_copy(pat2_v, a_sh.at[xc2_v.at[ci]], semc,
                                 add=True)

        gather(0, rows0_v, sem0)

        def pair(g, _):
            c0 = 2 * g
            gather(c0 + 1, rows1_v, sem1)
            drain_scatter(c0, rows0_v, sem0)

            @pl.when(c0 + 2 < _PH1)
            def _():
                gather(c0 + 2, rows0_v, sem0)
            drain_scatter(c0 + 1, rows1_v, sem1)
            return 0
        lax.fori_loop(0, _PH1 // 2, pair, 0)

        @pl.when(do_counts)
        def _():
            def drain_c(i, _):
                pltpu.make_async_copy(
                    pat0_v, a_sh.at[xc0_v.at[0]], semc).wait()
                return 0
            lax.fori_loop(0, 3 * _PH1, drain_c, 0)

    plsc.subcore_barrier()
    pltpu.sync_copy(a_sh.at[pl.ds(base, _ST1)],
                    aout_hbm.at[cid, pl.ds(base, _ST1)])


def _seg2_body(s16_hbm, x2_hbm, y_hbm, za_hbm, aout_hbm,
               a_sh, src_v, sidx_v, rows0_v, rows1_v, sem0, sem1):
    cid = lax.axis_index("c")
    sid = lax.axis_index("s")
    wid = sid * 2 + cid
    base = sid * _ST2

    pltpu.sync_copy(za_hbm, a_sh.at[pl.ds(base, _ST2)])
    pltpu.sync_copy(s16_hbm.at[pl.ds(wid * _NCH2, _NCH2)], src_v)
    pltpu.sync_copy(x2_hbm.at[pl.ds(wid * _NCH2, _NCH2)], sidx_v)
    plsc.subcore_barrier()

    def gather(ci, buf, sem):
        pltpu.async_copy(y_hbm.at[src_v.at[ci]], buf, sem)

    def drain_scatter(ci, buf, sem):
        pltpu.make_async_copy(y_hbm.at[src_v.at[ci]], buf, sem).wait()
        pltpu.sync_copy(buf, a_sh.at[sidx_v.at[ci]], add=True)

    gather(0, rows0_v, sem0)

    def pair(g, _):
        c0 = 2 * g
        gather(c0 + 1, rows1_v, sem1)
        drain_scatter(c0, rows0_v, sem0)

        @pl.when(c0 + 2 < _NCH2)
        def _():
            gather(c0 + 2, rows0_v, sem0)
        drain_scatter(c0 + 1, rows1_v, sem1)
        return 0
    lax.fori_loop(0, _NCH2 // 2, pair, 0)

    plsc.subcore_barrier()
    pltpu.sync_copy(a_sh.at[pl.ds(base, _ST2)],
                    aout_hbm.at[cid, pl.ds(base, _ST2)])


@functools.cache
def _get_seg1():
    mesh = plsc.VectorSubcoreMesh(core_axis_name="c", subcore_axis_name="s")
    return pl.kernel(
        _seg1_body,
        out_type=jax.ShapeDtypeStruct((2, _SA1, _HW), jnp.float32),
        mesh=mesh,
        scratch_types=[
            pltpu.VMEM_SHARED((_SA1, _HW), jnp.float32),
            pltpu.VMEM((_PH1, _K), jnp.int32),
            pltpu.VMEM((_PH1, _K), jnp.int32),
            pltpu.VMEM((_PH1, _K), jnp.int32),
            pltpu.VMEM((_PH1, _K), jnp.int32),
            pltpu.VMEM((_PH1, _K), jnp.int32),
            pltpu.VMEM((_K, _HW), jnp.float32),
            pltpu.VMEM((_K, _HW), jnp.float32),
            pltpu.VMEM((_K, _HW), jnp.float32),
            pltpu.VMEM((_K, _HW), jnp.float32),
            pltpu.VMEM((_K, _HW), jnp.float32),
            pltpu.SemaphoreType.DMA,
            pltpu.SemaphoreType.DMA,
            pltpu.SemaphoreType.DMA,
        ],
        compiler_params=_sc_params,
    )


@functools.cache
def _get_seg2():
    mesh = plsc.VectorSubcoreMesh(core_axis_name="c", subcore_axis_name="s")
    return pl.kernel(
        _seg2_body,
        out_type=jax.ShapeDtypeStruct((2, _SA2, _L2W), jnp.float32),
        mesh=mesh,
        scratch_types=[
            pltpu.VMEM_SHARED((_SA2, _L2W), jnp.float32),
            pltpu.VMEM((_NCH2, _K), jnp.int32),
            pltpu.VMEM((_NCH2, _K), jnp.int32),
            pltpu.VMEM((_K, _L2W), jnp.float32),
            pltpu.VMEM((_K, _L2W), jnp.float32),
            pltpu.SemaphoreType.DMA,
            pltpu.SemaphoreType.DMA,
        ],
        compiler_params=_sc_params,
    )


def _comb1_body(y_ref, a_ref, comp_ref, w_ref, b_ref, o_ref):
    acc = y_ref[:, _H:]
    for r in range(_R):
        cnt = (a_ref[0, :, 96 + 8 * r:97 + 8 * r]
               + a_ref[1, :, 96 + 8 * r:97 + 8 * r])
        inv = 1.0 / jnp.maximum(cnt, 1.0)
        s = jnp.concatenate(
            [a_ref[0, :, 32 * r:32 * r + 32], a_ref[1, :, 32 * r:32 * r + 32]],
            axis=1)
        acc = acc + s * (comp_ref[r, 0] * inv)
    h = jnp.maximum(acc, 0.0)
    y2 = (
        jnp.dot(h, w_ref[...], preferred_element_type=jnp.float32,
                precision=lax.Precision.HIGHEST)
        + b_ref[...]
    )
    o_ref[...] = jnp.concatenate(
        [y2, jnp.zeros((_BLK, _D - _W2), jnp.float32)], axis=1)


def _comb2_body(y_ref, a_ref, ac_ref, comp_ref, o_ref):
    acc = y_ref[:, _O:_W2]
    for r in range(_R):
        cnt = (ac_ref[0, :, 96 + 8 * r:97 + 8 * r]
               + ac_ref[1, :, 96 + 8 * r:97 + 8 * r])
        inv = 1.0 / jnp.maximum(cnt, 1.0)
        s = (a_ref[0, :, 16 * r:16 * r + _O]
             + a_ref[1, :, 16 * r:16 * r + _O])
        acc = acc + s * (comp_ref[r, 0] * inv)
    z = acc - jnp.max(acc, axis=1, keepdims=True)
    ez = jnp.exp(z)
    o_ref[...] = ez / jnp.sum(ez, axis=1, keepdims=True)


def kernel(x, edge_index, edge_type, basis1, comp1, root1, bias1,
           basis2, comp2, root2, bias2):
    ei3 = edge_index.astype(jnp.int32).reshape(2, _ER, _K)
    t2 = edge_type.astype(jnp.int32).reshape(_ER, _K)

    erows = _ERP // 10
    s4c, s16, x1, x2, xc0, xc1, xc2 = pl.pallas_call(
        _edge_prep_body,
        grid=(10,),
        in_specs=[
            pl.BlockSpec((2, erows, _K), lambda i: (0, i, 0)),
            pl.BlockSpec((erows, _K), lambda i: (i, 0)),
        ],
        out_specs=[
            pl.BlockSpec((2, erows, _K), lambda i: (0, i, 0)),
        ] + [pl.BlockSpec((erows, _K), lambda i: (i, 0))] * 6,
        out_shape=[
            jax.ShapeDtypeStruct((2, _ERP, _K), jnp.int32),
        ] + [jax.ShapeDtypeStruct((_ERP, _K), jnp.int32)] * 6,
    )(ei3, t2)

    w1cat = jnp.concatenate([basis1[0], root1], axis=1)
    b1cat = jnp.concatenate([jnp.zeros((_H,), jnp.float32), bias1])[None, :]
    y1r = pl.pallas_call(
        _mm_body,
        grid=(10,),
        in_specs=[
            pl.BlockSpec((1000, _D), lambda i: (i, 0)),
            pl.BlockSpec((_D, _D), lambda i: (0, 0)),
            pl.BlockSpec((1, _D), lambda i: (0, 0)),
        ],
        out_specs=pl.BlockSpec((1000, _D), lambda i: (i, 0)),
        out_shape=jax.ShapeDtypeStruct((_N, _D), jnp.float32),
    )(x, w1cat, b1cat)

    za1 = jnp.zeros((_ST1, _HW), jnp.float32)
    lane = jnp.arange(_HW)[None, :]
    rel = (jnp.arange(3 * _K) // _K)[:, None]
    pat = ((lane >= 8 * rel) & (lane < 8 * rel + 8)).astype(jnp.float32)
    a1p = _get_seg1()(s4c, x1, xc0, xc1, xc2,
                      y1r.reshape(4 * _N, _HW), za1, pat)
    a1v = a1p.reshape(2, _SA1 // 4, _D)

    w2cat = jnp.concatenate([basis2[0], root2], axis=1)
    b2cat = jnp.concatenate([jnp.zeros((_O,), jnp.float32), bias2])[None, :]
    y2p = pl.pallas_call(
        _comb1_body,
        grid=(_NB,),
        in_specs=[
            pl.BlockSpec((_BLK, _D), lambda i: (i, 0)),
            pl.BlockSpec((2, _BLK, _D), lambda i: (0, i, 0)),
            pl.BlockSpec((_R, 1), lambda i: (0, 0)),
            pl.BlockSpec((_H, _W2), lambda i: (0, 0)),
            pl.BlockSpec((1, _W2), lambda i: (0, 0)),
        ],
        out_specs=pl.BlockSpec((_BLK, _D), lambda i: (i, 0)),
        out_shape=jax.ShapeDtypeStruct((_N, _D), jnp.float32),
    )(y1r, a1v, comp1, w2cat, b2cat)

    za2 = jnp.zeros((_ST2, _L2W), jnp.float32)
    a2p = _get_seg2()(s16, x2, y2p.reshape(8 * _N, _L2W), za2)
    a2v = a2p.reshape(2, _SA2 // 8, _D)

    out = pl.pallas_call(
        _comb2_body,
        grid=(_NB,),
        in_specs=[
            pl.BlockSpec((_BLK, _D), lambda i: (i, 0)),
            pl.BlockSpec((2, _BLK, _D), lambda i: (0, i, 0)),
            pl.BlockSpec((2, _BLK, _D), lambda i: (0, i, 0)),
            pl.BlockSpec((_R, 1), lambda i: (0, 0)),
        ],
        out_specs=pl.BlockSpec((_BLK, _O), lambda i: (i, 0)),
        out_shape=jax.ShapeDtypeStruct((_N, _O), jnp.float32),
    )(y2p, a2v, a1v, comp2)

    return out

# --- scband reference (transcript-rebuilt; emitter-appended) ---
"""Pipeline reference for scband-rgcn-net-52965536694389 (READ-ONLY COPY).

The authoritative reference and input builder live on the scoring server;
editing this copy changes nothing except your own understanding.
"""

import jax, jax.numpy as jnp
import numpy as np

N = 10000
E = 320000
D = 128
H = 64
O = 4
R = 3

def _rgcn_layer(x, edge_index, edge_type, basis, comp, root, bias):
    # basis-decomposition: W_r = sum_b comp[r,b] * basis[b]  (num_bases=1)
    W = jnp.einsum('rb,bio->rio', comp, basis)          # [R, in, out]
    xw = jnp.einsum('ni,rio->rno', x, W)                # [R, N, out]
    src = edge_index[0]
    dst = edge_index[1]
    msgs = xw[edge_type, src]                           # [E, out] gather
    out = x @ root + bias                               # self-loop / root weight
    for r in range(R):
        m = (edge_type == r).astype(x.dtype)[:, None]
        s = jax.ops.segment_sum(msgs * m, dst, num_segments=x.shape[0])
        c = jax.ops.segment_sum(m, dst, num_segments=x.shape[0])
        out = out + s / jnp.maximum(c, 1.0)             # mean aggregation per relation
    return out

def setup_inputs(seed: int = 0):
    key = jax.random.key(seed)
    ks = jax.random.split(key, 12)
    x = jax.random.normal(ks[0], (N, D), dtype=jnp.float32)
    edge_index = jax.random.randint(ks[1], (2, E), 0, N)
    edge_type = jax.random.randint(ks[2], (E,), 0, R)
    basis1 = jax.random.normal(ks[3], (1, D, H), dtype=jnp.float32) * 0.05
    comp1 = jax.random.normal(ks[4], (R, 1), dtype=jnp.float32) * 0.5
    root1 = jax.random.normal(ks[5], (D, H), dtype=jnp.float32) * 0.05
    bias1 = jnp.zeros((H,), jnp.float32)
    basis2 = jax.random.normal(ks[6], (1, H, O), dtype=jnp.float32) * 0.05
    comp2 = jax.random.normal(ks[7], (R, 1), dtype=jnp.float32) * 0.5
    root2 = jax.random.normal(ks[8], (H, O), dtype=jnp.float32) * 0.05
    bias2 = jnp.zeros((O,), jnp.float32)
    return {"x": x, "edge_index": edge_index, "edge_type": edge_type,
            "basis1": basis1, "comp1": comp1, "root1": root1, "bias1": bias1,
            "basis2": basis2, "comp2": comp2, "root2": root2, "bias2": bias2}

def reference(x, edge_index, edge_type, basis1, comp1, root1, bias1, basis2, comp2, root2, bias2):
    h = jax.nn.relu(_rgcn_layer(x, edge_index, edge_type, basis1, comp1, root1, bias1))
    # dropout is identity in eval/deterministic mode
    z = _rgcn_layer(h, edge_index, edge_type, basis2, comp2, root2, bias2)
    return jax.nn.softmax(z, axis=1)

if __name__ == "__main__":
    import jax
    _d = setup_inputs()
    print(jax.jit(kernel)(*tuple(_d.values())))

</pallas_src>

<mosaic_0001>
#map = affine_map<(d0, d1) -> (0, 0, 0)>
#map1 = affine_map<(d0, d1) -> (0, 0)>
module attributes {stable_mosaic.version = 14 : i64} {
  func.func @_seg1_body(%arg0: i32, %arg1: i32, %arg2: memref<2x2560x128xi32, #tpu.memory_space<hbm>>, %arg3: memref<2560x128xi32, #tpu.memory_space<hbm>>, %arg4: memref<2560x128xi32, #tpu.memory_space<hbm>>, %arg5: memref<2560x128xi32, #tpu.memory_space<hbm>>, %arg6: memref<2560x128xi32, #tpu.memory_space<hbm>>, %arg7: memref<40000x32xf32, #tpu.memory_space<hbm>>, %arg8: memref<2568x32xf32, #tpu.memory_space<hbm>>, %arg9: memref<384x32xf32, #tpu.memory_space<hbm>>, %arg10: memref<2x41088x32xf32, #tpu.memory_space<hbm>>, %arg11: memref<41088x32xf32, #tpu.memory_space<vmem_shared>>, %arg12: memref<40x128xi32, #tpu.memory_space<vmem>>, %arg13: memref<40x128xi32, #tpu.memory_space<vmem>>, %arg14: memref<40x128xi32, #tpu.memory_space<vmem>>, %arg15: memref<40x128xi32, #tpu.memory_space<vmem>>, %arg16: memref<40x128xi32, #tpu.memory_space<vmem>>, %arg17: memref<128x32xf32, #tpu.memory_space<vmem>>, %arg18: memref<128x32xf32, #tpu.memory_space<vmem>>, %arg19: memref<128x32xf32, #tpu.memory_space<vmem>>, %arg20: memref<128x32xf32, #tpu.memory_space<vmem>>, %arg21: memref<128x32xf32, #tpu.memory_space<vmem>>, %arg22: memref<!tpu.dma_semaphore, #tpu.memory_space<semaphore_mem>>, %arg23: memref<!tpu.dma_semaphore, #tpu.memory_space<semaphore_mem>>, %arg24: memref<!tpu.dma_semaphore, #tpu.memory_space<semaphore_mem>>) attributes {dimension_semantics = [#tpu.dimension_semantics<core_parallel>, #tpu.dimension_semantics<subcore_parallel>], iteration_bounds = array<i64: 2, 16>, scalar_prefetch = 0 : i64, scratch_operands = 14 : i64, tpu.core_type = #tpu.core_type<sc_vector_subcore>, window_params = [{transform_indices = #map}, {transform_indices = #map1}, {transform_indices = #map1}, {transform_indices = #map1}, {transform_indices = #map1}, {transform_indices = #map1}, {transform_indices = #map1}, {transform_indices = #map1}, {transform_indices = #map}]} {
    %mul3A = arith.constant 2568 : i32
    %mul3A_0 = arith.muli %arg1, %mul3A : i32
    "tpu.region"() ({
      %run_scoped3A = tpu.sem_alloc : memref<!tpu.dma_semaphore, #tpu.memory_space<semaphore_mem>>
      %dma_start3A_88 = arith.constant 0 : i32
      %dma_start3A_89 = tpu.memref_slice %arg11[%mul3A_0, %dma_start3A_88] : memref<41088x32xf32, #tpu.memory_space<vmem_shared>> -> memref<2568x32xf32, #tpu.memory_space<vmem_shared>>
      tpu.enqueue_dma source(%arg8 : memref<2568x32xf32, #tpu.memory_space<hbm>>) target(%dma_start3A_89 : memref<2568x32xf32, #tpu.memory_space<vmem_shared>>) target_semaphore(%run_scoped3A : memref<!tpu.dma_semaphore, #tpu.memory_space<semaphore_mem>>)
      %dma_wait3A = arith.constant 0 : i32
      %dma_wait3A_90 = tpu.memref_slice %arg11[%mul3A_0, %dma_wait3A] : memref<41088x32xf32, #tpu.memory_space<vmem_shared>> -> memref<2568x32xf32, #tpu.memory_space<vmem_shared>>
      tpu.wait_dma2 semaphore(%run_scoped3A : memref<!tpu.dma_semaphore, #tpu.memory_space<semaphore_mem>>) src(%arg8 : memref<2568x32xf32, #tpu.memory_space<hbm>>) dst(%dma_wait3A_90 : memref<2568x32xf32, #tpu.memory_space<vmem_shared>>)
      tpu.yield
    }) : () -> ()
    "tpu.region"() ({
      %run_scoped3A = tpu.sem_alloc : memref<!tpu.dma_semaphore, #tpu.memory_space<semaphore_mem>>
      %dma_start3A_88 = arith.constant 0 : i32
      %dma_start3A_89 = arith.constant 0 : i32
      %dma_start3A_90 = tpu.memref_slice %arg9[%dma_start3A_88, %dma_start3A_89] : memref<384x32xf32, #tpu.memory_space<hbm>> -> memref<128x32xf32, #tpu.memory_space<hbm>>
      %dma_start3A_91 = arith.constant 0 : i32
      %dma_start3A_92 = arith.constant 0 : i32
      %dma_start3A_93 = tpu.memref_slice %arg9[%dma_start3A_91, %dma_start3A_92] : memref<384x32xf32, #tpu.memory_space<hbm>> -> memref<128x32xf32, #tpu.memory_space<hbm>>
      tpu.enqueue_dma source(%dma_start3A_93 : memref<128x32xf32, #tpu.memory_space<hbm>>) target(%arg19 : memref<128x32xf32, #tpu.memory_space<vmem>>) target_semaphore(%run_scoped3A : memref<!tpu.dma_semaphore, #tpu.memory_space<semaphore_mem>>)
      %dma_wait3A = arith.constant 0 : i32
      %dma_wait3A_94 = arith.constant 0 : i32
      %dma_wait3A_95 = tpu.memref_slice %arg9[%dma_wait3A, %dma_wait3A_94] : memref<384x32xf32, #tpu.memory_space<hbm>> -> memref<128x32xf32, #tpu.memory_space<hbm>>
      %dma_wait3A_96 = arith.constant 0 : i32
      %dma_wait3A_97 = arith.constant 0 : i32
      %dma_wait3A_98 = tpu.memref_slice %arg9[%dma_wait3A_96, %dma_wait3A_97] : memref<384x32xf32, #tpu.memory_space<hbm>> -> memref<128x32xf32, #tpu.memory_space<hbm>>
      tpu.wait_dma2 semaphore(%run_scoped3A : memref<!tpu.dma_semaphore, #tpu.memory_space<semaphore_mem>>) src(%dma_wait3A_98 : memref<128x32xf32, #tpu.memory_space<hbm>>) dst(%arg19 : memref<128x32xf32, #tpu.memory_space<vmem>>)
      tpu.yield
    }) : () -> ()
    "tpu.region"() ({
      %run_scoped3A = tpu.sem_alloc : memref<!tpu.dma_semaphore, #tpu.memory_space<semaphore_mem>>
      %dma_start3A_88 = arith.constant 128 : i32
      %dma_start3A_89 = arith.constant 0 : i32
      %dma_start3A_90 = tpu.memref_slice %arg9[%dma_start3A_88, %dma_start3A_89] : memref<384x32xf32, #tpu.memory_space<hbm>> -> memref<128x32xf32, #tpu.memory_space<hbm>>
      %dma_start3A_91 = arith.constant 128 : i32
      %dma_start3A_92 = arith.constant 0 : i32
      %dma_start3A_93 = tpu.memref_slice %arg9[%dma_start3A_91, %dma_start3A_92] : memref<384x32xf32, #tpu.memory_space<hbm>> -> memref<128x32xf32, #tpu.memory_space<hbm>>
      tpu.enqueue_dma source(%dma_start3A_93 : memref<128x32xf32, #tpu.memory_space<hbm>>) target(%arg20 : memref<128x32xf32, #tpu.memory_space<vmem>>) target_semaphore(%run_scoped3A : memref<!tpu.dma_semaphore, #tpu.memory_space<semaphore_mem>>)
      %dma_wait3A = arith.constant 128 : i32
      %dma_wait3A_94 = arith.constant 0 : i32
      %dma_wait3A_95 = tpu.memref_slice %arg9[%dma_wait3A, %dma_wait3A_94] : memref<384x32xf32, #tpu.memory_space<hbm>> -> memref<128x32xf32, #tpu.memory_space<hbm>>
      %dma_wait3A_96 = arith.constant 128 : i32
      %dma_wait3A_97 = arith.constant 0 : i32
      %dma_wait3A_98 = tpu.memref_slice %arg9[%dma_wait3A_96, %dma_wait3A_97] : memref<384x32xf32, #tpu.memory_space<hbm>> -> memref<128x32xf32, #tpu.memory_space<hbm>>
      tpu.wait_dma2 semaphore(%run_scoped3A : memref<!tpu.dma_semaphore, #tpu.memory_space<semaphore_mem>>) src(%dma_wait3A_98 : memref<128x32xf32, #tpu.memory_space<hbm>>) dst(%arg20 : memref<128x32xf32, #tpu.memory_space<vmem>>)
      tpu.yield
    }) : () -> ()
    "tpu.region"() ({
      %run_scoped3A = tpu.sem_alloc : memref<!tpu.dma_semaphore, #tpu.memory_space<semaphore_mem>>
      %dma_start3A_88 = arith.constant 256 : i32
      %dma_start3A_89 = arith.constant 0 : i32
      %dma_start3A_90 = tpu.memref_slice %arg9[%dma_start3A_88, %dma_start3A_89] : memref<384x32xf32, #tpu.memory_space<hbm>> -> memref<128x32xf32, #tpu.memory_space<hbm>>
      %dma_start3A_91 = arith.constant 256 : i32
      %dma_start3A_92 = arith.constant 0 : i32
      %dma_start3A_93 = tpu.memref_slice %arg9[%dma_start3A_91, %dma_start3A_92] : memref<384x32xf32, #tpu.memory_space<hbm>> -> memref<128x32xf32, #tpu.memory_space<hbm>>
      tpu.enqueue_dma source(%dma_start3A_93 : memref<128x32xf32, #tpu.memory_space<hbm>>) target(%arg21 : memref<128x32xf32, #tpu.memory_space<vmem>>) target_semaphore(%run_scoped3A : memref<!tpu.dma_semaphore, #tpu.memory_space<semaphore_mem>>)
      %dma_wait3A = arith.constant 256 : i32
      %dma_wait3A_94 = arith.constant 0 : i32
      %dma_wait3A_95 = tpu.memref_slice %arg9[%dma_wait3A, %dma_wait3A_94] : memref<384x32xf32, #tpu.memory_space<hbm>> -> memref<128x32xf32, #tpu.memory_space<hbm>>
      %dma_wait3A_96 = arith.constant 256 : i32
      %dma_wait3A_97 = arith.constant 0 : i32
      %dma_wait3A_98 = tpu.memref_slice %arg9[%dma_wait3A_96, %dma_wait3A_97] : memref<384x32xf32, #tpu.memory_space<hbm>> -> memref<128x32xf32, #tpu.memory_space<hbm>>
      tpu.wait_dma2 semaphore(%run_scoped3A : memref<!tpu.dma_semaphore, #tpu.memory_space<semaphore_mem>>) src(%dma_wait3A_98 : memref<128x32xf32, #tpu.memory_space<hbm>>) dst(%arg21 : memref<128x32xf32, #tpu.memory_space<vmem>>)
      tpu.yield
    }) : () -> ()
    %mul3A_1 = arith.constant 160 : i32
    %mul3A_2 = arith.muli %arg1, %mul3A_1 : i32
    %add3A = arith.constant 0 : i32
    %add3A_3 = arith.addi %mul3A_2, %add3A : i32
    "tpu.region"() ({
      %run_scoped3A = tpu.sem_alloc : memref<!tpu.dma_semaphore, #tpu.memory_space<semaphore_mem>>
      %dma_start3A_88 = arith.constant 0 : i32
      %dma_start3A_89 = tpu.memref_slice %arg2[%arg0, %add3A_3, %dma_start3A_88] : memref<2x2560x128xi32, #tpu.memory_space<hbm>> -> memref<1x40x128xi32, #tpu.memory_space<hbm>>
      %dma_start3A_90 = tpu.memref_squeeze %dma_start3A_89 : memref<1x40x128xi32, #tpu.memory_space<hbm>> -> memref<40x128xi32, #tpu.memory_space<hbm>>
      %dma_start3A_91 = arith.constant 0 : i32
      %dma_start3A_92 = tpu.memref_slice %arg2[%arg0, %add3A_3, %dma_start3A_91] : memref<2x2560x128xi32, #tpu.memory_space<hbm>> -> memref<1x40x128xi32, #tpu.memory_space<hbm>>
      %dma_start3A_93 = tpu.memref_squeeze %dma_start3A_92 : memref<1x40x128xi32, #tpu.memory_space<hbm>> -> memref<40x128xi32, #tpu.memory_space<hbm>>
      tpu.enqueue_dma source(%dma_start3A_93 : memref<40x128xi32, #tpu.memory_space<hbm>>) target(%arg12 : memref<40x128xi32, #tpu.memory_space<vmem>>) target_semaphore(%run_scoped3A : memref<!tpu.dma_semaphore, #tpu.memory_space<semaphore_mem>>)
      %dma_wait3A = arith.constant 0 : i32
      %dma_wait3A_94 = tpu.memref_slice %arg2[%arg0, %add3A_3, %dma_wait3A] : memref<2x2560x128xi32, #tpu.memory_space<hbm>> -> memref<1x40x128xi32, #tpu.memory_space<hbm>>
      %dma_wait3A_95 = tpu.memref_squeeze %dma_wait3A_94 : memref<1x40x128xi32, #tpu.memory_space<hbm>> -> memref<40x128xi32, #tpu.memory_space<hbm>>
      %dma_wait3A_96 = arith.constant 0 : i32
      %dma_wait3A_97 = tpu.memref_slice %arg2[%arg0, %add3A_3, %dma_wait3A_96] : memref<2x2560x128xi32, #tpu.memory_space<hbm>> -> memref<1x40x128xi32, #tpu.memory_space<hbm>>
      %dma_wait3A_98 = tpu.memref_squeeze %dma_wait3A_97 : memref<1x40x128xi32, #tpu.memory_space<hbm>> -> memref<40x128xi32, #tpu.memory_space<hbm>>
      tpu.wait_dma2 semaphore(%run_scoped3A : memref<!tpu.dma_semaphore, #tpu.memory_space<semaphore_mem>>) src(%dma_wait3A_98 : memref<40x128xi32, #tpu.memory_space<hbm>>) dst(%arg12 : memref<40x128xi32, #tpu.memory_space<vmem>>)
      tpu.yield
    }) : () -> ()
    "tpu.region"() ({
      %run_scoped3A = tpu.sem_alloc : memref<!tpu.dma_semaphore, #tpu.memory_space<semaphore_mem>>
      %dma_start3A_88 = arith.constant 0 : i32
      %dma_start3A_89 = tpu.memref_slice %arg3[%add3A_3, %dma_start3A_88] : memref<2560x128xi32, #tpu.memory_space<hbm>> -> memref<40x128xi32, #tpu.memory_space<hbm>>
      %dma_start3A_90 = arith.constant 0 : i32
      %dma_start3A_91 = tpu.memref_slice %arg3[%add3A_3, %dma_start3A_90] : memref<2560x128xi32, #tpu.memory_space<hbm>> -> memref<40x128xi32, #tpu.memory_space<hbm>>
      tpu.enqueue_dma source(%dma_start3A_91 : memref<40x128xi32, #tpu.memory_space<hbm>>) target(%arg13 : memref<40x128xi32, #tpu.memory_space<vmem>>) target_semaphore(%run_scoped3A : memref<!tpu.dma_semaphore, #tpu.memory_space<semaphore_mem>>)
      %dma_wait3A = arith.constant 0 : i32
      %dma_wait3A_92 = tpu.memref_slice %arg3[%add3A_3, %dma_wait3A] : memref<2560x128xi32, #tpu.memory_space<hbm>> -> memref<40x128xi32, #tpu.memory_space<hbm>>
      %dma_wait3A_93 = arith.constant 0 : i32
      %dma_wait3A_94 = tpu.memref_slice %arg3[%add3A_3, %dma_wait3A_93] : memref<2560x128xi32, #tpu.memory_space<hbm>> -> memref<40x128xi32, #tpu.memory_space<hbm>>
      tpu.wait_dma2 semaphore(%run_scoped3A : memref<!tpu.dma_semaphore, #tpu.memory_space<semaphore_mem>>) src(%dma_wait3A_94 : memref<40x128xi32, #tpu.memory_space<hbm>>) dst(%arg13 : memref<40x128xi32, #tpu.memory_space<vmem>>)
      tpu.yield
    }) : () -> ()
    "tpu.region"() ({
      %run_scoped3A = tpu.sem_alloc : memref<!tpu.dma_semaphore, #tpu.memory_space<semaphore_mem>>
      %dma_start3A_88 = arith.constant 0 : i32
      %dma_start3A_89 = tpu.memref_slice %arg4[%add3A_3, %dma_start3A_88] : memref<2560x128xi32, #tpu.memory_space<hbm>> -> memref<40x128xi32, #tpu.memory_space<hbm>>
      %dma_start3A_90 = arith.constant 0 : i32
      %dma_start3A_91 = tpu.memref_slice %arg4[%add3A_3, %dma_start3A_90] : memref<2560x128xi32, #tpu.memory_space<hbm>> -> memref<40x128xi32, #tpu.memory_space<hbm>>
      tpu.enqueue_dma source(%dma_start3A_91 : memref<40x128xi32, #tpu.memory_space<hbm>>) target(%arg14 : memref<40x128xi32, #tpu.memory_space<vmem>>) target_semaphore(%run_scoped3A : memref<!tpu.dma_semaphore, #tpu.memory_space<semaphore_mem>>)
      %dma_wait3A = arith.constant 0 : i32
      %dma_wait3A_92 = tpu.memref_slice %arg4[%add3A_3, %dma_wait3A] : memref<2560x128xi32, #tpu.memory_space<hbm>> -> memref<40x128xi32, #tpu.memory_space<hbm>>
      %dma_wait3A_93 = arith.constant 0 : i32
      %dma_wait3A_94 = tpu.memref_slice %arg4[%add3A_3, %dma_wait3A_93] : memref<2560x128xi32, #tpu.memory_space<hbm>> -> memref<40x128xi32, #tpu.memory_space<hbm>>
      tpu.wait_dma2 semaphore(%run_scoped3A : memref<!tpu.dma_semaphore, #tpu.memory_space<semaphore_mem>>) src(%dma_wait3A_94 : memref<40x128xi32, #tpu.memory_space<hbm>>) dst(%arg14 : memref<40x128xi32, #tpu.memory_space<vmem>>)
      tpu.yield
    }) : () -> ()
    "tpu.region"() ({
      %run_scoped3A = tpu.sem_alloc : memref<!tpu.dma_semaphore, #tpu.memory_space<semaphore_mem>>
      %dma_start3A_88 = arith.constant 0 : i32
      %dma_start3A_89 = tpu.memref_slice %arg5[%add3A_3, %dma_start3A_88] : memref<2560x128xi32, #tpu.memory_space<hbm>> -> memref<40x128xi32, #tpu.memory_space<hbm>>
      %dma_start3A_90 = arith.constant 0 : i32
      %dma_start3A_91 = tpu.memref_slice %arg5[%add3A_3, %dma_start3A_90] : memref<2560x128xi32, #tpu.memory_space<hbm>> -> memref<40x128xi32, #tpu.memory_space<hbm>>
      tpu.enqueue_dma source(%dma_start3A_91 : memref<40x128xi32, #tpu.memory_space<hbm>>) target(%arg15 : memref<40x128xi32, #tpu.memory_space<vmem>>) target_semaphore(%run_scoped3A : memref<!tpu.dma_semaphore, #tpu.memory_space<semaphore_mem>>)
      %dma_wait3A = arith.constant 0 : i32
      %dma_wait3A_92 = tpu.memref_slice %arg5[%add3A_3, %dma_wait3A] : memref<2560x128xi32, #tpu.memory_space<hbm>> -> memref<40x128xi32, #tpu.memory_space<hbm>>
      %dma_wait3A_93 = arith.constant 0 : i32
      %dma_wait3A_94 = tpu.memref_slice %arg5[%add3A_3, %dma_wait3A_93] : memref<2560x128xi32, #tpu.memory_space<hbm>> -> memref<40x128xi32, #tpu.memory_space<hbm>>
      tpu.wait_dma2 semaphore(%run_scoped3A : memref<!tpu.dma_semaphore, #tpu.memory_space<semaphore_mem>>) src(%dma_wait3A_94 : memref<40x128xi32, #tpu.memory_space<hbm>>) dst(%arg15 : memref<40x128xi32, #tpu.memory_space<vmem>>)
      tpu.yield
    }) : () -> ()
    "tpu.region"() ({
      %run_scoped3A = tpu.sem_alloc : memref<!tpu.dma_semaphore, #tpu.memory_space<semaphore_mem>>
      %dma_start3A_88 = arith.constant 0 : i32
      %dma_start3A_89 = tpu.memref_slice %arg6[%add3A_3, %dma_start3A_88] : memref<2560x128xi32, #tpu.memory_space<hbm>> -> memref<40x128xi32, #tpu.memory_space<hbm>>
      %dma_start3A_90 = arith.constant 0 : i32
      %dma_start3A_91 = tpu.memref_slice %arg6[%add3A_3, %dma_start3A_90] : memref<2560x128xi32, #tpu.memory_space<hbm>> -> memref<40x128xi32, #tpu.memory_space<hbm>>
      tpu.enqueue_dma source(%dma_start3A_91 : memref<40x128xi32, #tpu.memory_space<hbm>>) target(%arg16 : memref<40x128xi32, #tpu.memory_space<vmem>>) target_semaphore(%run_scoped3A : memref<!tpu.dma_semaphore, #tpu.memory_space<semaphore_mem>>)
      %dma_wait3A = arith.constant 0 : i32
      %dma_wait3A_92 = tpu.memref_slice %arg6[%add3A_3, %dma_wait3A] : memref<2560x128xi32, #tpu.memory_space<hbm>> -> memref<40x128xi32, #tpu.memory_space<hbm>>
      %dma_wait3A_93 = arith.constant 0 : i32
      %dma_wait3A_94 = tpu.memref_slice %arg6[%add3A_3, %dma_wait3A_93] : memref<2560x128xi32, #tpu.memory_space<hbm>> -> memref<40x128xi32, #tpu.memory_space<hbm>>
      tpu.wait_dma2 semaphore(%run_scoped3A : memref<!tpu.dma_semaphore, #tpu.memory_space<semaphore_mem>>) src(%dma_wait3A_94 : memref<40x128xi32, #tpu.memory_space<hbm>>) dst(%arg16 : memref<40x128xi32, #tpu.memory_space<vmem>>)
      tpu.yield
    }) : () -> ()
    %barrier3A = arith.constant 0 : index
    tpu.barrier barrier_id(%barrier3A)
    %eq3A = arith.constant 0 : i32
    %eq3A_4 = arith.cmpi eq, %arg0, %eq3A : i32
    %dma_start3A = arith.constant 0 : i32
    %dma_start3A_5 = arith.constant 0 : i32
    %dma_start3A_6 = tpu.memref_slice %arg12[%dma_start3A, %dma_start3A_5] : memref<40x128xi32, #tpu.memory_space<vmem>> -> memref<1x128xi32, #tpu.memory_space<vmem>>
    %dma_start3A_7 = tpu.memref_squeeze %dma_start3A_6 : memref<1x128xi32, #tpu.memory_space<vmem>> -> memref<128xi32, #tpu.memory_space<vmem>>
    %dma_start3A_8 = arith.constant 0 : i32
    %dma_start3A_9 = arith.constant 0 : i32
    %dma_start3A_10 = tpu.memref_slice %arg7[%dma_start3A_8, %dma_start3A_9] : memref<40000x32xf32, #tpu.memory_space<hbm>> -> memref<40000x32xf32, #tpu.memory_space<hbm>>
    tpu.enqueue_indirect_dma source(%dma_start3A_10 : memref<40000x32xf32, #tpu.memory_space<hbm>>) target(%arg17 : memref<128x32xf32, #tpu.memory_space<vmem>>) offsets(%dma_start3A_7 : memref<128xi32, #tpu.memory_space<vmem>>) semaphore(%arg22 : memref<!tpu.dma_semaphore, #tpu.memory_space<semaphore_mem>>)
    %scan3A = arith.constant 0 : i32
    %scan3A_11 = arith.constant 0 : i32
    %scan3A_12 = arith.constant 20 : i32
    %scan3A_13 = arith.addi %scan3A_11, %scan3A_12 : i32
    %scan3A_14 = arith.constant 1 : i32
    %scan3A_15 = scf.for %scan3A_88 = %scan3A_11 to %scan3A_13 step %scan3A_14 iter_args(%scan3A_89 = %scan3A) -> (i32)  : i32 {
      %mul3A_90 = arith.constant 2 : i32
      %mul3A_91 = arith.muli %mul3A_90, %scan3A_88 : i32
      %add3A_92 = arith.constant 1 : i32
      %add3A_93 = arith.addi %mul3A_91, %add3A_92 : i32
      %dma_start3A_94 = arith.constant 0 : i32
      %dma_start3A_95 = tpu.memref_slice %arg12[%add3A_93, %dma_start3A_94] : memref<40x128xi32, #tpu.memory_space<vmem>> -> memref<1x128xi32, #tpu.memory_space<vmem>>
      %dma_start3A_96 = tpu.memref_squeeze %dma_start3A_95 : memref<1x128xi32, #tpu.memory_space<vmem>> -> memref<128xi32, #tpu.memory_space<vmem>>
      %dma_start3A_97 = arith.constant 0 : i32
      %dma_start3A_98 = arith.constant 0 : i32
      %dma_start3A_99 = tpu.memref_slice %arg7[%dma_start3A_97, %dma_start3A_98] : memref<40000x32xf32, #tpu.memory_space<hbm>> -> memref<40000x32xf32, #tpu.memory_space<hbm>>
      tpu.enqueue_indirect_dma source(%dma_start3A_99 : memref<40000x32xf32, #tpu.memory_space<hbm>>) target(%arg18 : memref<128x32xf32, #tpu.memory_space<vmem>>) offsets(%dma_start3A_96 : memref<128xi32, #tpu.memory_space<vmem>>) semaphore(%arg23 : memref<!tpu.dma_semaphore, #tpu.memory_space<semaphore_mem>>)
      %dma_wait3A = arith.constant 0 : i32
      %dma_wait3A_100 = tpu.memref_slice %arg12[%mul3A_91, %dma_wait3A] : memref<40x128xi32, #tpu.memory_space<vmem>> -> memref<1x128xi32, #tpu.memory_space<vmem>>
      %dma_wait3A_101 = tpu.memref_squeeze %dma_wait3A_100 : memref<1x128xi32, #tpu.memory_space<vmem>> -> memref<128xi32, #tpu.memory_space<vmem>>
      %dma_wait3A_102 = arith.constant 0 : i32
      %dma_wait3A_103 = arith.constant 0 : i32
      %dma_wait3A_104 = tpu.memref_slice %arg7[%dma_wait3A_102, %dma_wait3A_103] : memref<40000x32xf32, #tpu.memory_space<hbm>> -> memref<40000x32xf32, #tpu.memory_space<hbm>>
      tpu.wait_indirect_dma semaphore(%arg22 : memref<!tpu.dma_semaphore, #tpu.memory_space<semaphore_mem>>) src(%dma_wait3A_104 : memref<40000x32xf32, #tpu.memory_space<hbm>>) dst(%arg17 : memref<128x32xf32, #tpu.memory_space<vmem>>)
      "tpu.region"() ({
        %run_scoped3A = tpu.sem_alloc : memref<!tpu.dma_semaphore, #tpu.memory_space<semaphore_mem>>
        %dma_start3A_126 = arith.constant 0 : i32
        %dma_start3A_127 = tpu.memref_slice %arg13[%mul3A_91, %dma_start3A_126] : memref<40x128xi32, #tpu.memory_space<vmem>> -> memref<1x128xi32, #tpu.memory_space<vmem>>
        %dma_start3A_128 = tpu.memref_squeeze %dma_start3A_127 : memref<1x128xi32, #tpu.memory_space<vmem>> -> memref<128xi32, #tpu.memory_space<vmem>>
        %dma_start3A_129 = arith.constant 0 : i32
        %dma_start3A_130 = arith.constant 0 : i32
        %dma_start3A_131 = tpu.memref_slice %arg11[%dma_start3A_129, %dma_start3A_130] : memref<41088x32xf32, #tpu.memory_space<vmem_shared>> -> memref<41088x32xf32, #tpu.memory_space<vmem_shared>>
        tpu.enqueue_indirect_dma source(%arg17 : memref<128x32xf32, #tpu.memory_space<vmem>>) target(%dma_start3A_131 : memref<41088x32xf32, #tpu.memory_space<vmem_shared>>) offsets(%dma_start3A_128 : memref<128xi32, #tpu.memory_space<vmem>>) semaphore(%run_scoped3A : memref<!tpu.dma_semaphore, #tpu.memory_space<semaphore_mem>>) {add = true}
        %dma_wait3A_132 = arith.constant 0 : i32
        %dma_wait3A_133 = tpu.memref_slice %arg13[%mul3A_91, %dma_wait3A_132] : memref<40x128xi32, #tpu.memory_space<vmem>> -> memref<1x128xi32, #tpu.memory_space<vmem>>
        %dma_wait3A_134 = tpu.memref_squeeze %dma_wait3A_133 : memref<1x128xi32, #tpu.memory_space<vmem>> -> memref<128xi32, #tpu.memory_space<vmem>>
        %dma_wait3A_135 = arith.constant 0 : i32
        %dma_wait3A_136 = arith.constant 0 : i32
        %dma_wait3A_137 = tpu.memref_slice %arg11[%dma_wait3A_135, %dma_wait3A_136] : memref<41088x32xf32, #tpu.memory_space<vmem_shared>> -> memref<41088x32xf32, #tpu.memory_space<vmem_shared>>
        tpu.wait_indirect_dma semaphore(%run_scoped3A : memref<!tpu.dma_semaphore, #tpu.memory_space<semaphore_mem>>) src(%arg17 : memref<128x32xf32, #tpu.memory_space<vmem>>) dst(%dma_wait3A_137 : memref<41088x32xf32, #tpu.memory_space<vmem_shared>>)
        tpu.yield
      }) : () -> ()
      %convert_element_type3A_105 = arith.extui %eq3A_4 : i1 to i32
      %cond3A_106 = arith.constant 0 : i32
      %cond3A_107 = arith.cmpi ne, %convert_element_type3A_105, %cond3A_106 : i32
      scf.if %cond3A_107 {
        %dma_start3A_126 = arith.constant 0 : i32
        %dma_start3A_127 = tpu.memref_slice %arg14[%mul3A_91, %dma_start3A_126] : memref<40x128xi32, #tpu.memory_space<vmem>> -> memref<1x128xi32, #tpu.memory_space<vmem>>
        %dma_start3A_128 = tpu.memref_squeeze %dma_start3A_127 : memref<1x128xi32, #tpu.memory_space<vmem>> -> memref<128xi32, #tpu.memory_space<vmem>>
        %dma_start3A_129 = arith.constant 0 : i32
        %dma_start3A_130 = arith.constant 0 : i32
        %dma_start3A_131 = tpu.memref_slice %arg11[%dma_start3A_129, %dma_start3A_130] : memref<41088x32xf32, #tpu.memory_space<vmem_shared>> -> memref<41088x32xf32, #tpu.memory_space<vmem_shared>>
        tpu.enqueue_indirect_dma source(%arg19 : memref<128x32xf32, #tpu.memory_space<vmem>>) target(%dma_start3A_131 : memref<41088x32xf32, #tpu.memory_space<vmem_shared>>) offsets(%dma_start3A_128 : memref<128xi32, #tpu.memory_space<vmem>>) semaphore(%arg24 : memref<!tpu.dma_semaphore, #tpu.memory_space<semaphore_mem>>) {add = true}
        %dma_start3A_132 = arith.constant 0 : i32
        %dma_start3A_133 = tpu.memref_slice %arg15[%mul3A_91, %dma_start3A_132] : memref<40x128xi32, #tpu.memory_space<vmem>> -> memref<1x128xi32, #tpu.memory_space<vmem>>
        %dma_start3A_134 = tpu.memref_squeeze %dma_start3A_133 : memref<1x128xi32, #tpu.memory_space<vmem>> -> memref<128xi32, #tpu.memory_space<vmem>>
        %dma_start3A_135 = arith.constant 0 : i32
        %dma_start3A_136 = arith.constant 0 : i32
        %dma_start3A_137 = tpu.memref_slice %arg11[%dma_start3A_135, %dma_start3A_136] : memref<41088x32xf32, #tpu.memory_space<vmem_shared>> -> memref<41088x32xf32, #tpu.memory_space<vmem_shared>>
        tpu.enqueue_indirect_dma source(%arg20 : memref<128x32xf32, #tpu.memory_space<vmem>>) target(%dma_start3A_137 : memref<41088x32xf32, #tpu.memory_space<vmem_shared>>) offsets(%dma_start3A_134 : memref<128xi32, #tpu.memory_space<vmem>>) semaphore(%arg24 : memref<!tpu.dma_semaphore, #tpu.memory_space<semaphore_mem>>) {add = true}
        %dma_start3A_138 = arith.constant 0 : i32
        %dma_start3A_139 = tpu.memref_slice %arg16[%mul3A_91, %dma_start3A_138] : memref<40x128xi32, #tpu.memory_space<vmem>> -> memref<1x128xi32, #tpu.memory_space<vmem>>
        %dma_start3A_140 = tpu.memref_squeeze %dma_start3A_139 : memref<1x128xi32, #tpu.memory_space<vmem>> -> memref<128xi32, #tpu.memory_space<vmem>>
        %dma_start3A_141 = arith.constant 0 : i32
        %dma_start3A_142 = arith.constant 0 : i32
        %dma_start3A_143 = tpu.memref_slice %arg11[%dma_start3A_141, %dma_start3A_142] : memref<41088x32xf32, #tpu.memory_space<vmem_shared>> -> memref<41088x32xf32, #tpu.memory_space<vmem_shared>>
        tpu.enqueue_indirect_dma source(%arg21 : memref<128x32xf32, #tpu.memory_space<vmem>>) target(%dma_start3A_143 : memref<41088x32xf32, #tpu.memory_space<vmem_shared>>) offsets(%dma_start3A_140 : memref<128xi32, #tpu.memory_space<vmem>>) semaphore(%arg24 : memref<!tpu.dma_semaphore, #tpu.memory_space<semaphore_mem>>) {add = true}
      } else {
      }
      %add3A_108 = arith.constant 2 : i32
      %add3A_109 = arith.addi %mul3A_91, %add3A_108 : i32
      %lt3A = arith.constant 40 : i32
      %lt3A_110 = arith.cmpi slt, %add3A_109, %lt3A : i32
      %convert_element_type3A_111 = arith.extui %lt3A_110 : i1 to i32
      %cond3A_112 = arith.constant 0 : i32
      %cond3A_113 = arith.cmpi ne, %convert_element_type3A_111, %cond3A_112 : i32
      scf.if %cond3A_113 {
        %add3A_126 = arith.constant 2 : i32
        %add3A_127 = arith.addi %mul3A_91, %add3A_126 : i32
        %dma_start3A_128 = arith.constant 0 : i32
        %dma_start3A_129 = tpu.memref_slice %arg12[%add3A_127, %dma_start3A_128] : memref<40x128xi32, #tpu.memory_space<vmem>> -> memref<1x128xi32, #tpu.memory_space<vmem>>
        %dma_start3A_130 = tpu.memref_squeeze %dma_start3A_129 : memref<1x128xi32, #tpu.memory_space<vmem>> -> memref<128xi32, #tpu.memory_space<vmem>>
        %dma_start3A_131 = arith.constant 0 : i32
        %dma_start3A_132 = arith.constant 0 : i32
        %dma_start3A_133 = tpu.memref_slice %arg7[%dma_start3A_131, %dma_start3A_132] : memref<40000x32xf32, #tpu.memory_space<hbm>> -> memref<40000x32xf32, #tpu.memory_space<hbm>>
        tpu.enqueue_indirect_dma source(%dma_start3A_133 : memref<40000x32xf32, #tpu.memory_space<hbm>>) target(%arg17 : memref<128x32xf32, #tpu.memory_space<vmem>>) offsets(%dma_start3A_130 : memref<128xi32, #tpu.memory_space<vmem>>) semaphore(%arg22 : memref<!tpu.dma_semaphore, #tpu.memory_space<semaphore_mem>>)
      } else {
      }
      %add3A_114 = arith.constant 1 : i32
      %add3A_115 = arith.addi %mul3A_91, %add3A_114 : i32
      %dma_wait3A_116 = arith.constant 0 : i32
      %dma_wait3A_117 = tpu.memref_slice %arg12[%add3A_115, %dma_wait3A_116] : memref<40x128xi32, #tpu.memory_space<vmem>> -> memref<1x128xi32, #tpu.memory_space<vmem>>
      %dma_wait3A_118 = tpu.memref_squeeze %dma_wait3A_117 : memref<1x128xi32, #tpu.memory_space<vmem>> -> memref<128xi32, #tpu.memory_space<vmem>>
      %dma_wait3A_119 = arith.constant 0 : i32
      %dma_wait3A_120 = arith.constant 0 : i32
      %dma_wait3A_121 = tpu.memref_slice %arg7[%dma_wait3A_119, %dma_wait3A_120] : memref<40000x32xf32, #tpu.memory_space<hbm>> -> memref<40000x32xf32, #tpu.memory_space<hbm>>
      tpu.wait_indirect_dma semaphore(%arg23 : memref<!tpu.dma_semaphore, #tpu.memory_space<semaphore_mem>>) src(%dma_wait3A_121 : memref<40000x32xf32, #tpu.memory_space<hbm>>) dst(%arg18 : memref<128x32xf32, #tpu.memory_space<vmem>>)
      "tpu.region"() ({
        %run_scoped3A = tpu.sem_alloc : memref<!tpu.dma_semaphore, #tpu.memory_space<semaphore_mem>>
        %dma_start3A_126 = arith.constant 0 : i32
        %dma_start3A_127 = tpu.memref_slice %arg13[%add3A_115, %dma_start3A_126] : memref<40x128xi32, #tpu.memory_space<vmem>> -> memref<1x128xi32, #tpu.memory_space<vmem>>
        %dma_start3A_128 = tpu.memref_squeeze %dma_start3A_127 : memref<1x128xi32, #tpu.memory_space<vmem>> -> memref<128xi32, #tpu.memory_space<vmem>>
        %dma_start3A_129 = arith.constant 0 : i32
        %dma_start3A_130 = arith.constant 0 : i32
        %dma_start3A_131 = tpu.memref_slice %arg11[%dma_start3A_129, %dma_start3A_130] : memref<41088x32xf32, #tpu.memory_space<vmem_shared>> -> memref<41088x32xf32, #tpu.memory_space<vmem_shared>>
        tpu.enqueue_indirect_dma source(%arg18 : memref<128x32xf32, #tpu.memory_space<vmem>>) target(%dma_start3A_131 : memref<41088x32xf32, #tpu.memory_space<vmem_shared>>) offsets(%dma_start3A_128 : memref<128xi32, #tpu.memory_space<vmem>>) semaphore(%run_scoped3A : memref<!tpu.dma_semaphore, #tpu.memory_space<semaphore_mem>>) {add = true}
        %dma_wait3A_132 = arith.constant 0 : i32
        %dma_wait3A_133 = tpu.memref_slice %arg13[%add3A_115, %dma_wait3A_132] : memref<40x128xi32, #tpu.memory_space<vmem>> -> memref<1x128xi32, #tpu.memory_space<vmem>>
        %dma_wait3A_134 = tpu.memref_squeeze %dma_wait3A_133 : memref<1x128xi32, #tpu.memory_space<vmem>> -> memref<128xi32, #tpu.memory_space<vmem>>
        %dma_wait3A_135 = arith.constant 0 : i32
        %dma_wait3A_136 = arith.constant 0 : i32
        %dma_wait3A_137 = tpu.memref_slice %arg11[%dma_wait3A_135, %dma_wait3A_136] : memref<41088x32xf32, #tpu.memory_space<vmem_shared>> -> memref<41088x32xf32, #tpu.memory_space<vmem_shared>>
        tpu.wait_indirect_dma semaphore(%run_scoped3A : memref<!tpu.dma_semaphore, #tpu.memory_space<semaphore_mem>>) src(%arg18 : memref<128x32xf32, #tpu.memory_space<vmem>>) dst(%dma_wait3A_137 : memref<41088x32xf32, #tpu.memory_space<vmem_shared>>)
        tpu.yield
      }) : () -> ()
      %convert_element_type3A_122 = arith.extui %eq3A_4 : i1 to i32
      %cond3A_123 = arith.constant 0 : i32
      %cond3A_124 = arith.cmpi ne, %convert_element_type3A_122, %cond3A_123 : i32
      scf.if %cond3A_124 {
        %dma_start3A_126 = arith.constant 0 : i32
        %dma_start3A_127 = tpu.memref_slice %arg14[%add3A_115, %dma_start3A_126] : memref<40x128xi32, #tpu.memory_space<vmem>> -> memref<1x128xi32, #tpu.memory_space<vmem>>
        %dma_start3A_128 = tpu.memref_squeeze %dma_start3A_127 : memref<1x128xi32, #tpu.memory_space<vmem>> -> memref<128xi32, #tpu.memory_space<vmem>>
        %dma_start3A_129 = arith.constant 0 : i32
        %dma_start3A_130 = arith.constant 0 : i32
        %dma_start3A_131 = tpu.memref_slice %arg11[%dma_start3A_129, %dma_start3A_130] : memref<41088x32xf32, #tpu.memory_space<vmem_shared>> -> memref<41088x32xf32, #tpu.memory_space<vmem_shared>>
        tpu.enqueue_indirect_dma source(%arg19 : memref<128x32xf32, #tpu.memory_space<vmem>>) target(%dma_start3A_131 : memref<41088x32xf32, #tpu.memory_space<vmem_shared>>) offsets(%dma_start3A_128 : memref<128xi32, #tpu.memory_space<vmem>>) semaphore(%arg24 : memref<!tpu.dma_semaphore, #tpu.memory_space<semaphore_mem>>) {add = true}
        %dma_start3A_132 = arith.constant 0 : i32
        %dma_start3A_133 = tpu.memref_slice %arg15[%add3A_115, %dma_start3A_132] : memref<40x128xi32, #tpu.memory_space<vmem>> -> memref<1x128xi32, #tpu.memory_space<vmem>>
        %dma_start3A_134 = tpu.memref_squeeze %dma_start3A_133 : memref<1x128xi32, #tpu.memory_space<vmem>> -> memref<128xi32, #tpu.memory_space<vmem>>
        %dma_start3A_135 = arith.constant 0 : i32
        %dma_start3A_136 = arith.constant 0 : i32
        %dma_start3A_137 = tpu.memref_slice %arg11[%dma_start3A_135, %dma_start3A_136] : memref<41088x32xf32, #tpu.memory_space<vmem_shared>> -> memref<41088x32xf32, #tpu.memory_space<vmem_shared>>
        tpu.enqueue_indirect_dma source(%arg20 : memref<128x32xf32, #tpu.memory_space<vmem>>) target(%dma_start3A_137 : memref<41088x32xf32, #tpu.memory_space<vmem_shared>>) offsets(%dma_start3A_134 : memref<128xi32, #tpu.memory_space<vmem>>) semaphore(%arg24 : memref<!tpu.dma_semaphore, #tpu.memory_space<semaphore_mem>>) {add = true}
        %dma_start3A_138 = arith.constant 0 : i32
        %dma_start3A_139 = tpu.memref_slice %arg16[%add3A_115, %dma_start3A_138] : memref<40x128xi32, #tpu.memory_space<vmem>> -> memref<1x128xi32, #tpu.memory_space<vmem>>
        %dma_start3A_140 = tpu.memref_squeeze %dma_start3A_139 : memref<1x128xi32, #tpu.memory_space<vmem>> -> memref<128xi32, #tpu.memory_space<vmem>>
        %dma_start3A_141 = arith.constant 0 : i32
        %dma_start3A_142 = arith.constant 0 : i32
        %dma_start3A_143 = tpu.memref_slice %arg11[%dma_start3A_141, %dma_start3A_142] : memref<41088x32xf32, #tpu.memory_space<vmem_shared>> -> memref<41088x32xf32, #tpu.memory_space<vmem_shared>>
        tpu.enqueue_indirect_dma source(%arg21 : memref<128x32xf32, #tpu.memory_space<vmem>>) target(%dma_start3A_143 : memref<41088x32xf32, #tpu.memory_space<vmem_shared>>) offsets(%dma_start3A_140 : memref<128xi32, #tpu.memory_space<vmem>>) semaphore(%arg24 : memref<!tpu.dma_semaphore, #tpu.memory_space<semaphore_mem>>) {add = true}
      } else {
      }
      %scan3A_125 = arith.constant 0 : i32
      scf.yield %scan3A_125 : i32
    }
    %scan3A_16 = arith.constant 20 : i32
    %convert_element_type3A = arith.extui %eq3A_4 : i1 to i32
    %cond3A = arith.constant 0 : i32
    %cond3A_17 = arith.cmpi ne, %convert_element_type3A, %cond3A : i32
    scf.if %cond3A_17 {
      %scan3A_88 = arith.constant 0 : i32
      %scan3A_89 = arith.constant 0 : i32
      %scan3A_90 = arith.constant 120 : i32
      %scan3A_91 = arith.addi %scan3A_89, %scan3A_90 : i32
      %scan3A_92 = arith.constant 1 : i32
      %scan3A_93 = scf.for %scan3A_95 = %scan3A_89 to %scan3A_91 step %scan3A_92 iter_args(%scan3A_96 = %scan3A_88) -> (i32)  : i32 {
        %dma_wait3A = arith.constant 0 : i32
        %dma_wait3A_97 = arith.constant 0 : i32
        %dma_wait3A_98 = tpu.memref_slice %arg14[%dma_wait3A, %dma_wait3A_97] : memref<40x128xi32, #tpu.memory_space<vmem>> -> memref<1x128xi32, #tpu.memory_space<vmem>>
        %dma_wait3A_99 = tpu.memref_squeeze %dma_wait3A_98 : memref<1x128xi32, #tpu.memory_space<vmem>> -> memref<128xi32, #tpu.memory_space<vmem>>
        %dma_wait3A_100 = arith.constant 0 : i32
        %dma_wait3A_101 = arith.constant 0 : i32
        %dma_wait3A_102 = tpu.memref_slice %arg11[%dma_wait3A_100, %dma_wait3A_101] : memref<41088x32xf32, #tpu.memory_space<vmem_shared>> -> memref<41088x32xf32, #tpu.memory_space<vmem_shared>>
        tpu.wait_indirect_dma semaphore(%arg24 : memref<!tpu.dma_semaphore, #tpu.memory_space<semaphore_mem>>) src(%arg19 : memref<128x32xf32, #tpu.memory_space<vmem>>) dst(%dma_wait3A_102 : memref<41088x32xf32, #tpu.memory_space<vmem_shared>>)
        %scan3A_103 = arith.constant 0 : i32
        scf.yield %scan3A_103 : i32
      }
      %scan3A_94 = arith.constant 120 : i32
    } else {
    }
    %mul3A_18 = arith.constant 160 : i32
    %mul3A_19 = arith.muli %arg1, %mul3A_18 : i32
    %add3A_20 = arith.constant 40 : i32
    %add3A_21 = arith.addi %mul3A_19, %add3A_20 : i32
    "tpu.region"() ({
      %run_scoped3A = tpu.sem_alloc : memref<!tpu.dma_semaphore, #tpu.memory_space<semaphore_mem>>
      %dma_start3A_88 = arith.constant 0 : i32
      %dma_start3A_89 = tpu.memref_slice %arg2[%arg0, %add3A_21, %dma_start3A_88] : memref<2x2560x128xi32, #tpu.memory_space<hbm>> -> memref<1x40x128xi32, #tpu.memory_space<hbm>>
      %dma_start3A_90 = tpu.memref_squeeze %dma_start3A_89 : memref<1x40x128xi32, #tpu.memory_space<hbm>> -> memref<40x128xi32, #tpu.memory_space<hbm>>
      %dma_start3A_91 = arith.constant 0 : i32
      %dma_start3A_92 = tpu.memref_slice %arg2[%arg0, %add3A_21, %dma_start3A_91] : memref<2x2560x128xi32, #tpu.memory_space<hbm>> -> memref<1x40x128xi32, #tpu.memory_space<hbm>>
      %dma_start3A_93 = tpu.memref_squeeze %dma_start3A_92 : memref<1x40x128xi32, #tpu.memory_space<hbm>> -> memref<40x128xi32, #tpu.memory_space<hbm>>
      tpu.enqueue_dma source(%dma_start3A_93 : memref<40x128xi32, #tpu.memory_space<hbm>>) target(%arg12 : memref<40x128xi32, #tpu.memory_space<vmem>>) target_semaphore(%run_scoped3A : memref<!tpu.dma_semaphore, #tpu.memory_space<semaphore_mem>>)
      %dma_wait3A = arith.constant 0 : i32
      %dma_wait3A_94 = tpu.memref_slice %arg2[%arg0, %add3A_21, %dma_wait3A] : memref<2x2560x128xi32, #tpu.memory_space<hbm>> -> memref<1x40x128xi32, #tpu.memory_space<hbm>>
      %dma_wait3A_95 = tpu.memref_squeeze %dma_wait3A_94 : memref<1x40x128xi32, #tpu.memory_space<hbm>> -> memref<40x128xi32, #tpu.memory_space<hbm>>
      %dma_wait3A_96 = arith.constant 0 : i32
      %dma_wait3A_97 = tpu.memref_slice %arg2[%arg0, %add3A_21, %dma_wait3A_96] : memref<2x2560x128xi32, #tpu.memory_space<hbm>> -> memref<1x40x128xi32, #tpu.memory_space<hbm>>
      %dma_wait3A_98 = tpu.memref_squeeze %dma_wait3A_97 : memref<1x40x128xi32, #tpu.memory_space<hbm>> -> memref<40x128xi32, #tpu.memory_space<hbm>>
      tpu.wait_dma2 semaphore(%run_scoped3A : memref<!tpu.dma_semaphore, #tpu.memory_space<semaphore_mem>>) src(%dma_wait3A_98 : memref<40x128xi32, #tpu.memory_space<hbm>>) dst(%arg12 : memref<40x128xi32, #tpu.memory_space<vmem>>)
      tpu.yield
    }) : () -> ()
    "tpu.region"() ({
      %run_scoped3A = tpu.sem_alloc : memref<!tpu.dma_semaphore, #tpu.memory_space<semaphore_mem>>
      %dma_start3A_88 = arith.constant 0 : i32
      %dma_start3A_89 = tpu.memref_slice %arg3[%add3A_21, %dma_start3A_88] : memref<2560x128xi32, #tpu.memory_space<hbm>> -> memref<40x128xi32, #tpu.memory_space<hbm>>
      %dma_start3A_90 = arith.constant 0 : i32
      %dma_start3A_91 = tpu.memref_slice %arg3[%add3A_21, %dma_start3A_90] : memref<2560x128xi32, #tpu.memory_space<hbm>> -> memref<40x128xi32, #tpu.memory_space<hbm>>
      tpu.enqueue_dma source(%dma_start3A_91 : memref<40x128xi32, #tpu.memory_space<hbm>>) target(%arg13 : memref<40x128xi32, #tpu.memory_space<vmem>>) target_semaphore(%run_scoped3A : memref<!tpu.dma_semaphore, #tpu.memory_space<semaphore_mem>>)
      %dma_wait3A = arith.constant 0 : i32
      %dma_wait3A_92 = tpu.memref_slice %arg3[%add3A_21, %dma_wait3A] : memref<2560x128xi32, #tpu.memory_space<hbm>> -> memref<40x128xi32, #tpu.memory_space<hbm>>
      %dma_wait3A_93 = arith.constant 0 : i32
      %dma_wait3A_94 = tpu.memref_slice %arg3[%add3A_21, %dma_wait3A_93] : memref<2560x128xi32, #tpu.memory_space<hbm>> -> memref<40x128xi32, #tpu.memory_space<hbm>>
      tpu.wait_dma2 semaphore(%run_scoped3A : memref<!tpu.dma_semaphore, #tpu.memory_space<semaphore_mem>>) src(%dma_wait3A_94 : memref<40x128xi32, #tpu.memory_space<hbm>>) dst(%arg13 : memref<40x128xi32, #tpu.memory_space<vmem>>)
      tpu.yield
    }) : () -> ()
    "tpu.region"() ({
      %run_scoped3A = tpu.sem_alloc : memref<!tpu.dma_semaphore, #tpu.memory_space<semaphore_mem>>
      %dma_start3A_88 = arith.constant 0 : i32
      %dma_start3A_89 = tpu.memref_slice %arg4[%add3A_21, %dma_start3A_88] : memref<2560x128xi32, #tpu.memory_space<hbm>> -> memref<40x128xi32, #tpu.memory_space<hbm>>
      %dma_start3A_90 = arith.constant 0 : i32
      %dma_start3A_91 = tpu.memref_slice %arg4[%add3A_21, %dma_start3A_90] : memref<2560x128xi32, #tpu.memory_space<hbm>> -> memref<40x128xi32, #tpu.memory_space<hbm>>
      tpu.enqueue_dma source(%dma_start3A_91 : memref<40x128xi32, #tpu.memory_space<hbm>>) target(%arg14 : memref<40x128xi32, #tpu.memory_space<vmem>>) target_semaphore(%run_scoped3A : memref<!tpu.dma_semaphore, #tpu.memory_space<semaphore_mem>>)
      %dma_wait3A = arith.constant 0 : i32
      %dma_wait3A_92 = tpu.memref_slice %arg4[%add3A_21, %dma_wait3A] : memref<2560x128xi32, #tpu.memory_space<hbm>> -> memref<40x128xi32, #tpu.memory_space<hbm>>
      %dma_wait3A_93 = arith.constant 0 : i32
      %dma_wait3A_94 = tpu.memref_slice %arg4[%add3A_21, %dma_wait3A_93] : memref<2560x128xi32, #tpu.memory_space<hbm>> -> memref<40x128xi32, #tpu.memory_space<hbm>>
      tpu.wait_dma2 semaphore(%run_scoped3A : memref<!tpu.dma_semaphore, #tpu.memory_space<semaphore_mem>>) src(%dma_wait3A_94 : memref<40x128xi32, #tpu.memory_space<hbm>>) dst(%arg14 : memref<40x128xi32, #tpu.memory_space<vmem>>)
      tpu.yield
    }) : () -> ()
    "tpu.region"() ({
      %run_scoped3A = tpu.sem_alloc : memref<!tpu.dma_semaphore, #tpu.memory_space<semaphore_mem>>
      %dma_start3A_88 = arith.constant 0 : i32
      %dma_start3A_89 = tpu.memref_slice %arg5[%add3A_21, %dma_start3A_88] : memref<2560x128xi32, #tpu.memory_space<hbm>> -> memref<40x128xi32, #tpu.memory_space<hbm>>
      %dma_start3A_90 = arith.constant 0 : i32
      %dma_start3A_91 = tpu.memref_slice %arg5[%add3A_21, %dma_start3A_90] : memref<2560x128xi32, #tpu.memory_space<hbm>> -> memref<40x128xi32, #tpu.memory_space<hbm>>
      tpu.enqueue_dma source(%dma_start3A_91 : memref<40x128xi32, #tpu.memory_space<hbm>>) target(%arg15 : memref<40x128xi32, #tpu.memory_space<vmem>>) target_semaphore(%run_scoped3A : memref<!tpu.dma_semaphore, #tpu.memory_space<semaphore_mem>>)
      %dma_wait3A = arith.constant 0 : i32
      %dma_wait3A_92 = tpu.memref_slice %arg5[%add3A_21, %dma_wait3A] : memref<2560x128xi32, #tpu.memory_space<hbm>> -> memref<40x128xi32, #tpu.memory_space<hbm>>
      %dma_wait3A_93 = arith.constant 0 : i32
      %dma_wait3A_94 = tpu.memref_slice %arg5[%add3A_21, %dma_wait3A_93] : memref<2560x128xi32, #tpu.memory_space<hbm>> -> memref<40x128xi32, #tpu.memory_space<hbm>>
      tpu.wait_dma2 semaphore(%run_scoped3A : memref<!tpu.dma_semaphore, #tpu.memory_space<semaphore_mem>>) src(%dma_wait3A_94 : memref<40x128xi32, #tpu.memory_space<hbm>>) dst(%arg15 : memref<40x128xi32, #tpu.memory_space<vmem>>)
      tpu.yield
    }) : () -> ()
    "tpu.region"() ({
      %run_scoped3A = tpu.sem_alloc : memref<!tpu.dma_semaphore, #tpu.memory_space<semaphore_mem>>
      %dma_start3A_88 = arith.constant 0 : i32
      %dma_start3A_89 = tpu.memref_slice %arg6[%add3A_21, %dma_start3A_88] : memref<2560x128xi32, #tpu.memory_space<hbm>> -> memref<40x128xi32, #tpu.memory_space<hbm>>
      %dma_start3A_90 = arith.constant 0 : i32
      %dma_start3A_91 = tpu.memref_slice %arg6[%add3A_21, %dma_start3A_90] : memref<2560x128xi32, #tpu.memory_space<hbm>> -> memref<40x128xi32, #tpu.memory_space<hbm>>
      tpu.enqueue_dma source(%dma_start3A_91 : memref<40x128xi32, #tpu.memory_space<hbm>>) target(%arg16 : memref<40x128xi32, #tpu.memory_space<vmem>>) target_semaphore(%run_scoped3A : memref<!tpu.dma_semaphore, #tpu.memory_space<semaphore_mem>>)
      %dma_wait3A = arith.constant 0 : i32
      %dma_wait3A_92 = tpu.memref_slice %arg6[%add3A_21, %dma_wait3A] : memref<2560x128xi32, #tpu.memory_space<hbm>> -> memref<40x128xi32, #tpu.memory_space<hbm>>
      %dma_wait3A_93 = arith.constant 0 : i32
      %dma_wait3A_94 = tpu.memref_slice %arg6[%add3A_21, %dma_wait3A_93] : memref<2560x128xi32, #tpu.memory_space<hbm>> -> memref<40x128xi32, #tpu.memory_space<hbm>>
      tpu.wait_dma2 semaphore(%run_scoped3A : memref<!tpu.dma_semaphore, #tpu.memory_space<semaphore_mem>>) src(%dma_wait3A_94 : memref<40x128xi32, #tpu.memory_space<hbm>>) dst(%arg16 : memref<40x128xi32, #tpu.memory_space<vmem>>)
      tpu.yield
    }) : () -> ()
    %eq3A_22 = arith.constant 0 : i32
    %eq3A_23 = arith.cmpi eq, %arg0, %eq3A_22 : i32
    %dma_start3A_24 = arith.constant 0 : i32
    %dma_start3A_25 = arith.constant 0 : i32
    %dma_start3A_26 = tpu.memref_slice %arg12[%dma_start3A_24, %dma_start3A_25] : memref<40x128xi32, #tpu.memory_space<vmem>> -> memref<1x128xi32, #tpu.memory_space<vmem>>
    %dma_start3A_27 = tpu.memref_squeeze %dma_start3A_26 : memref<1x128xi32, #tpu.memory_space<vmem>> -> memref<128xi32, #tpu.memory_space<vmem>>
    %dma_start3A_28 = arith.constant 0 : i32
    %dma_start3A_29 = arith.constant 0 : i32
    %dma_start3A_30 = tpu.memref_slice %arg7[%dma_start3A_28, %dma_start3A_29] : memref<40000x32xf32, #tpu.memory_space<hbm>> -> memref<40000x32xf32, #tpu.memory_space<hbm>>
    tpu.enqueue_indirect_dma source(%dma_start3A_30 : memref<40000x32xf32, #tpu.memory_space<hbm>>) target(%arg17 : memref<128x32xf32, #tpu.memory_space<vmem>>) offsets(%dma_start3A_27 : memref<128xi32, #tpu.memory_space<vmem>>) semaphore(%arg22 : memref<!tpu.dma_semaphore, #tpu.memory_space<semaphore_mem>>)
    %scan3A_31 = arith.constant 0 : i32
    %scan3A_32 = arith.constant 0 : i32
    %scan3A_33 = arith.constant 20 : i32
    %scan3A_34 = arith.addi %scan3A_32, %scan3A_33 : i32
    %scan3A_35 = arith.constant 1 : i32
    %scan3A_36 = scf.for %scan3A_88 = %scan3A_32 to %scan3A_34 step %scan3A_35 iter_args(%scan3A_89 = %scan3A_31) -> (i32)  : i32 {
      %mul3A_90 = arith.constant 2 : i32
      %mul3A_91 = arith.muli %mul3A_90, %scan3A_88 : i32
      %add3A_92 = arith.constant 1 : i32
      %add3A_93 = arith.addi %mul3A_91, %add3A_92 : i32
      %dma_start3A_94 = arith.constant 0 : i32
      %dma_start3A_95 = tpu.memref_slice %arg12[%add3A_93, %dma_start3A_94] : memref<40x128xi32, #tpu.memory_space<vmem>> -> memref<1x128xi32, #tpu.memory_space<vmem>>
      %dma_start3A_96 = tpu.memref_squeeze %dma_start3A_95 : memref<1x128xi32, #tpu.memory_space<vmem>> -> memref<128xi32, #tpu.memory_space<vmem>>
      %dma_start3A_97 = arith.constant 0 : i32
      %dma_start3A_98 = arith.constant 0 : i32
      %dma_start3A_99 = tpu.memref_slice %arg7[%dma_start3A_97, %dma_start3A_98] : memref<40000x32xf32, #tpu.memory_space<hbm>> -> memref<40000x32xf32, #tpu.memory_space<hbm>>
      tpu.enqueue_indirect_dma source(%dma_start3A_99 : memref<40000x32xf32, #tpu.memory_space<hbm>>) target(%arg18 : memref<128x32xf32, #tpu.memory_space<vmem>>) offsets(%dma_start3A_96 : memref<128xi32, #tpu.memory_space<vmem>>) semaphore(%arg23 : memref<!tpu.dma_semaphore, #tpu.memory_space<semaphore_mem>>)
      %dma_wait3A = arith.constant 0 : i32
      %dma_wait3A_100 = tpu.memref_slice %arg12[%mul3A_91, %dma_wait3A] : memref<40x128xi32, #tpu.memory_space<vmem>> -> memref<1x128xi32, #tpu.memory_space<vmem>>
      %dma_wait3A_101 = tpu.memref_squeeze %dma_wait3A_100 : memref<1x128xi32, #tpu.memory_space<vmem>> -> memref<128xi32, #tpu.memory_space<vmem>>
      %dma_wait3A_102 = arith.constant 0 : i32
      %dma_wait3A_103 = arith.constant 0 : i32
      %dma_wait3A_104 = tpu.memref_slice %arg7[%dma_wait3A_102, %dma_wait3A_103] : memref<40000x32xf32, #tpu.memory_space<hbm>> -> memref<40000x32xf32, #tpu.memory_space<hbm>>
      tpu.wait_indirect_dma semaphore(%arg22 : memref<!tpu.dma_semaphore, #tpu.memory_space<semaphore_mem>>) src(%dma_wait3A_104 : memref<40000x32xf32, #tpu.memory_space<hbm>>) dst(%arg17 : memref<128x32xf32, #tpu.memory_space<vmem>>)
      "tpu.region"() ({
        %run_scoped3A = tpu.sem_alloc : memref<!tpu.dma_semaphore, #tpu.memory_space<semaphore_mem>>
        %dma_start3A_126 = arith.constant 0 : i32
        %dma_start3A_127 = tpu.memref_slice %arg13[%mul3A_91, %dma_start3A_126] : memref<40x128xi32, #tpu.memory_space<vmem>> -> memref<1x128xi32, #tpu.memory_space<vmem>>
        %dma_start3A_128 = tpu.memref_squeeze %dma_start3A_127 : memref<1x128xi32, #tpu.memory_space<vmem>> -> memref<128xi32, #tpu.memory_space<vmem>>
        %dma_start3A_129 = arith.constant 0 : i32
        %dma_start3A_130 = arith.constant 0 : i32
        %dma_start3A_131 = tpu.memref_slice %arg11[%dma_start3A_129, %dma_start3A_130] : memref<41088x32xf32, #tpu.memory_space<vmem_shared>> -> memref<41088x32xf32, #tpu.memory_space<vmem_shared>>
        tpu.enqueue_indirect_dma source(%arg17 : memref<128x32xf32, #tpu.memory_space<vmem>>) target(%dma_start3A_131 : memref<41088x32xf32, #tpu.memory_space<vmem_shared>>) offsets(%dma_start3A_128 : memref<128xi32, #tpu.memory_space<vmem>>) semaphore(%run_scoped3A : memref<!tpu.dma_semaphore, #tpu.memory_space<semaphore_mem>>) {add = true}
        %dma_wait3A_132 = arith.constant 0 : i32
        %dma_wait3A_133 = tpu.memref_slice %arg13[%mul3A_91, %dma_wait3A_132] : memref<40x128xi32, #tpu.memory_space<vmem>> -> memref<1x128xi32, #tpu.memory_space<vmem>>
        %dma_wait3A_134 = tpu.memref_squeeze %dma_wait3A_133 : memref<1x128xi32, #tpu.memory_space<vmem>> -> memref<128xi32, #tpu.memory_space<vmem>>
        %dma_wait3A_135 = arith.constant 0 : i32
        %dma_wait3A_136 = arith.constant 0 : i32
        %dma_wait3A_137 = tpu.memref_slice %arg11[%dma_wait3A_135, %dma_wait3A_136] : memref<41088x32xf32, #tpu.memory_space<vmem_shared>> -> memref<41088x32xf32, #tpu.memory_space<vmem_shared>>
        tpu.wait_indirect_dma semaphore(%run_scoped3A : memref<!tpu.dma_semaphore, #tpu.memory_space<semaphore_mem>>) src(%arg17 : memref<128x32xf32, #tpu.memory_space<vmem>>) dst(%dma_wait3A_137 : memref<41088x32xf32, #tpu.memory_space<vmem_shared>>)
        tpu.yield
      }) : () -> ()
      %convert_element_type3A_105 = arith.extui %eq3A_23 : i1 to i32
      %cond3A_106 = arith.constant 0 : i32
      %cond3A_107 = arith.cmpi ne, %convert_element_type3A_105, %cond3A_106 : i32
      scf.if %cond3A_107 {
        %dma_start3A_126 = arith.constant 0 : i32
        %dma_start3A_127 = tpu.memref_slice %arg14[%mul3A_91, %dma_start3A_126] : memref<40x128xi32, #tpu.memory_space<vmem>> -> memref<1x128xi32, #tpu.memory_space<vmem>>
        %dma_start3A_128 = tpu.memref_squeeze %dma_start3A_127 : memref<1x128xi32, #tpu.memory_space<vmem>> -> memref<128xi32, #tpu.memory_space<vmem>>
        %dma_start3A_129 = arith.constant 0 : i32
        %dma_start3A_130 = arith.constant 0 : i32
        %dma_start3A_131 = tpu.memref_slice %arg11[%dma_start3A_129, %dma_start3A_130] : memref<41088x32xf32, #tpu.memory_space<vmem_shared>> -> memref<41088x32xf32, #tpu.memory_space<vmem_shared>>
        tpu.enqueue_indirect_dma source(%arg19 : memref<128x32xf32, #tpu.memory_space<vmem>>) target(%dma_start3A_131 : memref<41088x32xf32, #tpu.memory_space<vmem_shared>>) offsets(%dma_start3A_128 : memref<128xi32, #tpu.memory_space<vmem>>) semaphore(%arg24 : memref<!tpu.dma_semaphore, #tpu.memory_space<semaphore_mem>>) {add = true}
        %dma_start3A_132 = arith.constant 0 : i32
        %dma_start3A_133 = tpu.memref_slice %arg15[%mul3A_91, %dma_start3A_132] : memref<40x128xi32, #tpu.memory_space<vmem>> -> memref<1x128xi32, #tpu.memory_space<vmem>>
        %dma_start3A_134 = tpu.memref_squeeze %dma_start3A_133 : memref<1x128xi32, #tpu.memory_space<vmem>> -> memref<128xi32, #tpu.memory_space<vmem>>
        %dma_start3A_135 = arith.constant 0 : i32
        %dma_start3A_136 = arith.constant 0 : i32
        %dma_start3A_137 = tpu.memref_slice %arg11[%dma_start3A_135, %dma_start3A_136] : memref<41088x32xf32, #tpu.memory_space<vmem_shared>> -> memref<41088x32xf32, #tpu.memory_space<vmem_shared>>
        tpu.enqueue_indirect_dma source(%arg20 : memref<128x32xf32, #tpu.memory_space<vmem>>) target(%dma_start3A_137 : memref<41088x32xf32, #tpu.memory_space<vmem_shared>>) offsets(%dma_start3A_134 : memref<128xi32, #tpu.memory_space<vmem>>) semaphore(%arg24 : memref<!tpu.dma_semaphore, #tpu.memory_space<semaphore_mem>>) {add = true}
        %dma_start3A_138 = arith.constant 0 : i32
        %dma_start3A_139 = tpu.memref_slice %arg16[%mul3A_91, %dma_start3A_138] : memref<40x128xi32, #tpu.memory_space<vmem>> -> memref<1x128xi32, #tpu.memory_space<vmem>>
        %dma_start3A_140 = tpu.memref_squeeze %dma_start3A_139 : memref<1x128xi32, #tpu.memory_space<vmem>> -> memref<128xi32, #tpu.memory_space<vmem>>
        %dma_start3A_141 = arith.constant 0 : i32
        %dma_start3A_142 = arith.constant 0 : i32
        %dma_start3A_143 = tpu.memref_slice %arg11[%dma_start3A_141, %dma_start3A_142] : memref<41088x32xf32, #tpu.memory_space<vmem_shared>> -> memref<41088x32xf32, #tpu.memory_space<vmem_shared>>
        tpu.enqueue_indirect_dma source(%arg21 : memref<128x32xf32, #tpu.memory_space<vmem>>) target(%dma_start3A_143 : memref<41088x32xf32, #tpu.memory_space<vmem_shared>>) offsets(%dma_start3A_140 : memref<128xi32, #tpu.memory_space<vmem>>) semaphore(%arg24 : memref<!tpu.dma_semaphore, #tpu.memory_space<semaphore_mem>>) {add = true}
      } else {
      }
      %add3A_108 = arith.constant 2 : i32
      %add3A_109 = arith.addi %mul3A_91, %add3A_108 : i32
      %lt3A = arith.constant 40 : i32
      %lt3A_110 = arith.cmpi slt, %add3A_109, %lt3A : i32
      %convert_element_type3A_111 = arith.extui %lt3A_110 : i1 to i32
      %cond3A_112 = arith.constant 0 : i32
      %cond3A_113 = arith.cmpi ne, %convert_element_type3A_111, %cond3A_112 : i32
      scf.if %cond3A_113 {
        %add3A_126 = arith.constant 2 : i32
        %add3A_127 = arith.addi %mul3A_91, %add3A_126 : i32
        %dma_start3A_128 = arith.constant 0 : i32
        %dma_start3A_129 = tpu.memref_slice %arg12[%add3A_127, %dma_start3A_128] : memref<40x128xi32, #tpu.memory_space<vmem>> -> memref<1x128xi32, #tpu.memory_space<vmem>>
        %dma_start3A_130 = tpu.memref_squeeze %dma_start3A_129 : memref<1x128xi32, #tpu.memory_space<vmem>> -> memref<128xi32, #tpu.memory_space<vmem>>
        %dma_start3A_131 = arith.constant 0 : i32
        %dma_start3A_132 = arith.constant 0 : i32
        %dma_start3A_133 = tpu.memref_slice %arg7[%dma_start3A_131, %dma_start3A_132] : memref<40000x32xf32, #tpu.memory_space<hbm>> -> memref<40000x32xf32, #tpu.memory_space<hbm>>
        tpu.enqueue_indirect_dma source(%dma_start3A_133 : memref<40000x32xf32, #tpu.memory_space<hbm>>) target(%arg17 : memref<128x32xf32, #tpu.memory_space<vmem>>) offsets(%dma_start3A_130 : memref<128xi32, #tpu.memory_space<vmem>>) semaphore(%arg22 : memref<!tpu.dma_semaphore, #tpu.memory_space<semaphore_mem>>)
      } else {
      }
      %add3A_114 = arith.constant 1 : i32
      %add3A_115 = arith.addi %mul3A_91, %add3A_114 : i32
      %dma_wait3A_116 = arith.constant 0 : i32
      %dma_wait3A_117 = tpu.memref_slice %arg12[%add3A_115, %dma_wait3A_116] : memref<40x128xi32, #tpu.memory_space<vmem>> -> memref<1x128xi32, #tpu.memory_space<vmem>>
      %dma_wait3A_118 = tpu.memref_squeeze %dma_wait3A_117 : memref<1x128xi32, #tpu.memory_space<vmem>> -> memref<128xi32, #tpu.memory_space<vmem>>
      %dma_wait3A_119 = arith.constant 0 : i32
      %dma_wait3A_120 = arith.constant 0 : i32
      %dma_wait3A_121 = tpu.memref_slice %arg7[%dma_wait3A_119, %dma_wait3A_120] : memref<40000x32xf32, #tpu.memory_space<hbm>> -> memref<40000x32xf32, #tpu.memory_space<hbm>>
      tpu.wait_indirect_dma semaphore(%arg23 : memref<!tpu.dma_semaphore, #tpu.memory_space<semaphore_mem>>) src(%dma_wait3A_121 : memref<40000x32xf32, #tpu.memory_space<hbm>>) dst(%arg18 : memref<128x32xf32, #tpu.memory_space<vmem>>)
      "tpu.region"() ({
        %run_scoped3A = tpu.sem_alloc : memref<!tpu.dma_semaphore, #tpu.memory_space<semaphore_mem>>
        %dma_start3A_126 = arith.constant 0 : i32
        %dma_start3A_127 = tpu.memref_slice %arg13[%add3A_115, %dma_start3A_126] : memref<40x128xi32, #tpu.memory_space<vmem>> -> memref<1x128xi32, #tpu.memory_space<vmem>>
        %dma_start3A_128 = tpu.memref_squeeze %dma_start3A_127 : memref<1x128xi32, #tpu.memory_space<vmem>> -> memref<128xi32, #tpu.memory_space<vmem>>
        %dma_start3A_129 = arith.constant 0 : i32
        %dma_start3A_130 = arith.constant 0 : i32
        %dma_start3A_131 = tpu.memref_slice %arg11[%dma_start3A_129, %dma_start3A_130] : memref<41088x32xf32, #tpu.memory_space<vmem_shared>> -> memref<41088x32xf32, #tpu.memory_space<vmem_shared>>
        tpu.enqueue_indirect_dma source(%arg18 : memref<128x32xf32, #tpu.memory_space<vmem>>) target(%dma_start3A_131 : memref<41088x32xf32, #tpu.memory_space<vmem_shared>>) offsets(%dma_start3A_128 : memref<128xi32, #tpu.memory_space<vmem>>) semaphore(%run_scoped3A : memref<!tpu.dma_semaphore, #tpu.memory_space<semaphore_mem>>) {add = true}
        %dma_wait3A_132 = arith.constant 0 : i32
        %dma_wait3A_133 = tpu.memref_slice %arg13[%add3A_115, %dma_wait3A_132] : memref<40x128xi32, #tpu.memory_space<vmem>> -> memref<1x128xi32, #tpu.memory_space<vmem>>
        %dma_wait3A_134 = tpu.memref_squeeze %dma_wait3A_133 : memref<1x128xi32, #tpu.memory_space<vmem>> -> memref<128xi32, #tpu.memory_space<vmem>>
        %dma_wait3A_135 = arith.constant 0 : i32
        %dma_wait3A_136 = arith.constant 0 : i32
        %dma_wait3A_137 = tpu.memref_slice %arg11[%dma_wait3A_135, %dma_wait3A_136] : memref<41088x32xf32, #tpu.memory_space<vmem_shared>> -> memref<41088x32xf32, #tpu.memory_space<vmem_shared>>
        tpu.wait_indirect_dma semaphore(%run_scoped3A : memref<!tpu.dma_semaphore, #tpu.memory_space<semaphore_mem>>) src(%arg18 : memref<128x32xf32, #tpu.memory_space<vmem>>) dst(%dma_wait3A_137 : memref<41088x32xf32, #tpu.memory_space<vmem_shared>>)
        tpu.yield
      }) : () -> ()
      %convert_element_type3A_122 = arith.extui %eq3A_23 : i1 to i32
      %cond3A_123 = arith.constant 0 : i32
      %cond3A_124 = arith.cmpi ne, %convert_element_type3A_122, %cond3A_123 : i32
      scf.if %cond3A_124 {
        %dma_start3A_126 = arith.constant 0 : i32
        %dma_start3A_127 = tpu.memref_slice %arg14[%add3A_115, %dma_start3A_126] : memref<40x128xi32, #tpu.memory_space<vmem>> -> memref<1x128xi32, #tpu.memory_space<vmem>>
        %dma_start3A_128 = tpu.memref_squeeze %dma_start3A_127 : memref<1x128xi32, #tpu.memory_space<vmem>> -> memref<128xi32, #tpu.memory_space<vmem>>
        %dma_start3A_129 = arith.constant 0 : i32
        %dma_start3A_130 = arith.constant 0 : i32
        %dma_start3A_131 = tpu.memref_slice %arg11[%dma_start3A_129, %dma_start3A_130] : memref<41088x32xf32, #tpu.memory_space<vmem_shared>> -> memref<41088x32xf32, #tpu.memory_space<vmem_shared>>
        tpu.enqueue_indirect_dma source(%arg19 : memref<128x32xf32, #tpu.memory_space<vmem>>) target(%dma_start3A_131 : memref<41088x32xf32, #tpu.memory_space<vmem_shared>>) offsets(%dma_start3A_128 : memref<128xi32, #tpu.memory_space<vmem>>) semaphore(%arg24 : memref<!tpu.dma_semaphore, #tpu.memory_space<semaphore_mem>>) {add = true}
        %dma_start3A_132 = arith.constant 0 : i32
        %dma_start3A_133 = tpu.memref_slice %arg15[%add3A_115, %dma_start3A_132] : memref<40x128xi32, #tpu.memory_space<vmem>> -> memref<1x128xi32, #tpu.memory_space<vmem>>
        %dma_start3A_134 = tpu.memref_squeeze %dma_start3A_133 : memref<1x128xi32, #tpu.memory_space<vmem>> -> memref<128xi32, #tpu.memory_space<vmem>>
        %dma_start3A_135 = arith.constant 0 : i32
        %dma_start3A_136 = arith.constant 0 : i32
        %dma_start3A_137 = tpu.memref_slice %arg11[%dma_start3A_135, %dma_start3A_136] : memref<41088x32xf32, #tpu.memory_space<vmem_shared>> -> memref<41088x32xf32, #tpu.memory_space<vmem_shared>>
        tpu.enqueue_indirect_dma source(%arg20 : memref<128x32xf32, #tpu.memory_space<vmem>>) target(%dma_start3A_137 : memref<41088x32xf32, #tpu.memory_space<vmem_shared>>) offsets(%dma_start3A_134 : memref<128xi32, #tpu.memory_space<vmem>>) semaphore(%arg24 : memref<!tpu.dma_semaphore, #tpu.memory_space<semaphore_mem>>) {add = true}
        %dma_start3A_138 = arith.constant 0 : i32
        %dma_start3A_139 = tpu.memref_slice %arg16[%add3A_115, %dma_start3A_138] : memref<40x128xi32, #tpu.memory_space<vmem>> -> memref<1x128xi32, #tpu.memory_space<vmem>>
        %dma_start3A_140 = tpu.memref_squeeze %dma_start3A_139 : memref<1x128xi32, #tpu.memory_space<vmem>> -> memref<128xi32, #tpu.memory_space<vmem>>
        %dma_start3A_141 = arith.constant 0 : i32
        %dma_start3A_142 = arith.constant 0 : i32
        %dma_start3A_143 = tpu.memref_slice %arg11[%dma_start3A_141, %dma_start3A_142] : memref<41088x32xf32, #tpu.memory_space<vmem_shared>> -> memref<41088x32xf32, #tpu.memory_space<vmem_shared>>
        tpu.enqueue_indirect_dma source(%arg21 : memref<128x32xf32, #tpu.memory_space<vmem>>) target(%dma_start3A_143 : memref<41088x32xf32, #tpu.memory_space<vmem_shared>>) offsets(%dma_start3A_140 : memref<128xi32, #tpu.memory_space<vmem>>) semaphore(%arg24 : memref<!tpu.dma_semaphore, #tpu.memory_space<semaphore_mem>>) {add = true}
      } else {
      }
      %scan3A_125 = arith.constant 0 : i32
      scf.yield %scan3A_125 : i32
    }
    %scan3A_37 = arith.constant 20 : i32
    %convert_element_type3A_38 = arith.extui %eq3A_23 : i1 to i32
    %cond3A_39 = arith.constant 0 : i32
    %cond3A_40 = arith.cmpi ne, %convert_element_type3A_38, %cond3A_39 : i32
    scf.if %cond3A_40 {
      %scan3A_88 = arith.constant 0 : i32
      %scan3A_89 = arith.constant 0 : i32
      %scan3A_90 = arith.constant 120 : i32
      %scan3A_91 = arith.addi %scan3A_89, %scan3A_90 : i32
      %scan3A_92 = arith.constant 1 : i32
      %scan3A_93 = scf.for %scan3A_95 = %scan3A_89 to %scan3A_91 step %scan3A_92 iter_args(%scan3A_96 = %scan3A_88) -> (i32)  : i32 {
        %dma_wait3A = arith.constant 0 : i32
        %dma_wait3A_97 = arith.constant 0 : i32
        %dma_wait3A_98 = tpu.memref_slice %arg14[%dma_wait3A, %dma_wait3A_97] : memref<40x128xi32, #tpu.memory_space<vmem>> -> memref<1x128xi32, #tpu.memory_space<vmem>>
        %dma_wait3A_99 = tpu.memref_squeeze %dma_wait3A_98 : memref<1x128xi32, #tpu.memory_space<vmem>> -> memref<128xi32, #tpu.memory_space<vmem>>
        %dma_wait3A_100 = arith.constant 0 : i32
        %dma_wait3A_101 = arith.constant 0 : i32
        %dma_wait3A_102 = tpu.memref_slice %arg11[%dma_wait3A_100, %dma_wait3A_101] : memref<41088x32xf32, #tpu.memory_space<vmem_shared>> -> memref<41088x32xf32, #tpu.memory_space<vmem_shared>>
        tpu.wait_indirect_dma semaphore(%arg24 : memref<!tpu.dma_semaphore, #tpu.memory_space<semaphore_mem>>) src(%arg19 : memref<128x32xf32, #tpu.memory_space<vmem>>) dst(%dma_wait3A_102 : memref<41088x32xf32, #tpu.memory_space<vmem_shared>>)
        %scan3A_103 = arith.constant 0 : i32
        scf.yield %scan3A_103 : i32
      }
      %scan3A_94 = arith.constant 120 : i32
    } else {
    }
    %mul3A_41 = arith.constant 160 : i32
    %mul3A_42 = arith.muli %arg1, %mul3A_41 : i32
    %add3A_43 = arith.constant 80 : i32
    %add3A_44 = arith.addi %mul3A_42, %add3A_43 : i32
    "tpu.region"() ({
      %run_scoped3A = tpu.sem_alloc : memref<!tpu.dma_semaphore, #tpu.memory_space<semaphore_mem>>
      %dma_start3A_88 = arith.constant 0 : i32
      %dma_start3A_89 = tpu.memref_slice %arg2[%arg0, %add3A_44, %dma_start3A_88] : memref<2x2560x128xi32, #tpu.memory_space<hbm>> -> memref<1x40x128xi32, #tpu.memory_space<hbm>>
      %dma_start3A_90 = tpu.memref_squeeze %dma_start3A_89 : memref<1x40x128xi32, #tpu.memory_space<hbm>> -> memref<40x128xi32, #tpu.memory_space<hbm>>
      %dma_start3A_91 = arith.constant 0 : i32
      %dma_start3A_92 = tpu.memref_slice %arg2[%arg0, %add3A_44, %dma_start3A_91] : memref<2x2560x128xi32, #tpu.memory_space<hbm>> -> memref<1x40x128xi32, #tpu.memory_space<hbm>>
      %dma_start3A_93 = tpu.memref_squeeze %dma_start3A_92 : memref<1x40x128xi32, #tpu.memory_space<hbm>> -> memref<40x128xi32, #tpu.memory_space<hbm>>
      tpu.enqueue_dma source(%dma_start3A_93 : memref<40x128xi32, #tpu.memory_space<hbm>>) target(%arg12 : memref<40x128xi32, #tpu.memory_space<vmem>>) target_semaphore(%run_scoped3A : memref<!tpu.dma_semaphore, #tpu.memory_space<semaphore_mem>>)
      %dma_wait3A = arith.constant 0 : i32
      %dma_wait3A_94 = tpu.memref_slice %arg2[%arg0, %add3A_44, %dma_wait3A] : memref<2x2560x128xi32, #tpu.memory_space<hbm>> -> memref<1x40x128xi32, #tpu.memory_space<hbm>>
      %dma_wait3A_95 = tpu.memref_squeeze %dma_wait3A_94 : memref<1x40x128xi32, #tpu.memory_space<hbm>> -> memref<40x128xi32, #tpu.memory_space<hbm>>
      %dma_wait3A_96 = arith.constant 0 : i32
      %dma_wait3A_97 = tpu.memref_slice %arg2[%arg0, %add3A_44, %dma_wait3A_96] : memref<2x2560x128xi32, #tpu.memory_space<hbm>> -> memref<1x40x128xi32, #tpu.memory_space<hbm>>
      %dma_wait3A_98 = tpu.memref_squeeze %dma_wait3A_97 : memref<1x40x128xi32, #tpu.memory_space<hbm>> -> memref<40x128xi32, #tpu.memory_space<hbm>>
      tpu.wait_dma2 semaphore(%run_scoped3A : memref<!tpu.dma_semaphore, #tpu.memory_space<semaphore_mem>>) src(%dma_wait3A_98 : memref<40x128xi32, #tpu.memory_space<hbm>>) dst(%arg12 : memref<40x128xi32, #tpu.memory_space<vmem>>)
      tpu.yield
    }) : () -> ()
    "tpu.region"() ({
      %run_scoped3A = tpu.sem_alloc : memref<!tpu.dma_semaphore, #tpu.memory_space<semaphore_mem>>
      %dma_start3A_88 = arith.constant 0 : i32
      %dma_start3A_89 = tpu.memref_slice %arg3[%add3A_44, %dma_start3A_88] : memref<2560x128xi32, #tpu.memory_space<hbm>> -> memref<40x128xi32, #tpu.memory_space<hbm>>
      %dma_start3A_90 = arith.constant 0 : i32
      %dma_start3A_91 = tpu.memref_slice %arg3[%add3A_44, %dma_start3A_90] : memref<2560x128xi32, #tpu.memory_space<hbm>> -> memref<40x128xi32, #tpu.memory_space<hbm>>
      tpu.enqueue_dma source(%dma_start3A_91 : memref<40x128xi32, #tpu.memory_space<hbm>>) target(%arg13 : memref<40x128xi32, #tpu.memory_space<vmem>>) target_semaphore(%run_scoped3A : memref<!tpu.dma_semaphore, #tpu.memory_space<semaphore_mem>>)
      %dma_wait3A = arith.constant 0 : i32
      %dma_wait3A_92 = tpu.memref_slice %arg3[%add3A_44, %dma_wait3A] : memref<2560x128xi32, #tpu.memory_space<hbm>> -> memref<40x128xi32, #tpu.memory_space<hbm>>
      %dma_wait3A_93 = arith.constant 0 : i32
      %dma_wait3A_94 = tpu.memref_slice %arg3[%add3A_44, %dma_wait3A_93] : memref<2560x128xi32, #tpu.memory_space<hbm>> -> memref<40x128xi32, #tpu.memory_space<hbm>>
      tpu.wait_dma2 semaphore(%run_scoped3A : memref<!tpu.dma_semaphore, #tpu.memory_space<semaphore_mem>>) src(%dma_wait3A_94 : memref<40x128xi32, #tpu.memory_space<hbm>>) dst(%arg13 : memref<40x128xi32, #tpu.memory_space<vmem>>)
      tpu.yield
    }) : () -> ()
    "tpu.region"() ({
      %run_scoped3A = tpu.sem_alloc : memref<!tpu.dma_semaphore, #tpu.memory_space<semaphore_mem>>
      %dma_start3A_88 = arith.constant 0 : i32
      %dma_start3A_89 = tpu.memref_slice %arg4[%add3A_44, %dma_start3A_88] : memref<2560x128xi32, #tpu.memory_space<hbm>> -> memref<40x128xi32, #tpu.memory_space<hbm>>
      %dma_start3A_90 = arith.constant 0 : i32
      %dma_start3A_91 = tpu.memref_slice %arg4[%add3A_44, %dma_start3A_90] : memref<2560x128xi32, #tpu.memory_space<hbm>> -> memref<40x128xi32, #tpu.memory_space<hbm>>
      tpu.enqueue_dma source(%dma_start3A_91 : memref<40x128xi32, #tpu.memory_space<hbm>>) target(%arg14 : memref<40x128xi32, #tpu.memory_space<vmem>>) target_semaphore(%run_scoped3A : memref<!tpu.dma_semaphore, #tpu.memory_space<semaphore_mem>>)
      %dma_wait3A = arith.constant 0 : i32
      %dma_wait3A_92 = tpu.memref_slice %arg4[%add3A_44, %dma_wait3A] : memref<2560x128xi32, #tpu.memory_space<hbm>> -> memref<40x128xi32, #tpu.memory_space<hbm>>
      %dma_wait3A_93 = arith.constant 0 : i32
      %dma_wait3A_94 = tpu.memref_slice %arg4[%add3A_44, %dma_wait3A_93] : memref<2560x128xi32, #tpu.memory_space<hbm>> -> memref<40x128xi32, #tpu.memory_space<hbm>>
      tpu.wait_dma2 semaphore(%run_scoped3A : memref<!tpu.dma_semaphore, #tpu.memory_space<semaphore_mem>>) src(%dma_wait3A_94 : memref<40x128xi32, #tpu.memory_space<hbm>>) dst(%arg14 : memref<40x128xi32, #tpu.memory_space<vmem>>)
      tpu.yield
    }) : () -> ()
    "tpu.region"() ({
      %run_scoped3A = tpu.sem_alloc : memref<!tpu.dma_semaphore, #tpu.memory_space<semaphore_mem>>
      %dma_start3A_88 = arith.constant 0 : i32
      %dma_start3A_89 = tpu.memref_slice %arg5[%add3A_44, %dma_start3A_88] : memref<2560x128xi32, #tpu.memory_space<hbm>> -> memref<40x128xi32, #tpu.memory_space<hbm>>
      %dma_start3A_90 = arith.constant 0 : i32
      %dma_start3A_91 = tpu.memref_slice %arg5[%add3A_44, %dma_start3A_90] : memref<2560x128xi32, #tpu.memory_space<hbm>> -> memref<40x128xi32, #tpu.memory_space<hbm>>
      tpu.enqueue_dma source(%dma_start3A_91 : memref<40x128xi32, #tpu.memory_space<hbm>>) target(%arg15 : memref<40x128xi32, #tpu.memory_space<vmem>>) target_semaphore(%run_scoped3A : memref<!tpu.dma_semaphore, #tpu.memory_space<semaphore_mem>>)
      %dma_wait3A = arith.constant 0 : i32
      %dma_wait3A_92 = tpu.memref_slice %arg5[%add3A_44, %dma_wait3A] : memref<2560x128xi32, #tpu.memory_space<hbm>> -> memref<40x128xi32, #tpu.memory_space<hbm>>
      %dma_wait3A_93 = arith.constant 0 : i32
      %dma_wait3A_94 = tpu.memref_slice %arg5[%add3A_44, %dma_wait3A_93] : memref<2560x128xi32, #tpu.memory_space<hbm>> -> memref<40x128xi32, #tpu.memory_space<hbm>>
      tpu.wait_dma2 semaphore(%run_scoped3A : memref<!tpu.dma_semaphore, #tpu.memory_space<semaphore_mem>>) src(%dma_wait3A_94 : memref<40x128xi32, #tpu.memory_space<hbm>>) dst(%arg15 : memref<40x128xi32, #tpu.memory_space<vmem>>)
      tpu.yield
    }) : () -> ()
    "tpu.region"() ({
      %run_scoped3A = tpu.sem_alloc : memref<!tpu.dma_semaphore, #tpu.memory_space<semaphore_mem>>
      %dma_start3A_88 = arith.constant 0 : i32
      %dma_start3A_89 = tpu.memref_slice %arg6[%add3A_44, %dma_start3A_88] : memref<2560x128xi32, #tpu.memory_space<hbm>> -> memref<40x128xi32, #tpu.memory_space<hbm>>
      %dma_start3A_90 = arith.constant 0 : i32
      %dma_start3A_91 = tpu.memref_slice %arg6[%add3A_44, %dma_start3A_90] : memref<2560x128xi32, #tpu.memory_space<hbm>> -> memref<40x128xi32, #tpu.memory_space<hbm>>
      tpu.enqueue_dma source(%dma_start3A_91 : memref<40x128xi32, #tpu.memory_space<hbm>>) target(%arg16 : memref<40x128xi32, #tpu.memory_space<vmem>>) target_semaphore(%run_scoped3A : memref<!tpu.dma_semaphore, #tpu.memory_space<semaphore_mem>>)
      %dma_wait3A = arith.constant 0 : i32
      %dma_wait3A_92 = tpu.memref_slice %arg6[%add3A_44, %dma_wait3A] : memref<2560x128xi32, #tpu.memory_space<hbm>> -> memref<40x128xi32, #tpu.memory_space<hbm>>
      %dma_wait3A_93 = arith.constant 0 : i32
      %dma_wait3A_94 = tpu.memref_slice %arg6[%add3A_44, %dma_wait3A_93] : memref<2560x128xi32, #tpu.memory_space<hbm>> -> memref<40x128xi32, #tpu.memory_space<hbm>>
      tpu.wait_dma2 semaphore(%run_scoped3A : memref<!tpu.dma_semaphore, #tpu.memory_space<semaphore_mem>>) src(%dma_wait3A_94 : memref<40x128xi32, #tpu.memory_space<hbm>>) dst(%arg16 : memref<40x128xi32, #tpu.memory_space<vmem>>)
      tpu.yield
    }) : () -> ()
    %eq3A_45 = arith.constant 1 : i32
    %eq3A_46 = arith.cmpi eq, %arg0, %eq3A_45 : i32
    %dma_start3A_47 = arith.constant 0 : i32
    %dma_start3A_48 = arith.constant 0 : i32
    %dma_start3A_49 = tpu.memref_slice %arg12[%dma_start3A_47, %dma_start3A_48] : memref<40x128xi32, #tpu.memory_space<vmem>> -> memref<1x128xi32, #tpu.memory_space<vmem>>
    %dma_start3A_50 = tpu.memref_squeeze %dma_start3A_49 : memref<1x128xi32, #tpu.memory_space<vmem>> -> memref<128xi32, #tpu.memory_space<vmem>>
    %dma_start3A_51 = arith.constant 0 : i32
    %dma_start3A_52 = arith.constant 0 : i32
    %dma_start3A_53 = tpu.memref_slice %arg7[%dma_start3A_51, %dma_start3A_52] : memref<40000x32xf32, #tpu.memory_space<hbm>> -> memref<40000x32xf32, #tpu.memory_space<hbm>>
    tpu.enqueue_indirect_dma source(%dma_start3A_53 : memref<40000x32xf32, #tpu.memory_space<hbm>>) target(%arg17 : memref<128x32xf32, #tpu.memory_space<vmem>>) offsets(%dma_start3A_50 : memref<128xi32, #tpu.memory_space<vmem>>) semaphore(%arg22 : memref<!tpu.dma_semaphore, #tpu.memory_space<semaphore_mem>>)
    %scan3A_54 = arith.constant 0 : i32
    %scan3A_55 = arith.constant 0 : i32
    %scan3A_56 = arith.constant 20 : i32
    %scan3A_57 = arith.addi %scan3A_55, %scan3A_56 : i32
    %scan3A_58 = arith.constant 1 : i32
    %scan3A_59 = scf.for %scan3A_88 = %scan3A_55 to %scan3A_57 step %scan3A_58 iter_args(%scan3A_89 = %scan3A_54) -> (i32)  : i32 {
      %mul3A_90 = arith.constant 2 : i32
      %mul3A_91 = arith.muli %mul3A_90, %scan3A_88 : i32
      %add3A_92 = arith.constant 1 : i32
      %add3A_93 = arith.addi %mul3A_91, %add3A_92 : i32
      %dma_start3A_94 = arith.constant 0 : i32
      %dma_start3A_95 = tpu.memref_slice %arg12[%add3A_93, %dma_start3A_94] : memref<40x128xi32, #tpu.memory_space<vmem>> -> memref<1x128xi32, #tpu.memory_space<vmem>>
      %dma_start3A_96 = tpu.memref_squeeze %dma_start3A_95 : memref<1x128xi32, #tpu.memory_space<vmem>> -> memref<128xi32, #tpu.memory_space<vmem>>
      %dma_start3A_97 = arith.constant 0 : i32
      %dma_start3A_98 = arith.constant 0 : i32
      %dma_start3A_99 = tpu.memref_slice %arg7[%dma_start3A_97, %dma_start3A_98] : memref<40000x32xf32, #tpu.memory_space<hbm>> -> memref<40000x32xf32, #tpu.memory_space<hbm>>
      tpu.enqueue_indirect_dma source(%dma_start3A_99 : memref<40000x32xf32, #tpu.memory_space<hbm>>) target(%arg18 : memref<128x32xf32, #tpu.memory_space<vmem>>) offsets(%dma_start3A_96 : memref<128xi32, #tpu.memory_space<vmem>>) semaphore(%arg23 : memref<!tpu.dma_semaphore, #tpu.memory_space<semaphore_mem>>)
      %dma_wait3A = arith.constant 0 : i32
      %dma_wait3A_100 = tpu.memref_slice %arg12[%mul3A_91, %dma_wait3A] : memref<40x128xi32, #tpu.memory_space<vmem>> -> memref<1x128xi32, #tpu.memory_space<vmem>>
      %dma_wait3A_101 = tpu.memref_squeeze %dma_wait3A_100 : memref<1x128xi32, #tpu.memory_space<vmem>> -> memref<128xi32, #tpu.memory_space<vmem>>
      %dma_wait3A_102 = arith.constant 0 : i32
      %dma_wait3A_103 = arith.constant 0 : i32
      %dma_wait3A_104 = tpu.memref_slice %arg7[%dma_wait3A_102, %dma_wait3A_103] : memref<40000x32xf32, #tpu.memory_space<hbm>> -> memref<40000x32xf32, #tpu.memory_space<hbm>>
      tpu.wait_indirect_dma semaphore(%arg22 : memref<!tpu.dma_semaphore, #tpu.memory_space<semaphore_mem>>) src(%dma_wait3A_104 : memref<40000x32xf32, #tpu.memory_space<hbm>>) dst(%arg17 : memref<128x32xf32, #tpu.memory_space<vmem>>)
      "tpu.region"() ({
        %run_scoped3A = tpu.sem_alloc : memref<!tpu.dma_semaphore, #tpu.memory_space<semaphore_mem>>
        %dma_start3A_126 = arith.constant 0 : i32
        %dma_start3A_127 = tpu.memref_slice %arg13[%mul3A_91, %dma_start3A_126] : memref<40x128xi32, #tpu.memory_space<vmem>> -> memref<1x128xi32, #tpu.memory_space<vmem>>
        %dma_start3A_128 = tpu.memref_squeeze %dma_start3A_127 : memref<1x128xi32, #tpu.memory_space<vmem>> -> memref<128xi32, #tpu.memory_space<vmem>>
        %dma_start3A_129 = arith.constant 0 : i32
        %dma_start3A_130 = arith.constant 0 : i32
        %dma_start3A_131 = tpu.memref_slice %arg11[%dma_start3A_129, %dma_start3A_130] : memref<41088x32xf32, #tpu.memory_space<vmem_shared>> -> memref<41088x32xf32, #tpu.memory_space<vmem_shared>>
        tpu.enqueue_indirect_dma source(%arg17 : memref<128x32xf32, #tpu.memory_space<vmem>>) target(%dma_start3A_131 : memref<41088x32xf32, #tpu.memory_space<vmem_shared>>) offsets(%dma_start3A_128 : memref<128xi32, #tpu.memory_space<vmem>>) semaphore(%run_scoped3A : memref<!tpu.dma_semaphore, #tpu.memory_space<semaphore_mem>>) {add = true}
        %dma_wait3A_132 = arith.constant 0 : i32
        %dma_wait3A_133 = tpu.memref_slice %arg13[%mul3A_91, %dma_wait3A_132] : memref<40x128xi32, #tpu.memory_space<vmem>> -> memref<1x128xi32, #tpu.memory_space<vmem>>
        %dma_wait3A_134 = tpu.memref_squeeze %dma_wait3A_133 : memref<1x128xi32, #tpu.memory_space<vmem>> -> memref<128xi32, #tpu.memory_space<vmem>>
        %dma_wait3A_135 = arith.constant 0 : i32
        %dma_wait3A_136 = arith.constant 0 : i32
        %dma_wait3A_137 = tpu.memref_slice %arg11[%dma_wait3A_135, %dma_wait3A_136] : memref<41088x32xf32, #tpu.memory_space<vmem_shared>> -> memref<41088x32xf32, #tpu.memory_space<vmem_shared>>
        tpu.wait_indirect_dma semaphore(%run_scoped3A : memref<!tpu.dma_semaphore, #tpu.memory_space<semaphore_mem>>) src(%arg17 : memref<128x32xf32, #tpu.memory_space<vmem>>) dst(%dma_wait3A_137 : memref<41088x32xf32, #tpu.memory_space<vmem_shared>>)
        tpu.yield
      }) : () -> ()
      %convert_element_type3A_105 = arith.extui %eq3A_46 : i1 to i32
      %cond3A_106 = arith.constant 0 : i32
      %cond3A_107 = arith.cmpi ne, %convert_element_type3A_105, %cond3A_106 : i32
      scf.if %cond3A_107 {
        %dma_start3A_126 = arith.constant 0 : i32
        %dma_start3A_127 = tpu.memref_slice %arg14[%mul3A_91, %dma_start3A_126] : memref<40x128xi32, #tpu.memory_space<vmem>> -> memref<1x128xi32, #tpu.memory_space<vmem>>
        %dma_start3A_128 = tpu.memref_squeeze %dma_start3A_127 : memref<1x128xi32, #tpu.memory_space<vmem>> -> memref<128xi32, #tpu.memory_space<vmem>>
        %dma_start3A_129 = arith.constant 0 : i32
        %dma_start3A_130 = arith.constant 0 : i32
        %dma_start3A_131 = tpu.memref_slice %arg11[%dma_start3A_129, %dma_start3A_130] : memref<41088x32xf32, #tpu.memory_space<vmem_shared>> -> memref<41088x32xf32, #tpu.memory_space<vmem_shared>>
        tpu.enqueue_indirect_dma source(%arg19 : memref<128x32xf32, #tpu.memory_space<vmem>>) target(%dma_start3A_131 : memref<41088x32xf32, #tpu.memory_space<vmem_shared>>) offsets(%dma_start3A_128 : memref<128xi32, #tpu.memory_space<vmem>>) semaphore(%arg24 : memref<!tpu.dma_semaphore, #tpu.memory_space<semaphore_mem>>) {add = true}
        %dma_start3A_132 = arith.constant 0 : i32
        %dma_start3A_133 = tpu.memref_slice %arg15[%mul3A_91, %dma_start3A_132] : memref<40x128xi32, #tpu.memory_space<vmem>> -> memref<1x128xi32, #tpu.memory_space<vmem>>
        %dma_start3A_134 = tpu.memref_squeeze %dma_start3A_133 : memref<1x128xi32, #tpu.memory_space<vmem>> -> memref<128xi32, #tpu.memory_space<vmem>>
        %dma_start3A_135 = arith.constant 0 : i32
        %dma_start3A_136 = arith.constant 0 : i32
        %dma_start3A_137 = tpu.memref_slice %arg11[%dma_start3A_135, %dma_start3A_136] : memref<41088x32xf32, #tpu.memory_space<vmem_shared>> -> memref<41088x32xf32, #tpu.memory_space<vmem_shared>>
        tpu.enqueue_indirect_dma source(%arg20 : memref<128x32xf32, #tpu.memory_space<vmem>>) target(%dma_start3A_137 : memref<41088x32xf32, #tpu.memory_space<vmem_shared>>) offsets(%dma_start3A_134 : memref<128xi32, #tpu.memory_space<vmem>>) semaphore(%arg24 : memref<!tpu.dma_semaphore, #tpu.memory_space<semaphore_mem>>) {add = true}
        %dma_start3A_138 = arith.constant 0 : i32
        %dma_start3A_139 = tpu.memref_slice %arg16[%mul3A_91, %dma_start3A_138] : memref<40x128xi32, #tpu.memory_space<vmem>> -> memref<1x128xi32, #tpu.memory_space<vmem>>
        %dma_start3A_140 = tpu.memref_squeeze %dma_start3A_139 : memref<1x128xi32, #tpu.memory_space<vmem>> -> memref<128xi32, #tpu.memory_space<vmem>>
        %dma_start3A_141 = arith.constant 0 : i32
        %dma_start3A_142 = arith.constant 0 : i32
        %dma_start3A_143 = tpu.memref_slice %arg11[%dma_start3A_141, %dma_start3A_142] : memref<41088x32xf32, #tpu.memory_space<vmem_shared>> -> memref<41088x32xf32, #tpu.memory_space<vmem_shared>>
        tpu.enqueue_indirect_dma source(%arg21 : memref<128x32xf32, #tpu.memory_space<vmem>>) target(%dma_start3A_143 : memref<41088x32xf32, #tpu.memory_space<vmem_shared>>) offsets(%dma_start3A_140 : memref<128xi32, #tpu.memory_space<vmem>>) semaphore(%arg24 : memref<!tpu.dma_semaphore, #tpu.memory_space<semaphore_mem>>) {add = true}
      } else {
      }
      %add3A_108 = arith.constant 2 : i32
      %add3A_109 = arith.addi %mul3A_91, %add3A_108 : i32
      %lt3A = arith.constant 40 : i32
      %lt3A_110 = arith.cmpi slt, %add3A_109, %lt3A : i32
      %convert_element_type3A_111 = arith.extui %lt3A_110 : i1 to i32
      %cond3A_112 = arith.constant 0 : i32
      %cond3A_113 = arith.cmpi ne, %convert_element_type3A_111, %cond3A_112 : i32
      scf.if %cond3A_113 {
        %add3A_126 = arith.constant 2 : i32
        %add3A_127 = arith.addi %mul3A_91, %add3A_126 : i32
        %dma_start3A_128 = arith.constant 0 : i32
        %dma_start3A_129 = tpu.memref_slice %arg12[%add3A_127, %dma_start3A_128] : memref<40x128xi32, #tpu.memory_space<vmem>> -> memref<1x128xi32, #tpu.memory_space<vmem>>
        %dma_start3A_130 = tpu.memref_squeeze %dma_start3A_129 : memref<1x128xi32, #tpu.memory_space<vmem>> -> memref<128xi32, #tpu.memory_space<vmem>>
        %dma_start3A_131 = arith.constant 0 : i32
        %dma_start3A_132 = arith.constant 0 : i32
        %dma_start3A_133 = tpu.memref_slice %arg7[%dma_start3A_131, %dma_start3A_132] : memref<40000x32xf32, #tpu.memory_space<hbm>> -> memref<40000x32xf32, #tpu.memory_space<hbm>>
        tpu.enqueue_indirect_dma source(%dma_start3A_133 : memref<40000x32xf32, #tpu.memory_space<hbm>>) target(%arg17 : memref<128x32xf32, #tpu.memory_space<vmem>>) offsets(%dma_start3A_130 : memref<128xi32, #tpu.memory_space<vmem>>) semaphore(%arg22 : memref<!tpu.dma_semaphore, #tpu.memory_space<semaphore_mem>>)
      } else {
      }
      %add3A_114 = arith.constant 1 : i32
      %add3A_115 = arith.addi %mul3A_91, %add3A_114 : i32
      %dma_wait3A_116 = arith.constant 0 : i32
      %dma_wait3A_117 = tpu.memref_slice %arg12[%add3A_115, %dma_wait3A_116] : memref<40x128xi32, #tpu.memory_space<vmem>> -> memref<1x128xi32, #tpu.memory_space<vmem>>
      %dma_wait3A_118 = tpu.memref_squeeze %dma_wait3A_117 : memref<1x128xi32, #tpu.memory_space<vmem>> -> memref<128xi32, #tpu.memory_space<vmem>>
      %dma_wait3A_119 = arith.constant 0 : i32
      %dma_wait3A_120 = arith.constant 0 : i32
      %dma_wait3A_121 = tpu.memref_slice %arg7[%dma_wait3A_119, %dma_wait3A_120] : memref<40000x32xf32, #tpu.memory_space<hbm>> -> memref<40000x32xf32, #tpu.memory_space<hbm>>
      tpu.wait_indirect_dma semaphore(%arg23 : memref<!tpu.dma_semaphore, #tpu.memory_space<semaphore_mem>>) src(%dma_wait3A_121 : memref<40000x32xf32, #tpu.memory_space<hbm>>) dst(%arg18 : memref<128x32xf32, #tpu.memory_space<vmem>>)
      "tpu.region"() ({
        %run_scoped3A = tpu.sem_alloc : memref<!tpu.dma_semaphore, #tpu.memory_space<semaphore_mem>>
        %dma_start3A_126 = arith.constant 0 : i32
        %dma_start3A_127 = tpu.memref_slice %arg13[%add3A_115, %dma_start3A_126] : memref<40x128xi32, #tpu.memory_space<vmem>> -> memref<1x128xi32, #tpu.memory_space<vmem>>
        %dma_start3A_128 = tpu.memref_squeeze %dma_start3A_127 : memref<1x128xi32, #tpu.memory_space<vmem>> -> memref<128xi32, #tpu.memory_space<vmem>>
        %dma_start3A_129 = arith.constant 0 : i32
        %dma_start3A_130 = arith.constant 0 : i32
        %dma_start3A_131 = tpu.memref_slice %arg11[%dma_start3A_129, %dma_start3A_130] : memref<41088x32xf32, #tpu.memory_space<vmem_shared>> -> memref<41088x32xf32, #tpu.memory_space<vmem_shared>>
        tpu.enqueue_indirect_dma source(%arg18 : memref<128x32xf32, #tpu.memory_space<vmem>>) target(%dma_start3A_131 : memref<41088x32xf32, #tpu.memory_space<vmem_shared>>) offsets(%dma_start3A_128 : memref<128xi32, #tpu.memory_space<vmem>>) semaphore(%run_scoped3A : memref<!tpu.dma_semaphore, #tpu.memory_space<semaphore_mem>>) {add = true}
        %dma_wait3A_132 = arith.constant 0 : i32
        %dma_wait3A_133 = tpu.memref_slice %arg13[%add3A_115, %dma_wait3A_132] : memref<40x128xi32, #tpu.memory_space<vmem>> -> memref<1x128xi32, #tpu.memory_space<vmem>>
        %dma_wait3A_134 = tpu.memref_squeeze %dma_wait3A_133 : memref<1x128xi32, #tpu.memory_space<vmem>> -> memref<128xi32, #tpu.memory_space<vmem>>
        %dma_wait3A_135 = arith.constant 0 : i32
        %dma_wait3A_136 = arith.constant 0 : i32
        %dma_wait3A_137 = tpu.memref_slice %arg11[%dma_wait3A_135, %dma_wait3A_136] : memref<41088x32xf32, #tpu.memory_space<vmem_shared>> -> memref<41088x32xf32, #tpu.memory_space<vmem_shared>>
        tpu.wait_indirect_dma semaphore(%run_scoped3A : memref<!tpu.dma_semaphore, #tpu.memory_space<semaphore_mem>>) src(%arg18 : memref<128x32xf32, #tpu.memory_space<vmem>>) dst(%dma_wait3A_137 : memref<41088x32xf32, #tpu.memory_space<vmem_shared>>)
        tpu.yield
      }) : () -> ()
      %convert_element_type3A_122 = arith.extui %eq3A_46 : i1 to i32
      %cond3A_123 = arith.constant 0 : i32
      %cond3A_124 = arith.cmpi ne, %convert_element_type3A_122, %cond3A_123 : i32
      scf.if %cond3A_124 {
        %dma_start3A_126 = arith.constant 0 : i32
        %dma_start3A_127 = tpu.memref_slice %arg14[%add3A_115, %dma_start3A_126] : memref<40x128xi32, #tpu.memory_space<vmem>> -> memref<1x128xi32, #tpu.memory_space<vmem>>
        %dma_start3A_128 = tpu.memref_squeeze %dma_start3A_127 : memref<1x128xi32, #tpu.memory_space<vmem>> -> memref<128xi32, #tpu.memory_space<vmem>>
        %dma_start3A_129 = arith.constant 0 : i32
        %dma_start3A_130 = arith.constant 0 : i32
        %dma_start3A_131 = tpu.memref_slice %arg11[%dma_start3A_129, %dma_start3A_130] : memref<41088x32xf32, #tpu.memory_space<vmem_shared>> -> memref<41088x32xf32, #tpu.memory_space<vmem_shared>>
        tpu.enqueue_indirect_dma source(%arg19 : memref<128x32xf32, #tpu.memory_space<vmem>>) target(%dma_start3A_131 : memref<41088x32xf32, #tpu.memory_space<vmem_shared>>) offsets(%dma_start3A_128 : memref<128xi32, #tpu.memory_space<vmem>>) semaphore(%arg24 : memref<!tpu.dma_semaphore, #tpu.memory_space<semaphore_mem>>) {add = true}
        %dma_start3A_132 = arith.constant 0 : i32
        %dma_start3A_133 = tpu.memref_slice %arg15[%add3A_115, %dma_start3A_132] : memref<40x128xi32, #tpu.memory_space<vmem>> -> memref<1x128xi32, #tpu.memory_space<vmem>>
        %dma_start3A_134 = tpu.memref_squeeze %dma_start3A_133 : memref<1x128xi32, #tpu.memory_space<vmem>> -> memref<128xi32, #tpu.memory_space<vmem>>
        %dma_start3A_135 = arith.constant 0 : i32
        %dma_start3A_136 = arith.constant 0 : i32
        %dma_start3A_137 = tpu.memref_slice %arg11[%dma_start3A_135, %dma_start3A_136] : memref<41088x32xf32, #tpu.memory_space<vmem_shared>> -> memref<41088x32xf32, #tpu.memory_space<vmem_shared>>
        tpu.enqueue_indirect_dma source(%arg20 : memref<128x32xf32, #tpu.memory_space<vmem>>) target(%dma_start3A_137 : memref<41088x32xf32, #tpu.memory_space<vmem_shared>>) offsets(%dma_start3A_134 : memref<128xi32, #tpu.memory_space<vmem>>) semaphore(%arg24 : memref<!tpu.dma_semaphore, #tpu.memory_space<semaphore_mem>>) {add = true}
        %dma_start3A_138 = arith.constant 0 : i32
        %dma_start3A_139 = tpu.memref_slice %arg16[%add3A_115, %dma_start3A_138] : memref<40x128xi32, #tpu.memory_space<vmem>> -> memref<1x128xi32, #tpu.memory_space<vmem>>
        %dma_start3A_140 = tpu.memref_squeeze %dma_start3A_139 : memref<1x128xi32, #tpu.memory_space<vmem>> -> memref<128xi32, #tpu.memory_space<vmem>>
        %dma_start3A_141 = arith.constant 0 : i32
        %dma_start3A_142 = arith.constant 0 : i32
        %dma_start3A_143 = tpu.memref_slice %arg11[%dma_start3A_141, %dma_start3A_142] : memref<41088x32xf32, #tpu.memory_space<vmem_shared>> -> memref<41088x32xf32, #tpu.memory_space<vmem_shared>>
        tpu.enqueue_indirect_dma source(%arg21 : memref<128x32xf32, #tpu.memory_space<vmem>>) target(%dma_start3A_143 : memref<41088x32xf32, #tpu.memory_space<vmem_shared>>) offsets(%dma_start3A_140 : memref<128xi32, #tpu.memory_space<vmem>>) semaphore(%arg24 : memref<!tpu.dma_semaphore, #tpu.memory_space<semaphore_mem>>) {add = true}
      } else {
      }
      %scan3A_125 = arith.constant 0 : i32
      scf.yield %scan3A_125 : i32
    }
    %scan3A_60 = arith.constant 20 : i32
    %convert_element_type3A_61 = arith.extui %eq3A_46 : i1 to i32
    %cond3A_62 = arith.constant 0 : i32
    %cond3A_63 = arith.cmpi ne, %convert_element_type3A_61, %cond3A_62 : i32
    scf.if %cond3A_63 {
      %scan3A_88 = arith.constant 0 : i32
      %scan3A_89 = arith.constant 0 : i32
      %scan3A_90 = arith.constant 120 : i32
      %scan3A_91 = arith.addi %scan3A_89, %scan3A_90 : i32
      %scan3A_92 = arith.constant 1 : i32
      %scan3A_93 = scf.for %scan3A_95 = %scan3A_89 to %scan3A_91 step %scan3A_92 iter_args(%scan3A_96 = %scan3A_88) -> (i32)  : i32 {
        %dma_wait3A = arith.constant 0 : i32
        %dma_wait3A_97 = arith.constant 0 : i32
        %dma_wait3A_98 = tpu.memref_slice %arg14[%dma_wait3A, %dma_wait3A_97] : memref<40x128xi32, #tpu.memory_space<vmem>> -> memref<1x128xi32, #tpu.memory_space<vmem>>
        %dma_wait3A_99 = tpu.memref_squeeze %dma_wait3A_98 : memref<1x128xi32, #tpu.memory_space<vmem>> -> memref<128xi32, #tpu.memory_space<vmem>>
        %dma_wait3A_100 = arith.constant 0 : i32
        %dma_wait3A_101 = arith.constant 0 : i32
        %dma_wait3A_102 = tpu.memref_slice %arg11[%dma_wait3A_100, %dma_wait3A_101] : memref<41088x32xf32, #tpu.memory_space<vmem_shared>> -> memref<41088x32xf32, #tpu.memory_space<vmem_shared>>
        tpu.wait_indirect_dma semaphore(%arg24 : memref<!tpu.dma_semaphore, #tpu.memory_space<semaphore_mem>>) src(%arg19 : memref<128x32xf32, #tpu.memory_space<vmem>>) dst(%dma_wait3A_102 : memref<41088x32xf32, #tpu.memory_space<vmem_shared>>)
        %scan3A_103 = arith.constant 0 : i32
        scf.yield %scan3A_103 : i32
      }
      %scan3A_94 = arith.constant 120 : i32
    } else {
    }
    %mul3A_64 = arith.constant 160 : i32
    %mul3A_65 = arith.muli %arg1, %mul3A_64 : i32
    %add3A_66 = arith.constant 120 : i32
    %add3A_67 = arith.addi %mul3A_65, %add3A_66 : i32
    "tpu.region"() ({
      %run_scoped3A = tpu.sem_alloc : memref<!tpu.dma_semaphore, #tpu.memory_space<semaphore_mem>>
      %dma_start3A_88 = arith.constant 0 : i32
      %dma_start3A_89 = tpu.memref_slice %arg2[%arg0, %add3A_67, %dma_start3A_88] : memref<2x2560x128xi32, #tpu.memory_space<hbm>> -> memref<1x40x128xi32, #tpu.memory_space<hbm>>
      %dma_start3A_90 = tpu.memref_squeeze %dma_start3A_89 : memref<1x40x128xi32, #tpu.memory_space<hbm>> -> memref<40x128xi32, #tpu.memory_space<hbm>>
      %dma_start3A_91 = arith.constant 0 : i32
      %dma_start3A_92 = tpu.memref_slice %arg2[%arg0, %add3A_67, %dma_start3A_91] : memref<2x2560x128xi32, #tpu.memory_space<hbm>> -> memref<1x40x128xi32, #tpu.memory_space<hbm>>
      %dma_start3A_93 = tpu.memref_squeeze %dma_start3A_92 : memref<1x40x128xi32, #tpu.memory_space<hbm>> -> memref<40x128xi32, #tpu.memory_space<hbm>>
      tpu.enqueue_dma source(%dma_start3A_93 : memref<40x128xi32, #tpu.memory_space<hbm>>) target(%arg12 : memref<40x128xi32, #tpu.memory_space<vmem>>) target_semaphore(%run_scoped3A : memref<!tpu.dma_semaphore, #tpu.memory_space<semaphore_mem>>)
      %dma_wait3A = arith.constant 0 : i32
      %dma_wait3A_94 = tpu.memref_slice %arg2[%arg0, %add3A_67, %dma_wait3A] : memref<2x2560x128xi32, #tpu.memory_space<hbm>> -> memref<1x40x128xi32, #tpu.memory_space<hbm>>
      %dma_wait3A_95 = tpu.memref_squeeze %dma_wait3A_94 : memref<1x40x128xi32, #tpu.memory_space<hbm>> -> memref<40x128xi32, #tpu.memory_space<hbm>>
      %dma_wait3A_96 = arith.constant 0 : i32
      %dma_wait3A_97 = tpu.memref_slice %arg2[%arg0, %add3A_67, %dma_wait3A_96] : memref<2x2560x128xi32, #tpu.memory_space<hbm>> -> memref<1x40x128xi32, #tpu.memory_space<hbm>>
      %dma_wait3A_98 = tpu.memref_squeeze %dma_wait3A_97 : memref<1x40x128xi32, #tpu.memory_space<hbm>> -> memref<40x128xi32, #tpu.memory_space<hbm>>
      tpu.wait_dma2 semaphore(%run_scoped3A : memref<!tpu.dma_semaphore, #tpu.memory_space<semaphore_mem>>) src(%dma_wait3A_98 : memref<40x128xi32, #tpu.memory_space<hbm>>) dst(%arg12 : memref<40x128xi32, #tpu.memory_space<vmem>>)
      tpu.yield
    }) : () -> ()
    "tpu.region"() ({
      %run_scoped3A = tpu.sem_alloc : memref<!tpu.dma_semaphore, #tpu.memory_space<semaphore_mem>>
      %dma_start3A_88 = arith.constant 0 : i32
      %dma_start3A_89 = tpu.memref_slice %arg3[%add3A_67, %dma_start3A_88] : memref<2560x128xi32, #tpu.memory_space<hbm>> -> memref<40x128xi32, #tpu.memory_space<hbm>>
      %dma_start3A_90 = arith.constant 0 : i32
      %dma_start3A_91 = tpu.memref_slice %arg3[%add3A_67, %dma_start3A_90] : memref<2560x128xi32, #tpu.memory_space<hbm>> -> memref<40x128xi32, #tpu.memory_space<hbm>>
      tpu.enqueue_dma source(%dma_start3A_91 : memref<40x128xi32, #tpu.memory_space<hbm>>) target(%arg13 : memref<40x128xi32, #tpu.memory_space<vmem>>) target_semaphore(%run_scoped3A : memref<!tpu.dma_semaphore, #tpu.memory_space<semaphore_mem>>)
      %dma_wait3A = arith.constant 0 : i32
      %dma_wait3A_92 = tpu.memref_slice %arg3[%add3A_67, %dma_wait3A] : memref<2560x128xi32, #tpu.memory_space<hbm>> -> memref<40x128xi32, #tpu.memory_space<hbm>>
      %dma_wait3A_93 = arith.constant 0 : i32
      %dma_wait3A_94 = tpu.memref_slice %arg3[%add3A_67, %dma_wait3A_93] : memref<2560x128xi32, #tpu.memory_space<hbm>> -> memref<40x128xi32, #tpu.memory_space<hbm>>
      tpu.wait_dma2 semaphore(%run_scoped3A : memref<!tpu.dma_semaphore, #tpu.memory_space<semaphore_mem>>) src(%dma_wait3A_94 : memref<40x128xi32, #tpu.memory_space<hbm>>) dst(%arg13 : memref<40x128xi32, #tpu.memory_space<vmem>>)
      tpu.yield
    }) : () -> ()
    "tpu.region"() ({
      %run_scoped3A = tpu.sem_alloc : memref<!tpu.dma_semaphore, #tpu.memory_space<semaphore_mem>>
      %dma_start3A_88 = arith.constant 0 : i32
      %dma_start3A_89 = tpu.memref_slice %arg4[%add3A_67, %dma_start3A_88] : memref<2560x128xi32, #tpu.memory_space<hbm>> -> memref<40x128xi32, #tpu.memory_space<hbm>>
      %dma_start3A_90 = arith.constant 0 : i32
      %dma_start3A_91 = tpu.memref_slice %arg4[%add3A_67, %dma_start3A_90] : memref<2560x128xi32, #tpu.memory_space<hbm>> -> memref<40x128xi32, #tpu.memory_space<hbm>>
      tpu.enqueue_dma source(%dma_start3A_91 : memref<40x128xi32, #tpu.memory_space<hbm>>) target(%arg14 : memref<40x128xi32, #tpu.memory_space<vmem>>) target_semaphore(%run_scoped3A : memref<!tpu.dma_semaphore, #tpu.memory_space<semaphore_mem>>)
      %dma_wait3A = arith.constant 0 : i32
      %dma_wait3A_92 = tpu.memref_slice %arg4[%add3A_67, %dma_wait3A] : memref<2560x128xi32, #tpu.memory_space<hbm>> -> memref<40x128xi32, #tpu.memory_space<hbm>>
      %dma_wait3A_93 = arith.constant 0 : i32
      %dma_wait3A_94 = tpu.memref_slice %arg4[%add3A_67, %dma_wait3A_93] : memref<2560x128xi32, #tpu.memory_space<hbm>> -> memref<40x128xi32, #tpu.memory_space<hbm>>
      tpu.wait_dma2 semaphore(%run_scoped3A : memref<!tpu.dma_semaphore, #tpu.memory_space<semaphore_mem>>) src(%dma_wait3A_94 : memref<40x128xi32, #tpu.memory_space<hbm>>) dst(%arg14 : memref<40x128xi32, #tpu.memory_space<vmem>>)
      tpu.yield
    }) : () -> ()
    "tpu.region"() ({
      %run_scoped3A = tpu.sem_alloc : memref<!tpu.dma_semaphore, #tpu.memory_space<semaphore_mem>>
      %dma_start3A_88 = arith.constant 0 : i32
      %dma_start3A_89 = tpu.memref_slice %arg5[%add3A_67, %dma_start3A_88] : memref<2560x128xi32, #tpu.memory_space<hbm>> -> memref<40x128xi32, #tpu.memory_space<hbm>>
      %dma_start3A_90 = arith.constant 0 : i32
      %dma_start3A_91 = tpu.memref_slice %arg5[%add3A_67, %dma_start3A_90] : memref<2560x128xi32, #tpu.memory_space<hbm>> -> memref<40x128xi32, #tpu.memory_space<hbm>>
      tpu.enqueue_dma source(%dma_start3A_91 : memref<40x128xi32, #tpu.memory_space<hbm>>) target(%arg15 : memref<40x128xi32, #tpu.memory_space<vmem>>) target_semaphore(%run_scoped3A : memref<!tpu.dma_semaphore, #tpu.memory_space<semaphore_mem>>)
      %dma_wait3A = arith.constant 0 : i32
      %dma_wait3A_92 = tpu.memref_slice %arg5[%add3A_67, %dma_wait3A] : memref<2560x128xi32, #tpu.memory_space<hbm>> -> memref<40x128xi32, #tpu.memory_space<hbm>>
      %dma_wait3A_93 = arith.constant 0 : i32
      %dma_wait3A_94 = tpu.memref_slice %arg5[%add3A_67, %dma_wait3A_93] : memref<2560x128xi32, #tpu.memory_space<hbm>> -> memref<40x128xi32, #tpu.memory_space<hbm>>
      tpu.wait_dma2 semaphore(%run_scoped3A : memref<!tpu.dma_semaphore, #tpu.memory_space<semaphore_mem>>) src(%dma_wait3A_94 : memref<40x128xi32, #tpu.memory_space<hbm>>) dst(%arg15 : memref<40x128xi32, #tpu.memory_space<vmem>>)
      tpu.yield
    }) : () -> ()
    "tpu.region"() ({
      %run_scoped3A = tpu.sem_alloc : memref<!tpu.dma_semaphore, #tpu.memory_space<semaphore_mem>>
      %dma_start3A_88 = arith.constant 0 : i32
      %dma_start3A_89 = tpu.memref_slice %arg6[%add3A_67, %dma_start3A_88] : memref<2560x128xi32, #tpu.memory_space<hbm>> -> memref<40x128xi32, #tpu.memory_space<hbm>>
      %dma_start3A_90 = arith.constant 0 : i32
      %dma_start3A_91 = tpu.memref_slice %arg6[%add3A_67, %dma_start3A_90] : memref<2560x128xi32, #tpu.memory_space<hbm>> -> memref<40x128xi32, #tpu.memory_space<hbm>>
      tpu.enqueue_dma source(%dma_start3A_91 : memref<40x128xi32, #tpu.memory_space<hbm>>) target(%arg16 : memref<40x128xi32, #tpu.memory_space<vmem>>) target_semaphore(%run_scoped3A : memref<!tpu.dma_semaphore, #tpu.memory_space<semaphore_mem>>)
      %dma_wait3A = arith.constant 0 : i32
      %dma_wait3A_92 = tpu.memref_slice %arg6[%add3A_67, %dma_wait3A] : memref<2560x128xi32, #tpu.memory_space<hbm>> -> memref<40x128xi32, #tpu.memory_space<hbm>>
      %dma_wait3A_93 = arith.constant 0 : i32
      %dma_wait3A_94 = tpu.memref_slice %arg6[%add3A_67, %dma_wait3A_93] : memref<2560x128xi32, #tpu.memory_space<hbm>> -> memref<40x128xi32, #tpu.memory_space<hbm>>
      tpu.wait_dma2 semaphore(%run_scoped3A : memref<!tpu.dma_semaphore, #tpu.memory_space<semaphore_mem>>) src(%dma_wait3A_94 : memref<40x128xi32, #tpu.memory_space<hbm>>) dst(%arg16 : memref<40x128xi32, #tpu.memory_space<vmem>>)
      tpu.yield
    }) : () -> ()
    %eq3A_68 = arith.constant 1 : i32
    %eq3A_69 = arith.cmpi eq, %arg0, %eq3A_68 : i32
    %dma_start3A_70 = arith.constant 0 : i32
    %dma_start3A_71 = arith.constant 0 : i32
    %dma_start3A_72 = tpu.memref_slice %arg12[%dma_start3A_70, %dma_start3A_71] : memref<40x128xi32, #tpu.memory_space<vmem>> -> memref<1x128xi32, #tpu.memory_space<vmem>>
    %dma_start3A_73 = tpu.memref_squeeze %dma_start3A_72 : memref<1x128xi32, #tpu.memory_space<vmem>> -> memref<128xi32, #tpu.memory_space<vmem>>
    %dma_start3A_74 = arith.constant 0 : i32
    %dma_start3A_75 = arith.constant 0 : i32
    %dma_start3A_76 = tpu.memref_slice %arg7[%dma_start3A_74, %dma_start3A_75] : memref<40000x32xf32, #tpu.memory_space<hbm>> -> memref<40000x32xf32, #tpu.memory_space<hbm>>
    tpu.enqueue_indirect_dma source(%dma_start3A_76 : memref<40000x32xf32, #tpu.memory_space<hbm>>) target(%arg17 : memref<128x32xf32, #tpu.memory_space<vmem>>) offsets(%dma_start3A_73 : memref<128xi32, #tpu.memory_space<vmem>>) semaphore(%arg22 : memref<!tpu.dma_semaphore, #tpu.memory_space<semaphore_mem>>)
    %scan3A_77 = arith.constant 0 : i32
    %scan3A_78 = arith.constant 0 : i32
    %scan3A_79 = arith.constant 20 : i32
    %scan3A_80 = arith.addi %scan3A_78, %scan3A_79 : i32
    %scan3A_81 = arith.constant 1 : i32
    %scan3A_82 = scf.for %scan3A_88 = %scan3A_78 to %scan3A_80 step %scan3A_81 iter_args(%scan3A_89 = %scan3A_77) -> (i32)  : i32 {
      %mul3A_90 = arith.constant 2 : i32
      %mul3A_91 = arith.muli %mul3A_90, %scan3A_88 : i32
      %add3A_92 = arith.constant 1 : i32
      %add3A_93 = arith.addi %mul3A_91, %add3A_92 : i32
      %dma_start3A_94 = arith.constant 0 : i32
      %dma_start3A_95 = tpu.memref_slice %arg12[%add3A_93, %dma_start3A_94] : memref<40x128xi32, #tpu.memory_space<vmem>> -> memref<1x128xi32, #tpu.memory_space<vmem>>
      %dma_start3A_96 = tpu.memref_squeeze %dma_start3A_95 : memref<1x128xi32, #tpu.memory_space<vmem>> -> memref<128xi32, #tpu.memory_space<vmem>>
      %dma_start3A_97 = arith.constant 0 : i32
      %dma_start3A_98 = arith.constant 0 : i32
      %dma_start3A_99 = tpu.memref_slice %arg7[%dma_start3A_97, %dma_start3A_98] : memref<40000x32xf32, #tpu.memory_space<hbm>> -> memref<40000x32xf32, #tpu.memory_space<hbm>>
      tpu.enqueue_indirect_dma source(%dma_start3A_99 : memref<40000x32xf32, #tpu.memory_space<hbm>>) target(%arg18 : memref<128x32xf32, #tpu.memory_space<vmem>>) offsets(%dma_start3A_96 : memref<128xi32, #tpu.memory_space<vmem>>) semaphore(%arg23 : memref<!tpu.dma_semaphore, #tpu.memory_space<semaphore_mem>>)
      %dma_wait3A = arith.constant 0 : i32
      %dma_wait3A_100 = tpu.memref_slice %arg12[%mul3A_91, %dma_wait3A] : memref<40x128xi32, #tpu.memory_space<vmem>> -> memref<1x128xi32, #tpu.memory_space<vmem>>
      %dma_wait3A_101 = tpu.memref_squeeze %dma_wait3A_100 : memref<1x128xi32, #tpu.memory_space<vmem>> -> memref<128xi32, #tpu.memory_space<vmem>>
      %dma_wait3A_102 = arith.constant 0 : i32
      %dma_wait3A_103 = arith.constant 0 : i32
      %dma_wait3A_104 = tpu.memref_slice %arg7[%dma_wait3A_102, %dma_wait3A_103] : memref<40000x32xf32, #tpu.memory_space<hbm>> -> memref<40000x32xf32, #tpu.memory_space<hbm>>
      tpu.wait_indirect_dma semaphore(%arg22 : memref<!tpu.dma_semaphore, #tpu.memory_space<semaphore_mem>>) src(%dma_wait3A_104 : memref<40000x32xf32, #tpu.memory_space<hbm>>) dst(%arg17 : memref<128x32xf32, #tpu.memory_space<vmem>>)
      "tpu.region"() ({
        %run_scoped3A = tpu.sem_alloc : memref<!tpu.dma_semaphore, #tpu.memory_space<semaphore_mem>>
        %dma_start3A_126 = arith.constant 0 : i32
        %dma_start3A_127 = tpu.memref_slice %arg13[%mul3A_91, %dma_start3A_126] : memref<40x128xi32, #tpu.memory_space<vmem>> -> memref<1x128xi32, #tpu.memory_space<vmem>>
        %dma_start3A_128 = tpu.memref_squeeze %dma_start3A_127 : memref<1x128xi32, #tpu.memory_space<vmem>> -> memref<128xi32, #tpu.memory_space<vmem>>
        %dma_start3A_129 = arith.constant 0 : i32
        %dma_start3A_130 = arith.constant 0 : i32
        %dma_start3A_131 = tpu.memref_slice %arg11[%dma_start3A_129, %dma_start3A_130] : memref<41088x32xf32, #tpu.memory_space<vmem_shared>> -> memref<41088x32xf32, #tpu.memory_space<vmem_shared>>
        tpu.enqueue_indirect_dma source(%arg17 : memref<128x32xf32, #tpu.memory_space<vmem>>) target(%dma_start3A_131 : memref<41088x32xf32, #tpu.memory_space<vmem_shared>>) offsets(%dma_start3A_128 : memref<128xi32, #tpu.memory_space<vmem>>) semaphore(%run_scoped3A : memref<!tpu.dma_semaphore, #tpu.memory_space<semaphore_mem>>) {add = true}
        %dma_wait3A_132 = arith.constant 0 : i32
        %dma_wait3A_133 = tpu.memref_slice %arg13[%mul3A_91, %dma_wait3A_132] : memref<40x128xi32, #tpu.memory_space<vmem>> -> memref<1x128xi32, #tpu.memory_space<vmem>>
        %dma_wait3A_134 = tpu.memref_squeeze %dma_wait3A_133 : memref<1x128xi32, #tpu.memory_space<vmem>> -> memref<128xi32, #tpu.memory_space<vmem>>
        %dma_wait3A_135 = arith.constant 0 : i32
        %dma_wait3A_136 = arith.constant 0 : i32
        %dma_wait3A_137 = tpu.memref_slice %arg11[%dma_wait3A_135, %dma_wait3A_136] : memref<41088x32xf32, #tpu.memory_space<vmem_shared>> -> memref<41088x32xf32, #tpu.memory_space<vmem_shared>>
        tpu.wait_indirect_dma semaphore(%run_scoped3A : memref<!tpu.dma_semaphore, #tpu.memory_space<semaphore_mem>>) src(%arg17 : memref<128x32xf32, #tpu.memory_space<vmem>>) dst(%dma_wait3A_137 : memref<41088x32xf32, #tpu.memory_space<vmem_shared>>)
        tpu.yield
      }) : () -> ()
      %convert_element_type3A_105 = arith.extui %eq3A_69 : i1 to i32
      %cond3A_106 = arith.constant 0 : i32
      %cond3A_107 = arith.cmpi ne, %convert_element_type3A_105, %cond3A_106 : i32
      scf.if %cond3A_107 {
        %dma_start3A_126 = arith.constant 0 : i32
        %dma_start3A_127 = tpu.memref_slice %arg14[%mul3A_91, %dma_start3A_126] : memref<40x128xi32, #tpu.memory_space<vmem>> -> memref<1x128xi32, #tpu.memory_space<vmem>>
        %dma_start3A_128 = tpu.memref_squeeze %dma_start3A_127 : memref<1x128xi32, #tpu.memory_space<vmem>> -> memref<128xi32, #tpu.memory_space<vmem>>
        %dma_start3A_129 = arith.constant 0 : i32
        %dma_start3A_130 = arith.constant 0 : i32
        %dma_start3A_131 = tpu.memref_slice %arg11[%dma_start3A_129, %dma_start3A_130] : memref<41088x32xf32, #tpu.memory_space<vmem_shared>> -> memref<41088x32xf32, #tpu.memory_space<vmem_shared>>
        tpu.enqueue_indirect_dma source(%arg19 : memref<128x32xf32, #tpu.memory_space<vmem>>) target(%dma_start3A_131 : memref<41088x32xf32, #tpu.memory_space<vmem_shared>>) offsets(%dma_start3A_128 : memref<128xi32, #tpu.memory_space<vmem>>) semaphore(%arg24 : memref<!tpu.dma_semaphore, #tpu.memory_space<semaphore_mem>>) {add = true}
        %dma_start3A_132 = arith.constant 0 : i32
        %dma_start3A_133 = tpu.memref_slice %arg15[%mul3A_91, %dma_start3A_132] : memref<40x128xi32, #tpu.memory_space<vmem>> -> memref<1x128xi32, #tpu.memory_space<vmem>>
        %dma_start3A_134 = tpu.memref_squeeze %dma_start3A_133 : memref<1x128xi32, #tpu.memory_space<vmem>> -> memref<128xi32, #tpu.memory_space<vmem>>
        %dma_start3A_135 = arith.constant 0 : i32
        %dma_start3A_136 = arith.constant 0 : i32
        %dma_start3A_137 = tpu.memref_slice %arg11[%dma_start3A_135, %dma_start3A_136] : memref<41088x32xf32, #tpu.memory_space<vmem_shared>> -> memref<41088x32xf32, #tpu.memory_space<vmem_shared>>
        tpu.enqueue_indirect_dma source(%arg20 : memref<128x32xf32, #tpu.memory_space<vmem>>) target(%dma_start3A_137 : memref<41088x32xf32, #tpu.memory_space<vmem_shared>>) offsets(%dma_start3A_134 : memref<128xi32, #tpu.memory_space<vmem>>) semaphore(%arg24 : memref<!tpu.dma_semaphore, #tpu.memory_space<semaphore_mem>>) {add = true}
        %dma_start3A_138 = arith.constant 0 : i32
        %dma_start3A_139 = tpu.memref_slice %arg16[%mul3A_91, %dma_start3A_138] : memref<40x128xi32, #tpu.memory_space<vmem>> -> memref<1x128xi32, #tpu.memory_space<vmem>>
        %dma_start3A_140 = tpu.memref_squeeze %dma_start3A_139 : memref<1x128xi32, #tpu.memory_space<vmem>> -> memref<128xi32, #tpu.memory_space<vmem>>
        %dma_start3A_141 = arith.constant 0 : i32
        %dma_start3A_142 = arith.constant 0 : i32
        %dma_start3A_143 = tpu.memref_slice %arg11[%dma_start3A_141, %dma_start3A_142] : memref<41088x32xf32, #tpu.memory_space<vmem_shared>> -> memref<41088x32xf32, #tpu.memory_space<vmem_shared>>
        tpu.enqueue_indirect_dma source(%arg21 : memref<128x32xf32, #tpu.memory_space<vmem>>) target(%dma_start3A_143 : memref<41088x32xf32, #tpu.memory_space<vmem_shared>>) offsets(%dma_start3A_140 : memref<128xi32, #tpu.memory_space<vmem>>) semaphore(%arg24 : memref<!tpu.dma_semaphore, #tpu.memory_space<semaphore_mem>>) {add = true}
      } else {
      }
      %add3A_108 = arith.constant 2 : i32
      %add3A_109 = arith.addi %mul3A_91, %add3A_108 : i32
      %lt3A = arith.constant 40 : i32
      %lt3A_110 = arith.cmpi slt, %add3A_109, %lt3A : i32
      %convert_element_type3A_111 = arith.extui %lt3A_110 : i1 to i32
      %cond3A_112 = arith.constant 0 : i32
      %cond3A_113 = arith.cmpi ne, %convert_element_type3A_111, %cond3A_112 : i32
      scf.if %cond3A_113 {
        %add3A_126 = arith.constant 2 : i32
        %add3A_127 = arith.addi %mul3A_91, %add3A_126 : i32
        %dma_start3A_128 = arith.constant 0 : i32
        %dma_start3A_129 = tpu.memref_slice %arg12[%add3A_127, %dma_start3A_128] : memref<40x128xi32, #tpu.memory_space<vmem>> -> memref<1x128xi32, #tpu.memory_space<vmem>>
        %dma_start3A_130 = tpu.memref_squeeze %dma_start3A_129 : memref<1x128xi32, #tpu.memory_space<vmem>> -> memref<128xi32, #tpu.memory_space<vmem>>
        %dma_start3A_131 = arith.constant 0 : i32
        %dma_start3A_132 = arith.constant 0 : i32
        %dma_start3A_133 = tpu.memref_slice %arg7[%dma_start3A_131, %dma_start3A_132] : memref<40000x32xf32, #tpu.memory_space<hbm>> -> memref<40000x32xf32, #tpu.memory_space<hbm>>
        tpu.enqueue_indirect_dma source(%dma_start3A_133 : memref<40000x32xf32, #tpu.memory_space<hbm>>) target(%arg17 : memref<128x32xf32, #tpu.memory_space<vmem>>) offsets(%dma_start3A_130 : memref<128xi32, #tpu.memory_space<vmem>>) semaphore(%arg22 : memref<!tpu.dma_semaphore, #tpu.memory_space<semaphore_mem>>)
      } else {
      }
      %add3A_114 = arith.constant 1 : i32
      %add3A_115 = arith.addi %mul3A_91, %add3A_114 : i32
      %dma_wait3A_116 = arith.constant 0 : i32
      %dma_wait3A_117 = tpu.memref_slice %arg12[%add3A_115, %dma_wait3A_116] : memref<40x128xi32, #tpu.memory_space<vmem>> -> memref<1x128xi32, #tpu.memory_space<vmem>>
      %dma_wait3A_118 = tpu.memref_squeeze %dma_wait3A_117 : memref<1x128xi32, #tpu.memory_space<vmem>> -> memref<128xi32, #tpu.memory_space<vmem>>
      %dma_wait3A_119 = arith.constant 0 : i32
      %dma_wait3A_120 = arith.constant 0 : i32
      %dma_wait3A_121 = tpu.memref_slice %arg7[%dma_wait3A_119, %dma_wait3A_120] : memref<40000x32xf32, #tpu.memory_space<hbm>> -> memref<40000x32xf32, #tpu.memory_space<hbm>>
      tpu.wait_indirect_dma semaphore(%arg23 : memref<!tpu.dma_semaphore, #tpu.memory_space<semaphore_mem>>) src(%dma_wait3A_121 : memref<40000x32xf32, #tpu.memory_space<hbm>>) dst(%arg18 : memref<128x32xf32, #tpu.memory_space<vmem>>)
      "tpu.region"() ({
        %run_scoped3A = tpu.sem_alloc : memref<!tpu.dma_semaphore, #tpu.memory_space<semaphore_mem>>
        %dma_start3A_126 = arith.constant 0 : i32
        %dma_start3A_127 = tpu.memref_slice %arg13[%add3A_115, %dma_start3A_126] : memref<40x128xi32, #tpu.memory_space<vmem>> -> memref<1x128xi32, #tpu.memory_space<vmem>>
        %dma_start3A_128 = tpu.memref_squeeze %dma_start3A_127 : memref<1x128xi32, #tpu.memory_space<vmem>> -> memref<128xi32, #tpu.memory_space<vmem>>
        %dma_start3A_129 = arith.constant 0 : i32
        %dma_start3A_130 = arith.constant 0 : i32
        %dma_start3A_131 = tpu.memref_slice %arg11[%dma_start3A_129, %dma_start3A_130] : memref<41088x32xf32, #tpu.memory_space<vmem_shared>> -> memref<41088x32xf32, #tpu.memory_space<vmem_shared>>
        tpu.enqueue_indirect_dma source(%arg18 : memref<128x32xf32, #tpu.memory_space<vmem>>) target(%dma_start3A_131 : memref<41088x32xf32, #tpu.memory_space<vmem_shared>>) offsets(%dma_start3A_128 : memref<128xi32, #tpu.memory_space<vmem>>) semaphore(%run_scoped3A : memref<!tpu.dma_semaphore, #tpu.memory_space<semaphore_mem>>) {add = true}
        %dma_wait3A_132 = arith.constant 0 : i32
        %dma_wait3A_133 = tpu.memref_slice %arg13[%add3A_115, %dma_wait3A_132] : memref<40x128xi32, #tpu.memory_space<vmem>> -> memref<1x128xi32, #tpu.memory_space<vmem>>
        %dma_wait3A_134 = tpu.memref_squeeze %dma_wait3A_133 : memref<1x128xi32, #tpu.memory_space<vmem>> -> memref<128xi32, #tpu.memory_space<vmem>>
        %dma_wait3A_135 = arith.constant 0 : i32
        %dma_wait3A_136 = arith.constant 0 : i32
        %dma_wait3A_137 = tpu.memref_slice %arg11[%dma_wait3A_135, %dma_wait3A_136] : memref<41088x32xf32, #tpu.memory_space<vmem_shared>> -> memref<41088x32xf32, #tpu.memory_space<vmem_shared>>
        tpu.wait_indirect_dma semaphore(%run_scoped3A : memref<!tpu.dma_semaphore, #tpu.memory_space<semaphore_mem>>) src(%arg18 : memref<128x32xf32, #tpu.memory_space<vmem>>) dst(%dma_wait3A_137 : memref<41088x32xf32, #tpu.memory_space<vmem_shared>>)
        tpu.yield
      }) : () -> ()
      %convert_element_type3A_122 = arith.extui %eq3A_69 : i1 to i32
      %cond3A_123 = arith.constant 0 : i32
      %cond3A_124 = arith.cmpi ne, %convert_element_type3A_122, %cond3A_123 : i32
      scf.if %cond3A_124 {
        %dma_start3A_126 = arith.constant 0 : i32
        %dma_start3A_127 = tpu.memref_slice %arg14[%add3A_115, %dma_start3A_126] : memref<40x128xi32, #tpu.memory_space<vmem>> -> memref<1x128xi32, #tpu.memory_space<vmem>>
        %dma_start3A_128 = tpu.memref_squeeze %dma_start3A_127 : memref<1x128xi32, #tpu.memory_space<vmem>> -> memref<128xi32, #tpu.memory_space<vmem>>
        %dma_start3A_129 = arith.constant 0 : i32
        %dma_start3A_130 = arith.constant 0 : i32
        %dma_start3A_131 = tpu.memref_slice %arg11[%dma_start3A_129, %dma_start3A_130] : memref<41088x32xf32, #tpu.memory_space<vmem_shared>> -> memref<41088x32xf32, #tpu.memory_space<vmem_shared>>
        tpu.enqueue_indirect_dma source(%arg19 : memref<128x32xf32, #tpu.memory_space<vmem>>) target(%dma_start3A_131 : memref<41088x32xf32, #tpu.memory_space<vmem_shared>>) offsets(%dma_start3A_128 : memref<128xi32, #tpu.memory_space<vmem>>) semaphore(%arg24 : memref<!tpu.dma_semaphore, #tpu.memory_space<semaphore_mem>>) {add = true}
        %dma_start3A_132 = arith.constant 0 : i32
        %dma_start3A_133 = tpu.memref_slice %arg15[%add3A_115, %dma_start3A_132] : memref<40x128xi32, #tpu.memory_space<vmem>> -> memref<1x128xi32, #tpu.memory_space<vmem>>
        %dma_start3A_134 = tpu.memref_squeeze %dma_start3A_133 : memref<1x128xi32, #tpu.memory_space<vmem>> -> memref<128xi32, #tpu.memory_space<vmem>>
        %dma_start3A_135 = arith.constant 0 : i32
        %dma_start3A_136 = arith.constant 0 : i32
        %dma_start3A_137 = tpu.memref_slice %arg11[%dma_start3A_135, %dma_start3A_136] : memref<41088x32xf32, #tpu.memory_space<vmem_shared>> -> memref<41088x32xf32, #tpu.memory_space<vmem_shared>>
        tpu.enqueue_indirect_dma source(%arg20 : memref<128x32xf32, #tpu.memory_space<vmem>>) target(%dma_start3A_137 : memref<41088x32xf32, #tpu.memory_space<vmem_shared>>) offsets(%dma_start3A_134 : memref<128xi32, #tpu.memory_space<vmem>>) semaphore(%arg24 : memref<!tpu.dma_semaphore, #tpu.memory_space<semaphore_mem>>) {add = true}
        %dma_start3A_138 = arith.constant 0 : i32
        %dma_start3A_139 = tpu.memref_slice %arg16[%add3A_115, %dma_start3A_138] : memref<40x128xi32, #tpu.memory_space<vmem>> -> memref<1x128xi32, #tpu.memory_space<vmem>>
        %dma_start3A_140 = tpu.memref_squeeze %dma_start3A_139 : memref<1x128xi32, #tpu.memory_space<vmem>> -> memref<128xi32, #tpu.memory_space<vmem>>
        %dma_start3A_141 = arith.constant 0 : i32
        %dma_start3A_142 = arith.constant 0 : i32
        %dma_start3A_143 = tpu.memref_slice %arg11[%dma_start3A_141, %dma_start3A_142] : memref<41088x32xf32, #tpu.memory_space<vmem_shared>> -> memref<41088x32xf32, #tpu.memory_space<vmem_shared>>
        tpu.enqueue_indirect_dma source(%arg21 : memref<128x32xf32, #tpu.memory_space<vmem>>) target(%dma_start3A_143 : memref<41088x32xf32, #tpu.memory_space<vmem_shared>>) offsets(%dma_start3A_140 : memref<128xi32, #tpu.memory_space<vmem>>) semaphore(%arg24 : memref<!tpu.dma_semaphore, #tpu.memory_space<semaphore_mem>>) {add = true}
      } else {
      }
      %scan3A_125 = arith.constant 0 : i32
      scf.yield %scan3A_125 : i32
    }
    %scan3A_83 = arith.constant 20 : i32
    %convert_element_type3A_84 = arith.extui %eq3A_69 : i1 to i32
    %cond3A_85 = arith.constant 0 : i32
    %cond3A_86 = arith.cmpi ne, %convert_element_type3A_84, %cond3A_85 : i32
    scf.if %cond3A_86 {
      %scan3A_88 = arith.constant 0 : i32
      %scan3A_89 = arith.constant 0 : i32
      %scan3A_90 = arith.constant 120 : i32
      %scan3A_91 = arith.addi %scan3A_89, %scan3A_90 : i32
      %scan3A_92 = arith.constant 1 : i32
      %scan3A_93 = scf.for %scan3A_95 = %scan3A_89 to %scan3A_91 step %scan3A_92 iter_args(%scan3A_96 = %scan3A_88) -> (i32)  : i32 {
        %dma_wait3A = arith.constant 0 : i32
        %dma_wait3A_97 = arith.constant 0 : i32
        %dma_wait3A_98 = tpu.memref_slice %arg14[%dma_wait3A, %dma_wait3A_97] : memref<40x128xi32, #tpu.memory_space<vmem>> -> memref<1x128xi32, #tpu.memory_space<vmem>>
        %dma_wait3A_99 = tpu.memref_squeeze %dma_wait3A_98 : memref<1x128xi32, #tpu.memory_space<vmem>> -> memref<128xi32, #tpu.memory_space<vmem>>
        %dma_wait3A_100 = arith.constant 0 : i32
        %dma_wait3A_101 = arith.constant 0 : i32
        %dma_wait3A_102 = tpu.memref_slice %arg11[%dma_wait3A_100, %dma_wait3A_101] : memref<41088x32xf32, #tpu.memory_space<vmem_shared>> -> memref<41088x32xf32, #tpu.memory_space<vmem_shared>>
        tpu.wait_indirect_dma semaphore(%arg24 : memref<!tpu.dma_semaphore, #tpu.memory_space<semaphore_mem>>) src(%arg19 : memref<128x32xf32, #tpu.memory_space<vmem>>) dst(%dma_wait3A_102 : memref<41088x32xf32, #tpu.memory_space<vmem_shared>>)
        %scan3A_103 = arith.constant 0 : i32
        scf.yield %scan3A_103 : i32
      }
      %scan3A_94 = arith.constant 120 : i32
    } else {
    }
    %barrier3A_87 = arith.constant 0 : index
    tpu.barrier barrier_id(%barrier3A_87)
    "tpu.region"() ({
      %run_scoped3A = tpu.sem_alloc : memref<!tpu.dma_semaphore, #tpu.memory_space<semaphore_mem>>
      %dma_start3A_88 = arith.constant 0 : i32
      %dma_start3A_89 = tpu.memref_slice %arg10[%arg0, %mul3A_0, %dma_start3A_88] : memref<2x41088x32xf32, #tpu.memory_space<hbm>> -> memref<1x2568x32xf32, #tpu.memory_space<hbm>>
      %dma_start3A_90 = tpu.memref_squeeze %dma_start3A_89 : memref<1x2568x32xf32, #tpu.memory_space<hbm>> -> memref<2568x32xf32, #tpu.memory_space<hbm>>
      %dma_start3A_91 = arith.constant 0 : i32
      %dma_start3A_92 = tpu.memref_slice %arg11[%mul3A_0, %dma_start3A_91] : memref<41088x32xf32, #tpu.memory_space<vmem_shared>> -> memref<2568x32xf32, #tpu.memory_space<vmem_shared>>
      tpu.enqueue_dma source(%dma_start3A_92 : memref<2568x32xf32, #tpu.memory_space<vmem_shared>>) target(%dma_start3A_90 : memref<2568x32xf32, #tpu.memory_space<hbm>>) target_semaphore(%run_scoped3A : memref<!tpu.dma_semaphore, #tpu.memory_space<semaphore_mem>>)
      %dma_wait3A = arith.constant 0 : i32
      %dma_wait3A_93 = tpu.memref_slice %arg10[%arg0, %mul3A_0, %dma_wait3A] : memref<2x41088x32xf32, #tpu.memory_space<hbm>> -> memref<1x2568x32xf32, #tpu.memory_space<hbm>>
      %dma_wait3A_94 = tpu.memref_squeeze %dma_wait3A_93 : memref<1x2568x32xf32, #tpu.memory_space<hbm>> -> memref<2568x32xf32, #tpu.memory_space<hbm>>
      %dma_wait3A_95 = arith.constant 0 : i32
      %dma_wait3A_96 = tpu.memref_slice %arg11[%mul3A_0, %dma_wait3A_95] : memref<41088x32xf32, #tpu.memory_space<vmem_shared>> -> memref<2568x32xf32, #tpu.memory_space<vmem_shared>>
      tpu.wait_dma2 semaphore(%run_scoped3A : memref<!tpu.dma_semaphore, #tpu.memory_space<semaphore_mem>>) src(%dma_wait3A_96 : memref<2568x32xf32, #tpu.memory_space<vmem_shared>>) dst(%dma_wait3A_94 : memref<2568x32xf32, #tpu.memory_space<hbm>>)
      tpu.yield
    }) : () -> ()
    return
  }
}

#map = affine_map<(d0, d1) -> (0, 0)>
#map1 = affine_map<(d0, d1) -> (0, 0, 0)>
module attributes {stable_mosaic.version = 14 : i64} {
  func.func @_seg2_body(%arg0: i32, %arg1: i32, %arg2: memref<2560x128xi32, #tpu.memory_space<hbm>>, %arg3: memref<2560x128xi32, #tpu.memory_space<hbm>>, %arg4: memref<80000x16xf32, #tpu.memory_space<hbm>>, %arg5: memref<5128x16xf32, #tpu.memory_space<hbm>>, %arg6: memref<2x82048x16xf32, #tpu.memory_space<hbm>>, %arg7: memref<82048x16xf32, #tpu.memory_space<vmem_shared>>, %arg8: memref<80x128xi32, #tpu.memory_space<vmem>>, %arg9: memref<80x128xi32, #tpu.memory_space<vmem>>, %arg10: memref<128x16xf32, #tpu.memory_space<vmem>>, %arg11: memref<128x16xf32, #tpu.memory_space<vmem>>, %arg12: memref<!tpu.dma_semaphore, #tpu.memory_space<semaphore_mem>>, %arg13: memref<!tpu.dma_semaphore, #tpu.memory_space<semaphore_mem>>) attributes {dimension_semantics = [#tpu.dimension_semantics<core_parallel>, #tpu.dimension_semantics<subcore_parallel>], iteration_bounds = array<i64: 2, 16>, scalar_prefetch = 0 : i64, scratch_operands = 7 : i64, tpu.core_type = #tpu.core_type<sc_vector_subcore>, window_params = [{transform_indices = #map}, {transform_indices = #map}, {transform_indices = #map}, {transform_indices = #map}, {transform_indices = #map1}]} {
    %mul3A = arith.constant 2 : i32
    %mul3A_0 = arith.muli %arg1, %mul3A : i32
    %add3A = arith.addi %mul3A_0, %arg0 : i32
    %mul3A_1 = arith.constant 5128 : i32
    %mul3A_2 = arith.muli %arg1, %mul3A_1 : i32
    "tpu.region"() ({
      %run_scoped3A = tpu.sem_alloc : memref<!tpu.dma_semaphore, #tpu.memory_space<semaphore_mem>>
      %dma_start3A_20 = arith.constant 0 : i32
      %dma_start3A_21 = tpu.memref_slice %arg7[%mul3A_2, %dma_start3A_20] : memref<82048x16xf32, #tpu.memory_space<vmem_shared>> -> memref<5128x16xf32, #tpu.memory_space<vmem_shared>>
      tpu.enqueue_dma source(%arg5 : memref<5128x16xf32, #tpu.memory_space<hbm>>) target(%dma_start3A_21 : memref<5128x16xf32, #tpu.memory_space<vmem_shared>>) target_semaphore(%run_scoped3A : memref<!tpu.dma_semaphore, #tpu.memory_space<semaphore_mem>>)
      %dma_wait3A = arith.constant 0 : i32
      %dma_wait3A_22 = tpu.memref_slice %arg7[%mul3A_2, %dma_wait3A] : memref<82048x16xf32, #tpu.memory_space<vmem_shared>> -> memref<5128x16xf32, #tpu.memory_space<vmem_shared>>
      tpu.wait_dma2 semaphore(%run_scoped3A : memref<!tpu.dma_semaphore, #tpu.memory_space<semaphore_mem>>) src(%arg5 : memref<5128x16xf32, #tpu.memory_space<hbm>>) dst(%dma_wait3A_22 : memref<5128x16xf32, #tpu.memory_space<vmem_shared>>)
      tpu.yield
    }) : () -> ()
    %mul3A_3 = arith.constant 80 : i32
    %mul3A_4 = arith.muli %add3A, %mul3A_3 : i32
    "tpu.region"() ({
      %run_scoped3A = tpu.sem_alloc : memref<!tpu.dma_semaphore, #tpu.memory_space<semaphore_mem>>
      %dma_start3A_20 = arith.constant 0 : i32
      %dma_start3A_21 = tpu.memref_slice %arg2[%mul3A_4, %dma_start3A_20] : memref<2560x128xi32, #tpu.memory_space<hbm>> -> memref<80x128xi32, #tpu.memory_space<hbm>>
      %dma_start3A_22 = arith.constant 0 : i32
      %dma_start3A_23 = tpu.memref_slice %arg2[%mul3A_4, %dma_start3A_22] : memref<2560x128xi32, #tpu.memory_space<hbm>> -> memref<80x128xi32, #tpu.memory_space<hbm>>
      tpu.enqueue_dma source(%dma_start3A_23 : memref<80x128xi32, #tpu.memory_space<hbm>>) target(%arg8 : memref<80x128xi32, #tpu.memory_space<vmem>>) target_semaphore(%run_scoped3A : memref<!tpu.dma_semaphore, #tpu.memory_space<semaphore_mem>>)
      %dma_wait3A = arith.constant 0 : i32
      %dma_wait3A_24 = tpu.memref_slice %arg2[%mul3A_4, %dma_wait3A] : memref<2560x128xi32, #tpu.memory_space<hbm>> -> memref<80x128xi32, #tpu.memory_space<hbm>>
      %dma_wait3A_25 = arith.constant 0 : i32
      %dma_wait3A_26 = tpu.memref_slice %arg2[%mul3A_4, %dma_wait3A_25] : memref<2560x128xi32, #tpu.memory_space<hbm>> -> memref<80x128xi32, #tpu.memory_space<hbm>>
      tpu.wait_dma2 semaphore(%run_scoped3A : memref<!tpu.dma_semaphore, #tpu.memory_space<semaphore_mem>>) src(%dma_wait3A_26 : memref<80x128xi32, #tpu.memory_space<hbm>>) dst(%arg8 : memref<80x128xi32, #tpu.memory_space<vmem>>)
      tpu.yield
    }) : () -> ()
    %mul3A_5 = arith.constant 80 : i32
    %mul3A_6 = arith.muli %add3A, %mul3A_5 : i32
    "tpu.region"() ({
      %run_scoped3A = tpu.sem_alloc : memref<!tpu.dma_semaphore, #tpu.memory_space<semaphore_mem>>
      %dma_start3A_20 = arith.constant 0 : i32
      %dma_start3A_21 = tpu.memref_slice %arg3[%mul3A_6, %dma_start3A_20] : memref<2560x128xi32, #tpu.memory_space<hbm>> -> memref<80x128xi32, #tpu.memory_space<hbm>>
      %dma_start3A_22 = arith.constant 0 : i32
      %dma_start3A_23 = tpu.memref_slice %arg3[%mul3A_6, %dma_start3A_22] : memref<2560x128xi32, #tpu.memory_space<hbm>> -> memref<80x128xi32, #tpu.memory_space<hbm>>
      tpu.enqueue_dma source(%dma_start3A_23 : memref<80x128xi32, #tpu.memory_space<hbm>>) target(%arg9 : memref<80x128xi32, #tpu.memory_space<vmem>>) target_semaphore(%run_scoped3A : memref<!tpu.dma_semaphore, #tpu.memory_space<semaphore_mem>>)
      %dma_wait3A = arith.constant 0 : i32
      %dma_wait3A_24 = tpu.memref_slice %arg3[%mul3A_6, %dma_wait3A] : memref<2560x128xi32, #tpu.memory_space<hbm>> -> memref<80x128xi32, #tpu.memory_space<hbm>>
      %dma_wait3A_25 = arith.constant 0 : i32
      %dma_wait3A_26 = tpu.memref_slice %arg3[%mul3A_6, %dma_wait3A_25] : memref<2560x128xi32, #tpu.memory_space<hbm>> -> memref<80x128xi32, #tpu.memory_space<hbm>>
      tpu.wait_dma2 semaphore(%run_scoped3A : memref<!tpu.dma_semaphore, #tpu.memory_space<semaphore_mem>>) src(%dma_wait3A_26 : memref<80x128xi32, #tpu.memory_space<hbm>>) dst(%arg9 : memref<80x128xi32, #tpu.memory_space<vmem>>)
      tpu.yield
    }) : () -> ()
    %barrier3A = arith.constant 0 : index
    tpu.barrier barrier_id(%barrier3A)
    %dma_start3A = arith.constant 0 : i32
    %dma_start3A_7 = arith.constant 0 : i32
    %dma_start3A_8 = tpu.memref_slice %arg8[%dma_start3A, %dma_start3A_7] : memref<80x128xi32, #tpu.memory_space<vmem>> -> memref<1x128xi32, #tpu.memory_space<vmem>>
    %dma_start3A_9 = tpu.memref_squeeze %dma_start3A_8 : memref<1x128xi32, #tpu.memory_space<vmem>> -> memref<128xi32, #tpu.memory_space<vmem>>
    %dma_start3A_10 = arith.constant 0 : i32
    %dma_start3A_11 = arith.constant 0 : i32
    %dma_start3A_12 = tpu.memref_slice %arg4[%dma_start3A_10, %dma_start3A_11] : memref<80000x16xf32, #tpu.memory_space<hbm>> -> memref<80000x16xf32, #tpu.memory_space<hbm>>
    tpu.enqueue_indirect_dma source(%dma_start3A_12 : memref<80000x16xf32, #tpu.memory_space<hbm>>) target(%arg10 : memref<128x16xf32, #tpu.memory_space<vmem>>) offsets(%dma_start3A_9 : memref<128xi32, #tpu.memory_space<vmem>>) semaphore(%arg12 : memref<!tpu.dma_semaphore, #tpu.memory_space<semaphore_mem>>)
    %scan3A = arith.constant 0 : i32
    %scan3A_13 = arith.constant 0 : i32
    %scan3A_14 = arith.constant 40 : i32
    %scan3A_15 = arith.addi %scan3A_13, %scan3A_14 : i32
    %scan3A_16 = arith.constant 1 : i32
    %scan3A_17 = scf.for %scan3A_20 = %scan3A_13 to %scan3A_15 step %scan3A_16 iter_args(%scan3A_21 = %scan3A) -> (i32)  : i32 {
      %mul3A_22 = arith.constant 2 : i32
      %mul3A_23 = arith.muli %mul3A_22, %scan3A_20 : i32
      %add3A_24 = arith.constant 1 : i32
      %add3A_25 = arith.addi %mul3A_23, %add3A_24 : i32
      %dma_start3A_26 = arith.constant 0 : i32
      %dma_start3A_27 = tpu.memref_slice %arg8[%add3A_25, %dma_start3A_26] : memref<80x128xi32, #tpu.memory_space<vmem>> -> memref<1x128xi32, #tpu.memory_space<vmem>>
      %dma_start3A_28 = tpu.memref_squeeze %dma_start3A_27 : memref<1x128xi32, #tpu.memory_space<vmem>> -> memref<128xi32, #tpu.memory_space<vmem>>
      %dma_start3A_29 = arith.constant 0 : i32
      %dma_start3A_30 = arith.constant 0 : i32
      %dma_start3A_31 = tpu.memref_slice %arg4[%dma_start3A_29, %dma_start3A_30] : memref<80000x16xf32, #tpu.memory_space<hbm>> -> memref<80000x16xf32, #tpu.memory_space<hbm>>
      tpu.enqueue_indirect_dma source(%dma_start3A_31 : memref<80000x16xf32, #tpu.memory_space<hbm>>) target(%arg11 : memref<128x16xf32, #tpu.memory_space<vmem>>) offsets(%dma_start3A_28 : memref<128xi32, #tpu.memory_space<vmem>>) semaphore(%arg13 : memref<!tpu.dma_semaphore, #tpu.memory_space<semaphore_mem>>)
      %dma_wait3A = arith.constant 0 : i32
      %dma_wait3A_32 = tpu.memref_slice %arg8[%mul3A_23, %dma_wait3A] : memref<80x128xi32, #tpu.memory_space<vmem>> -> memref<1x128xi32, #tpu.memory_space<vmem>>
      %dma_wait3A_33 = tpu.memref_squeeze %dma_wait3A_32 : memref<1x128xi32, #tpu.memory_space<vmem>> -> memref<128xi32, #tpu.memory_space<vmem>>
      %dma_wait3A_34 = arith.constant 0 : i32
      %dma_wait3A_35 = arith.constant 0 : i32
      %dma_wait3A_36 = tpu.memref_slice %arg4[%dma_wait3A_34, %dma_wait3A_35] : memref<80000x16xf32, #tpu.memory_space<hbm>> -> memref<80000x16xf32, #tpu.memory_space<hbm>>
      tpu.wait_indirect_dma semaphore(%arg12 : memref<!tpu.dma_semaphore, #tpu.memory_space<semaphore_mem>>) src(%dma_wait3A_36 : memref<80000x16xf32, #tpu.memory_space<hbm>>) dst(%arg10 : memref<128x16xf32, #tpu.memory_space<vmem>>)
      "tpu.region"() ({
        %run_scoped3A = tpu.sem_alloc : memref<!tpu.dma_semaphore, #tpu.memory_space<semaphore_mem>>
        %dma_start3A_50 = arith.constant 0 : i32
        %dma_start3A_51 = tpu.memref_slice %arg9[%mul3A_23, %dma_start3A_50] : memref<80x128xi32, #tpu.memory_space<vmem>> -> memref<1x128xi32, #tpu.memory_space<vmem>>
        %dma_start3A_52 = tpu.memref_squeeze %dma_start3A_51 : memref<1x128xi32, #tpu.memory_space<vmem>> -> memref<128xi32, #tpu.memory_space<vmem>>
        %dma_start3A_53 = arith.constant 0 : i32
        %dma_start3A_54 = arith.constant 0 : i32
        %dma_start3A_55 = tpu.memref_slice %arg7[%dma_start3A_53, %dma_start3A_54] : memref<82048x16xf32, #tpu.memory_space<vmem_shared>> -> memref<82048x16xf32, #tpu.memory_space<vmem_shared>>
        tpu.enqueue_indirect_dma source(%arg10 : memref<128x16xf32, #tpu.memory_space<vmem>>) target(%dma_start3A_55 : memref<82048x16xf32, #tpu.memory_space<vmem_shared>>) offsets(%dma_start3A_52 : memref<128xi32, #tpu.memory_space<vmem>>) semaphore(%run_scoped3A : memref<!tpu.dma_semaphore, #tpu.memory_space<semaphore_mem>>) {add = true}
        %dma_wait3A_56 = arith.constant 0 : i32
        %dma_wait3A_57 = tpu.memref_slice %arg9[%mul3A_23, %dma_wait3A_56] : memref<80x128xi32, #tpu.memory_space<vmem>> -> memref<1x128xi32, #tpu.memory_space<vmem>>
        %dma_wait3A_58 = tpu.memref_squeeze %dma_wait3A_57 : memref<1x128xi32, #tpu.memory_space<vmem>> -> memref<128xi32, #tpu.memory_space<vmem>>
        %dma_wait3A_59 = arith.constant 0 : i32
        %dma_wait3A_60 = arith.constant 0 : i32
        %dma_wait3A_61 = tpu.memref_slice %arg7[%dma_wait3A_59, %dma_wait3A_60] : memref<82048x16xf32, #tpu.memory_space<vmem_shared>> -> memref<82048x16xf32, #tpu.memory_space<vmem_shared>>
        tpu.wait_indirect_dma semaphore(%run_scoped3A : memref<!tpu.dma_semaphore, #tpu.memory_space<semaphore_mem>>) src(%arg10 : memref<128x16xf32, #tpu.memory_space<vmem>>) dst(%dma_wait3A_61 : memref<82048x16xf32, #tpu.memory_space<vmem_shared>>)
        tpu.yield
      }) : () -> ()
      %add3A_37 = arith.constant 2 : i32
      %add3A_38 = arith.addi %mul3A_23, %add3A_37 : i32
      %lt3A = arith.constant 80 : i32
      %lt3A_39 = arith.cmpi slt, %add3A_38, %lt3A : i32
      %convert_element_type3A = arith.extui %lt3A_39 : i1 to i32
      %cond3A = arith.constant 0 : i32
      %cond3A_40 = arith.cmpi ne, %convert_element_type3A, %cond3A : i32
      scf.if %cond3A_40 {
        %add3A_50 = arith.constant 2 : i32
        %add3A_51 = arith.addi %mul3A_23, %add3A_50 : i32
        %dma_start3A_52 = arith.constant 0 : i32
        %dma_start3A_53 = tpu.memref_slice %arg8[%add3A_51, %dma_start3A_52] : memref<80x128xi32, #tpu.memory_space<vmem>> -> memref<1x128xi32, #tpu.memory_space<vmem>>
        %dma_start3A_54 = tpu.memref_squeeze %dma_start3A_53 : memref<1x128xi32, #tpu.memory_space<vmem>> -> memref<128xi32, #tpu.memory_space<vmem>>
        %dma_start3A_55 = arith.constant 0 : i32
        %dma_start3A_56 = arith.constant 0 : i32
        %dma_start3A_57 = tpu.memref_slice %arg4[%dma_start3A_55, %dma_start3A_56] : memref<80000x16xf32, #tpu.memory_space<hbm>> -> memref<80000x16xf32, #tpu.memory_space<hbm>>
        tpu.enqueue_indirect_dma source(%dma_start3A_57 : memref<80000x16xf32, #tpu.memory_space<hbm>>) target(%arg10 : memref<128x16xf32, #tpu.memory_space<vmem>>) offsets(%dma_start3A_54 : memref<128xi32, #tpu.memory_space<vmem>>) semaphore(%arg12 : memref<!tpu.dma_semaphore, #tpu.memory_space<semaphore_mem>>)
      } else {
      }
      %add3A_41 = arith.constant 1 : i32
      %add3A_42 = arith.addi %mul3A_23, %add3A_41 : i32
      %dma_wait3A_43 = arith.constant 0 : i32
      %dma_wait3A_44 = tpu.memref_slice %arg8[%add3A_42, %dma_wait3A_43] : memref<80x128xi32, #tpu.memory_space<vmem>> -> memref<1x128xi32, #tpu.memory_space<vmem>>
      %dma_wait3A_45 = tpu.memref_squeeze %dma_wait3A_44 : memref<1x128xi32, #tpu.memory_space<vmem>> -> memref<128xi32, #tpu.memory_space<vmem>>
      %dma_wait3A_46 = arith.constant 0 : i32
      %dma_wait3A_47 = arith.constant 0 : i32
      %dma_wait3A_48 = tpu.memref_slice %arg4[%dma_wait3A_46, %dma_wait3A_47] : memref<80000x16xf32, #tpu.memory_space<hbm>> -> memref<80000x16xf32, #tpu.memory_space<hbm>>
      tpu.wait_indirect_dma semaphore(%arg13 : memref<!tpu.dma_semaphore, #tpu.memory_space<semaphore_mem>>) src(%dma_wait3A_48 : memref<80000x16xf32, #tpu.memory_space<hbm>>) dst(%arg11 : memref<128x16xf32, #tpu.memory_space<vmem>>)
      "tpu.region"() ({
        %run_scoped3A = tpu.sem_alloc : memref<!tpu.dma_semaphore, #tpu.memory_space<semaphore_mem>>
        %dma_start3A_50 = arith.constant 0 : i32
        %dma_start3A_51 = tpu.memref_slice %arg9[%add3A_42, %dma_start3A_50] : memref<80x128xi32, #tpu.memory_space<vmem>> -> memref<1x128xi32, #tpu.memory_space<vmem>>
        %dma_start3A_52 = tpu.memref_squeeze %dma_start3A_51 : memref<1x128xi32, #tpu.memory_space<vmem>> -> memref<128xi32, #tpu.memory_space<vmem>>
        %dma_start3A_53 = arith.constant 0 : i32
        %dma_start3A_54 = arith.constant 0 : i32
        %dma_start3A_55 = tpu.memref_slice %arg7[%dma_start3A_53, %dma_start3A_54] : memref<82048x16xf32, #tpu.memory_space<vmem_shared>> -> memref<82048x16xf32, #tpu.memory_space<vmem_shared>>
        tpu.enqueue_indirect_dma source(%arg11 : memref<128x16xf32, #tpu.memory_space<vmem>>) target(%dma_start3A_55 : memref<82048x16xf32, #tpu.memory_space<vmem_shared>>) offsets(%dma_start3A_52 : memref<128xi32, #tpu.memory_space<vmem>>) semaphore(%run_scoped3A : memref<!tpu.dma_semaphore, #tpu.memory_space<semaphore_mem>>) {add = true}
        %dma_wait3A_56 = arith.constant 0 : i32
        %dma_wait3A_57 = tpu.memref_slice %arg9[%add3A_42, %dma_wait3A_56] : memref<80x128xi32, #tpu.memory_space<vmem>> -> memref<1x128xi32, #tpu.memory_space<vmem>>
        %dma_wait3A_58 = tpu.memref_squeeze %dma_wait3A_57 : memref<1x128xi32, #tpu.memory_space<vmem>> -> memref<128xi32, #tpu.memory_space<vmem>>
        %dma_wait3A_59 = arith.constant 0 : i32
        %dma_wait3A_60 = arith.constant 0 : i32
        %dma_wait3A_61 = tpu.memref_slice %arg7[%dma_wait3A_59, %dma_wait3A_60] : memref<82048x16xf32, #tpu.memory_space<vmem_shared>> -> memref<82048x16xf32, #tpu.memory_space<vmem_shared>>
        tpu.wait_indirect_dma semaphore(%run_scoped3A : memref<!tpu.dma_semaphore, #tpu.memory_space<semaphore_mem>>) src(%arg11 : memref<128x16xf32, #tpu.memory_space<vmem>>) dst(%dma_wait3A_61 : memref<82048x16xf32, #tpu.memory_space<vmem_shared>>)
        tpu.yield
      }) : () -> ()
      %scan3A_49 = arith.constant 0 : i32
      scf.yield %scan3A_49 : i32
    }
    %scan3A_18 = arith.constant 40 : i32
    %barrier3A_19 = arith.constant 0 : index
    tpu.barrier barrier_id(%barrier3A_19)
    "tpu.region"() ({
      %run_scoped3A = tpu.sem_alloc : memref<!tpu.dma_semaphore, #tpu.memory_space<semaphore_mem>>
      %dma_start3A_20 = arith.constant 0 : i32
      %dma_start3A_21 = tpu.memref_slice %arg6[%arg0, %mul3A_2, %dma_start3A_20] : memref<2x82048x16xf32, #tpu.memory_space<hbm>> -> memref<1x5128x16xf32, #tpu.memory_space<hbm>>
      %dma_start3A_22 = tpu.memref_squeeze %dma_start3A_21 : memref<1x5128x16xf32, #tpu.memory_space<hbm>> -> memref<5128x16xf32, #tpu.memory_space<hbm>>
      %dma_start3A_23 = arith.constant 0 : i32
      %dma_start3A_24 = tpu.memref_slice %arg7[%mul3A_2, %dma_start3A_23] : memref<82048x16xf32, #tpu.memory_space<vmem_shared>> -> memref<5128x16xf32, #tpu.memory_space<vmem_shared>>
      tpu.enqueue_dma source(%dma_start3A_24 : memref<5128x16xf32, #tpu.memory_space<vmem_shared>>) target(%dma_start3A_22 : memref<5128x16xf32, #tpu.memory_space<hbm>>) target_semaphore(%run_scoped3A : memref<!tpu.dma_semaphore, #tpu.memory_space<semaphore_mem>>)
      %dma_wait3A = arith.constant 0 : i32
      %dma_wait3A_25 = tpu.memref_slice %arg6[%arg0, %mul3A_2, %dma_wait3A] : memref<2x82048x16xf32, #tpu.memory_space<hbm>> -> memref<1x5128x16xf32, #tpu.memory_space<hbm>>
      %dma_wait3A_26 = tpu.memref_squeeze %dma_wait3A_25 : memref<1x5128x16xf32, #tpu.memory_space<hbm>> -> memref<5128x16xf32, #tpu.memory_space<hbm>>
      %dma_wait3A_27 = arith.constant 0 : i32
      %dma_wait3A_28 = tpu.memref_slice %arg7[%mul3A_2, %dma_wait3A_27] : memref<82048x16xf32, #tpu.memory_space<vmem_shared>> -> memref<5128x16xf32, #tpu.memory_space<vmem_shared>>
      tpu.wait_dma2 semaphore(%run_scoped3A : memref<!tpu.dma_semaphore, #tpu.memory_space<semaphore_mem>>) src(%dma_wait3A_28 : memref<5128x16xf32, #tpu.memory_space<vmem_shared>>) dst(%dma_wait3A_26 : memref<5128x16xf32, #tpu.memory_space<hbm>>)
      tpu.yield
    }) : () -> ()
    return
  }
}

module attributes {stable_mosaic.version = 14 : i64} {
  func.func @_mm_body(%arg0: i32, %arg1: memref<1000x128xf32, #tpu.memory_space<vmem>>, %arg2: memref<128x128xf32, #tpu.memory_space<vmem>>, %arg3: memref<1x128xf32, #tpu.memory_space<vmem>>, %arg4: memref<1000x128xf32, #tpu.memory_space<vmem>>) attributes {dimension_semantics = [#tpu.dimension_semantics<arbitrary>], iteration_bounds = array<i64: 10>, scalar_prefetch = 0 : i64, scratch_operands = 0 : i64, tpu.core_type = #tpu.core_type<tc>, window_params = [{transform_indices = @transform_0, window_bounds = array<i64: 1000, 128>}, {pipeline_mode = #tpu.pipeline_mode<synchronous>, transform_indices = @transform_1, window_bounds = array<i64: 128, 128>}, {pipeline_mode = #tpu.pipeline_mode<synchronous>, transform_indices = @transform_2, window_bounds = array<i64: 1, 128>}, {transform_indices = @transform_3, window_bounds = array<i64: 1000, 128>}]} {
    %get3A = arith.constant 0 : index
    %get3A_0 = arith.constant 0 : index
    %get3A_1 = vector.load %arg1[%get3A, %get3A_0] : memref<1000x128xf32, #tpu.memory_space<vmem>>, vector<1000x128xf32>
    %get3A_2 = arith.constant 0 : index
    %get3A_3 = arith.constant 0 : index
    %get3A_4 = vector.load %arg2[%get3A_2, %get3A_3] : memref<128x128xf32, #tpu.memory_space<vmem>>, vector<128x128xf32>
    %dot_general3A = arith.constant dense<0.000000e+00> : vector<1000x128xf32>
    %dot_general3A_5 = tpu.matmul %get3A_1, %get3A_4, %dot_general3A {dimension_numbers = #tpu.dot_dimension_numbers<[1], [0], [0], [1], [0, 0, 1, 1], [], []>, precision = #tpu.contract_precision<fp32>, transpose_lhs_hint = false} : vector<1000x128xf32>, vector<128x128xf32>, vector<1000x128xf32> -> vector<1000x128xf32>
    %get3A_6 = arith.constant 0 : index
    %get3A_7 = arith.constant 0 : index
    %get3A_8 = vector.load %arg3[%get3A_6, %get3A_7] : memref<1x128xf32, #tpu.memory_space<vmem>>, vector<1x128xf32>
    %add3A = vector.broadcast %get3A_8 : vector<1x128xf32> to vector<1000x128xf32>
    %add3A_9 = arith.addf %dot_general3A_5, %add3A : vector<1000x128xf32>
    %swap3A = arith.constant 0 : index
    %swap3A_10 = arith.constant 0 : index
    %swap3A_11 = vector.load %arg4[%swap3A, %swap3A_10] : memref<1000x128xf32, #tpu.memory_space<vmem>>, vector<1000x128xf32>
    tpu.vector_store %arg4[%swap3A, %swap3A_10], %add3A_9 {strides = array<i32>} : memref<1000x128xf32, #tpu.memory_space<vmem>>, vector<1000x128xf32>,
    return
  }
  func.func @transform_0(%arg0: i32) -> (i32, i32) {
    %c0_i32 = arith.constant 0 : i32
    %c0_i32_0 = arith.constant 0 : i32
    return %arg0, %c0_i32 : i32, i32
  }
  func.func @transform_1(%arg0: i32) -> (i32, i32) {
    %c0_i32 = arith.constant 0 : i32
    %c0_i32_0 = arith.constant 0 : i32
    %c0_i32_1 = arith.constant 0 : i32
    return %c0_i32, %c0_i32_0 : i32, i32
  }
  func.func @transform_2(%arg0: i32) -> (i32, i32) {
    %c0_i32 = arith.constant 0 : i32
    %c0_i32_0 = arith.constant 0 : i32
    %c0_i32_1 = arith.constant 0 : i32
    return %c0_i32, %c0_i32_0 : i32, i32
  }
  func.func @transform_3(%arg0: i32) -> (i32, i32) {
    %c0_i32 = arith.constant 0 : i32
    %c0_i32_0 = arith.constant 0 : i32
    return %arg0, %c0_i32 : i32, i32
  }
}

module attributes {stable_mosaic.version = 14 : i64} {
  func.func @_edge_prep_body(%arg0: i32, %arg1: memref<2x256x128xi32, #tpu.memory_space<vmem>>, %arg2: memref<256x128xi32, #tpu.memory_space<vmem>>, %arg3: memref<2x256x128xi32, #tpu.memory_space<vmem>>, %arg4: memref<256x128xi32, #tpu.memory_space<vmem>>, %arg5: memref<256x128xi32, #tpu.memory_space<vmem>>, %arg6: memref<256x128xi32, #tpu.memory_space<vmem>>, %arg7: memref<256x128xi32, #tpu.memory_space<vmem>>, %arg8: memref<256x128xi32, #tpu.memory_space<vmem>>, %arg9: memref<256x128xi32, #tpu.memory_space<vmem>>) attributes {dimension_semantics = [#tpu.dimension_semantics<arbitrary>], iteration_bounds = array<i64: 10>, scalar_prefetch = 0 : i64, scratch_operands = 0 : i64, tpu.core_type = #tpu.core_type<tc>, window_params = [{transform_indices = @transform_0, window_bounds = array<i64: 2, 256, 128>}, {transform_indices = @transform_1, window_bounds = array<i64: 256, 128>}, {transform_indices = @transform_2, window_bounds = array<i64: 2, 256, 128>}, {transform_indices = @transform_3, window_bounds = array<i64: 256, 128>}, {transform_indices = @transform_4, window_bounds = array<i64: 256, 128>}, {transform_indices = @transform_5, window_bounds = array<i64: 256, 128>}, {transform_indices = @transform_6, window_bounds = array<i64: 256, 128>}, {transform_indices = @transform_7, window_bounds = array<i64: 256, 128>}, {transform_indices = @transform_8, window_bounds = array<i64: 256, 128>}]} {
    %iota3A = tpu.iota {dimensions = array<i32: 0>} : vector<256x128xi32>
    %mul3A = arith.constant 256 : i32
    %mul3A_0 = arith.muli %arg0, %mul3A : i32
    %add3A = vector.broadcast %mul3A_0 : i32 to vector<256x128xi32>
    %add3A_1 = arith.addi %iota3A, %add3A : vector<256x128xi32>
    %iota3A_2 = tpu.iota {dimensions = array<i32: 1>} : vector<256x128xi32>
    %lt3A = arith.constant 2500 : i32
    %lt3A_3 = vector.broadcast %lt3A : i32 to vector<256x128xi32>
    %lt3A_4 = arith.cmpi slt, %add3A_1, %lt3A_3 : vector<256x128xi32>
    %get3A = arith.constant 0 : index
    %get3A_5 = arith.constant 0 : index
    %get3A_6 = arith.constant 0 : index
    %get3A_7 = vector.load %arg1[%get3A, %get3A_5, %get3A_6] : memref<2x256x128xi32, #tpu.memory_space<vmem>>, vector<1x256x128xi32>
    %get3A_8 = vector.shape_cast %get3A_7 : vector<1x256x128xi32> to vector<256x128xi32>
    %get3A_9 = arith.constant 1 : index
    %get3A_10 = arith.constant 0 : index
    %get3A_11 = arith.constant 0 : index
    %get3A_12 = vector.load %arg1[%get3A_9, %get3A_10, %get3A_11] : memref<2x256x128xi32, #tpu.memory_space<vmem>>, vector<1x256x128xi32>
    %get3A_13 = vector.shape_cast %get3A_12 : vector<1x256x128xi32> to vector<256x128xi32>
    %get3A_14 = arith.constant 0 : index
    %get3A_15 = arith.constant 0 : index
    %get3A_16 = vector.load %arg2[%get3A_14, %get3A_15] : memref<256x128xi32, #tpu.memory_space<vmem>>, vector<256x128xi32>
    %mul3A_17 = arith.constant 4 : i32
    %mul3A_18 = vector.broadcast %mul3A_17 : i32 to vector<256x128xi32>
    %mul3A_19 = arith.muli %get3A_8, %mul3A_18 : vector<256x128xi32>
    %jit3A = arith.constant 0 : i32
    %broadcast_in_dim3A = vector.broadcast %jit3A : i32 to vector<256x128xi32>
    %select_n3A = arith.select %lt3A_4, %mul3A_19, %broadcast_in_dim3A : vector<256x128xi1>, vector<256x128xi32>
    %swap3A = arith.constant 0 : index
    %swap3A_20 = arith.constant 0 : index
    %swap3A_21 = arith.constant 0 : index
    %swap3A_22 = vector.load %arg3[%swap3A, %swap3A_20, %swap3A_21] : memref<2x256x128xi32, #tpu.memory_space<vmem>>, vector<1x256x128xi32>
    %swap3A_23 = vector.shape_cast %swap3A_22 : vector<1x256x128xi32> to vector<256x128xi32>
    %swap3A_24 = vector.shape_cast %select_n3A : vector<256x128xi32> to vector<1x256x128xi32>
    tpu.vector_store %arg3[%swap3A, %swap3A_20, %swap3A_21], %swap3A_24 {strides = array<i32>} : memref<2x256x128xi32, #tpu.memory_space<vmem>>, vector<1x256x128xi32>,
    %add3A_25 = arith.constant 1 : i32
    %add3A_26 = vector.broadcast %add3A_25 : i32 to vector<256x128xi32>
    %add3A_27 = arith.addi %select_n3A, %add3A_26 : vector<256x128xi32>
    %swap3A_28 = arith.constant 1 : index
    %swap3A_29 = arith.constant 0 : index
    %swap3A_30 = arith.constant 0 : index
    %swap3A_31 = vector.load %arg3[%swap3A_28, %swap3A_29, %swap3A_30] : memref<2x256x128xi32, #tpu.memory_space<vmem>>, vector<1x256x128xi32>
    %swap3A_32 = vector.shape_cast %swap3A_31 : vector<1x256x128xi32> to vector<256x128xi32>
    %swap3A_33 = vector.shape_cast %add3A_27 : vector<256x128xi32> to vector<1x256x128xi32>
    tpu.vector_store %arg3[%swap3A_28, %swap3A_29, %swap3A_30], %swap3A_33 {strides = array<i32>} : memref<2x256x128xi32, #tpu.memory_space<vmem>>, vector<1x256x128xi32>,
    %mul3A_34 = arith.constant 8 : i32
    %mul3A_35 = vector.broadcast %mul3A_34 : i32 to vector<256x128xi32>
    %mul3A_36 = arith.muli %get3A_8, %mul3A_35 : vector<256x128xi32>
    %jit3A_37 = arith.constant 0 : i32
    %broadcast_in_dim3A_38 = vector.broadcast %jit3A_37 : i32 to vector<256x128xi32>
    %select_n3A_39 = arith.select %lt3A_4, %mul3A_36, %broadcast_in_dim3A_38 : vector<256x128xi1>, vector<256x128xi32>
    %swap3A_40 = arith.constant 0 : index
    %swap3A_41 = arith.constant 0 : index
    %swap3A_42 = vector.load %arg4[%swap3A_40, %swap3A_41] : memref<256x128xi32, #tpu.memory_space<vmem>>, vector<256x128xi32>
    tpu.vector_store %arg4[%swap3A_40, %swap3A_41], %select_n3A_39 {strides = array<i32>} : memref<256x128xi32, #tpu.memory_space<vmem>>, vector<256x128xi32>,
    %mul3A_43 = arith.constant 4 : i32
    %mul3A_44 = vector.broadcast %mul3A_43 : i32 to vector<256x128xi32>
    %mul3A_45 = arith.muli %get3A_13, %mul3A_44 : vector<256x128xi32>
    %add3A_46 = arith.addi %mul3A_45, %get3A_16 : vector<256x128xi32>
    %jit3A_47 = arith.constant 40960 : i32
    %broadcast_in_dim3A_48 = vector.broadcast %jit3A_47 : i32 to vector<256x128xi32>
    %select_n3A_49 = arith.select %lt3A_4, %add3A_46, %broadcast_in_dim3A_48 : vector<256x128xi1>, vector<256x128xi32>
    %swap3A_50 = arith.constant 0 : index
    %swap3A_51 = arith.constant 0 : index
    %swap3A_52 = vector.load %arg5[%swap3A_50, %swap3A_51] : memref<256x128xi32, #tpu.memory_space<vmem>>, vector<256x128xi32>
    tpu.vector_store %arg5[%swap3A_50, %swap3A_51], %select_n3A_49 {strides = array<i32>} : memref<256x128xi32, #tpu.memory_space<vmem>>, vector<256x128xi32>,
    %mul3A_53 = arith.constant 8 : i32
    %mul3A_54 = vector.broadcast %mul3A_53 : i32 to vector<256x128xi32>
    %mul3A_55 = arith.muli %get3A_13, %mul3A_54 : vector<256x128xi32>
    %add3A_56 = arith.addi %mul3A_55, %get3A_16 : vector<256x128xi32>
    %jit3A_57 = arith.constant 81920 : i32
    %broadcast_in_dim3A_58 = vector.broadcast %jit3A_57 : i32 to vector<256x128xi32>
    %select_n3A_59 = arith.select %lt3A_4, %add3A_56, %broadcast_in_dim3A_58 : vector<256x128xi1>, vector<256x128xi32>
    %swap3A_60 = arith.constant 0 : index
    %swap3A_61 = arith.constant 0 : index
    %swap3A_62 = vector.load %arg6[%swap3A_60, %swap3A_61] : memref<256x128xi32, #tpu.memory_space<vmem>>, vector<256x128xi32>
    tpu.vector_store %arg6[%swap3A_60, %swap3A_61], %select_n3A_59 {strides = array<i32>} : memref<256x128xi32, #tpu.memory_space<vmem>>, vector<256x128xi32>,
    %add3A_63 = arith.addi %add3A_1, %iota3A_2 : vector<256x128xi32>
    %jit3A_64 = arith.constant 128 : i32
    %eq3A = arith.constant 0 : i32
    %eq3A_65 = arith.cmpi eq, %jit3A_64, %eq3A : i32
    %jit3A_66 = arith.constant 1 : i32
    %select_n3A_67 = arith.select %eq3A_65, %jit3A_66, %jit3A_64 : i32
    %rem3A = vector.broadcast %select_n3A_67 : i32 to vector<256x128xi32>
    %rem3A_68 = arith.remsi %add3A_63, %rem3A : vector<256x128xi32>
    %ne3A = arith.constant 0 : i32
    %ne3A_69 = vector.broadcast %ne3A : i32 to vector<256x128xi32>
    %ne3A_70 = arith.cmpi ne, %rem3A_68, %ne3A_69 : vector<256x128xi32>
    %lt3A_71 = arith.constant 0 : i32
    %lt3A_72 = vector.broadcast %lt3A_71 : i32 to vector<256x128xi32>
    %lt3A_73 = arith.cmpi slt, %rem3A_68, %lt3A_72 : vector<256x128xi32>
    %lt3A_74 = arith.constant 0 : i32
    %lt3A_75 = arith.cmpi slt, %select_n3A_67, %lt3A_74 : i32
    %ne3A_76 = vector.broadcast %lt3A_75 : i1 to vector<256x128xi1>
    %ne3A_77 = vector.broadcast %ne3A_76 : vector<256x128xi1> to vector<256x128xi1>
    %ne3A_78 = arith.xori %lt3A_73, %ne3A_77 : vector<256x128xi1>
    %and3A = arith.andi %ne3A_78, %ne3A_70 : vector<256x128xi1>
    %add3A_79 = vector.broadcast %select_n3A_67 : i32 to vector<256x128xi32>
    %add3A_80 = arith.addi %rem3A_68, %add3A_79 : vector<256x128xi32>
    %select_n3A_81 = arith.select %and3A, %add3A_80, %rem3A_68 : vector<256x128xi1>, vector<256x128xi32>
    %add3A_82 = arith.constant 40960 : i32
    %add3A_83 = vector.broadcast %add3A_82 : i32 to vector<256x128xi32>
    %add3A_84 = arith.addi %add3A_83, %select_n3A_81 : vector<256x128xi32>
    %eq3A_85 = arith.constant 0 : i32
    %eq3A_86 = vector.broadcast %eq3A_85 : i32 to vector<256x128xi32>
    %eq3A_87 = arith.cmpi eq, %get3A_16, %eq3A_86 : vector<256x128xi32>
    %and3A_88 = arith.andi %lt3A_4, %eq3A_87 : vector<256x128xi1>
    %mul3A_89 = arith.constant 4 : i32
    %mul3A_90 = vector.broadcast %mul3A_89 : i32 to vector<256x128xi32>
    %mul3A_91 = arith.muli %get3A_13, %mul3A_90 : vector<256x128xi32>
    %add3A_92 = arith.constant 3 : i32
    %add3A_93 = vector.broadcast %add3A_92 : i32 to vector<256x128xi32>
    %add3A_94 = arith.addi %mul3A_91, %add3A_93 : vector<256x128xi32>
    %select_n3A_95 = arith.select %and3A_88, %add3A_94, %add3A_84 : vector<256x128xi1>, vector<256x128xi32>
    %swap3A_96 = arith.constant 0 : index
    %swap3A_97 = arith.constant 0 : index
    %swap3A_98 = vector.load %arg7[%swap3A_96, %swap3A_97] : memref<256x128xi32, #tpu.memory_space<vmem>>, vector<256x128xi32>
    tpu.vector_store %arg7[%swap3A_96, %swap3A_97], %select_n3A_95 {strides = array<i32>} : memref<256x128xi32, #tpu.memory_space<vmem>>, vector<256x128xi32>,
    %eq3A_99 = arith.constant 1 : i32
    %eq3A_100 = vector.broadcast %eq3A_99 : i32 to vector<256x128xi32>
    %eq3A_101 = arith.cmpi eq, %get3A_16, %eq3A_100 : vector<256x128xi32>
    %and3A_102 = arith.andi %lt3A_4, %eq3A_101 : vector<256x128xi1>
    %mul3A_103 = arith.constant 4 : i32
    %mul3A_104 = vector.broadcast %mul3A_103 : i32 to vector<256x128xi32>
    %mul3A_105 = arith.muli %get3A_13, %mul3A_104 : vector<256x128xi32>
    %add3A_106 = arith.constant 3 : i32
    %add3A_107 = vector.broadcast %add3A_106 : i32 to vector<256x128xi32>
    %add3A_108 = arith.addi %mul3A_105, %add3A_107 : vector<256x128xi32>
    %select_n3A_109 = arith.select %and3A_102, %add3A_108, %add3A_84 : vector<256x128xi1>, vector<256x128xi32>
    %swap3A_110 = arith.constant 0 : index
    %swap3A_111 = arith.constant 0 : index
    %swap3A_112 = vector.load %arg8[%swap3A_110, %swap3A_111] : memref<256x128xi32, #tpu.memory_space<vmem>>, vector<256x128xi32>
    tpu.vector_store %arg8[%swap3A_110, %swap3A_111], %select_n3A_109 {strides = array<i32>} : memref<256x128xi32, #tpu.memory_space<vmem>>, vector<256x128xi32>,
    %eq3A_113 = arith.constant 2 : i32
    %eq3A_114 = vector.broadcast %eq3A_113 : i32 to vector<256x128xi32>
    %eq3A_115 = arith.cmpi eq, %get3A_16, %eq3A_114 : vector<256x128xi32>
    %and3A_116 = arith.andi %lt3A_4, %eq3A_115 : vector<256x128xi1>
    %mul3A_117 = arith.constant 4 : i32
    %mul3A_118 = vector.broadcast %mul3A_117 : i32 to vector<256x128xi32>
    %mul3A_119 = arith.muli %get3A_13, %mul3A_118 : vector<256x128xi32>
    %add3A_120 = arith.constant 3 : i32
    %add3A_121 = vector.broadcast %add3A_120 : i32 to vector<256x128xi32>
    %add3A_122 = arith.addi %mul3A_119, %add3A_121 : vector<256x128xi32>
    %select_n3A_123 = arith.select %and3A_116, %add3A_122, %add3A_84 : vector<256x128xi1>, vector<256x128xi32>
    %swap3A_124 = arith.constant 0 : index
    %swap3A_125 = arith.constant 0 : index
    %swap3A_126 = vector.load %arg9[%swap3A_124, %swap3A_125] : memref<256x128xi32, #tpu.memory_space<vmem>>, vector<256x128xi32>
    tpu.vector_store %arg9[%swap3A_124, %swap3A_125], %select_n3A_123 {strides = array<i32>} : memref<256x128xi32, #tpu.memory_space<vmem>>, vector<256x128xi32>,
    return
  }
  func.func @transform_0(%arg0: i32) -> (i32, i32, i32) {
    %c0_i32 = arith.constant 0 : i32
    %c0_i32_0 = arith.constant 0 : i32
    %c0_i32_1 = arith.constant 0 : i32
    return %c0_i32, %arg0, %c0_i32_0 : i32, i32, i32
  }
  func.func @transform_1(%arg0: i32) -> (i32, i32) {
    %c0_i32 = arith.constant 0 : i32
    %c0_i32_0 = arith.constant 0 : i32
    return %arg0, %c0_i32 : i32, i32
  }
  func.func @transform_2(%arg0: i32) -> (i32, i32, i32) {
    %c0_i32 = arith.constant 0 : i32
    %c0_i32_0 = arith.constant 0 : i32
    %c0_i32_1 = arith.constant 0 : i32
    return %c0_i32, %arg0, %c0_i32_0 : i32, i32, i32
  }
  func.func @transform_3(%arg0: i32) -> (i32, i32) {
    %c0_i32 = arith.constant 0 : i32
    %c0_i32_0 = arith.constant 0 : i32
    return %arg0, %c0_i32 : i32, i32
  }
  func.func @transform_4(%arg0: i32) -> (i32, i32) {
    %c0_i32 = arith.constant 0 : i32
    %c0_i32_0 = arith.constant 0 : i32
    return %arg0, %c0_i32 : i32, i32
  }
  func.func @transform_5(%arg0: i32) -> (i32, i32) {
    %c0_i32 = arith.constant 0 : i32
    %c0_i32_0 = arith.constant 0 : i32
    return %arg0, %c0_i32 : i32, i32
  }
  func.func @transform_6(%arg0: i32) -> (i32, i32) {
    %c0_i32 = arith.constant 0 : i32
    %c0_i32_0 = arith.constant 0 : i32
    return %arg0, %c0_i32 : i32, i32
  }
  func.func @transform_7(%arg0: i32) -> (i32, i32) {
    %c0_i32 = arith.constant 0 : i32
    %c0_i32_0 = arith.constant 0 : i32
    return %arg0, %c0_i32 : i32, i32
  }
  func.func @transform_8(%arg0: i32) -> (i32, i32) {
    %c0_i32 = arith.constant 0 : i32
    %c0_i32_0 = arith.constant 0 : i32
    return %arg0, %c0_i32 : i32, i32
  }
}

module attributes {stable_mosaic.version = 14 : i64} {
  func.func @_comb1_body(%arg0: i32, %arg1: memref<1024x128xf32, #tpu.memory_space<vmem>>, %arg2: memref<2x1024x128xf32, #tpu.memory_space<vmem>>, %arg3: memref<3x1xf32, #tpu.memory_space<vmem>>, %arg4: memref<64x8xf32, #tpu.memory_space<vmem>>, %arg5: memref<1x8xf32, #tpu.memory_space<vmem>>, %arg6: memref<1024x128xf32, #tpu.memory_space<vmem>>) attributes {dimension_semantics = [#tpu.dimension_semantics<arbitrary>], iteration_bounds = array<i64: 10>, scalar_prefetch = 0 : i64, scratch_operands = 0 : i64, tpu.core_type = #tpu.core_type<tc>, window_params = [{transform_indices = @transform_0, window_bounds = array<i64: 1024, 128>}, {transform_indices = @transform_1, window_bounds = array<i64: 2, 1024, 128>}, {pipeline_mode = #tpu.pipeline_mode<synchronous>, transform_indices = @transform_2, window_bounds = array<i64: 3, 1>}, {pipeline_mode = #tpu.pipeline_mode<synchronous>, transform_indices = @transform_3, window_bounds = array<i64: 64, 8>}, {pipeline_mode = #tpu.pipeline_mode<synchronous>, transform_indices = @transform_4, window_bounds = array<i64: 1, 8>}, {transform_indices = @transform_5, window_bounds = array<i64: 1024, 128>}]} {
    %get3A = arith.constant 0 : index
    %get3A_0 = arith.constant 64 : index
    %get3A_1 = vector.load %arg1[%get3A, %get3A_0] : memref<1024x128xf32, #tpu.memory_space<vmem>>, vector<1024x64xf32>
    %get3A_2 = arith.constant 0 : index
    %get3A_3 = arith.constant 0 : index
    %get3A_4 = arith.constant 96 : index
    %get3A_5 = vector.load %arg2[%get3A_2, %get3A_3, %get3A_4] : memref<2x1024x128xf32, #tpu.memory_space<vmem>>, vector<1x1024x1xf32>
    %get3A_6 = vector.shape_cast %get3A_5 : vector<1x1024x1xf32> to vector<1024x1xf32>
    %get3A_7 = arith.constant 1 : index
    %get3A_8 = arith.constant 0 : index
    %get3A_9 = arith.constant 96 : index
    %get3A_10 = vector.load %arg2[%get3A_7, %get3A_8, %get3A_9] : memref<2x1024x128xf32, #tpu.memory_space<vmem>>, vector<1x1024x1xf32>
    %get3A_11 = vector.shape_cast %get3A_10 : vector<1x1024x1xf32> to vector<1024x1xf32>
    %add3A = arith.addf %get3A_6, %get3A_11 : vector<1024x1xf32>
    %max3A = arith.constant 1.000000e+00 : f32
    %max3A_12 = vector.broadcast %max3A : f32 to vector<1024x1xf32>
    %max3A_13 = arith.maximumf %add3A, %max3A_12 : vector<1024x1xf32>
    %div3A = arith.constant 1.000000e+00 : f32
    %div3A_14 = vector.broadcast %div3A : f32 to vector<1024x1xf32>
    %div3A_15 = arith.divf %div3A_14, %max3A_13 : vector<1024x1xf32>
    %get3A_16 = arith.constant 0 : index
    %get3A_17 = arith.constant 0 : index
    %get3A_18 = arith.constant 0 : index
    %get3A_19 = vector.load %arg2[%get3A_16, %get3A_17, %get3A_18] : memref<2x1024x128xf32, #tpu.memory_space<vmem>>, vector<1x1024x32xf32>
    %get3A_20 = vector.shape_cast %get3A_19 : vector<1x1024x32xf32> to vector<1024x32xf32>
    %get3A_21 = arith.constant 1 : index
    %get3A_22 = arith.constant 0 : index
    %get3A_23 = arith.constant 0 : index
    %get3A_24 = vector.load %arg2[%get3A_21, %get3A_22, %get3A_23] : memref<2x1024x128xf32, #tpu.memory_space<vmem>>, vector<1x1024x32xf32>
    %get3A_25 = vector.shape_cast %get3A_24 : vector<1x1024x32xf32> to vector<1024x32xf32>
    %concatenate3A = tpu.concatenate %get3A_20, %get3A_25 in 1 : vector<1024x32xf32>, vector<1024x32xf32> -> vector<1024x64xf32>
    %get3A_26 = arith.constant 0 : index
    %get3A_27 = arith.constant 0 : index
    %get3A_28 = vector.load %arg3[%get3A_26, %get3A_27] : memref<3x1xf32, #tpu.memory_space<vmem>>, vector<1x1xf32>
    %get3A_29 = vector.extract %get3A_28[0, 0] : f32 from vector<1x1xf32>
    %mul3A = vector.broadcast %get3A_29 : f32 to vector<1024x1xf32>
    %mul3A_30 = arith.mulf %mul3A, %div3A_15 : vector<1024x1xf32>
    %mul3A_31 = vector.broadcast %mul3A_30 : vector<1024x1xf32> to vector<1024x64xf32>
    %mul3A_32 = arith.mulf %concatenate3A, %mul3A_31 : vector<1024x64xf32>
    %add3A_33 = arith.addf %get3A_1, %mul3A_32 : vector<1024x64xf32>
    %get3A_34 = arith.constant 0 : index
    %get3A_35 = arith.constant 0 : index
    %get3A_36 = arith.constant 104 : index
    %get3A_37 = vector.load %arg2[%get3A_34, %get3A_35, %get3A_36] : memref<2x1024x128xf32, #tpu.memory_space<vmem>>, vector<1x1024x1xf32>
    %get3A_38 = vector.shape_cast %get3A_37 : vector<1x1024x1xf32> to vector<1024x1xf32>
    %get3A_39 = arith.constant 1 : index
    %get3A_40 = arith.constant 0 : index
    %get3A_41 = arith.constant 104 : index
    %get3A_42 = vector.load %arg2[%get3A_39, %get3A_40, %get3A_41] : memref<2x1024x128xf32, #tpu.memory_space<vmem>>, vector<1x1024x1xf32>
    %get3A_43 = vector.shape_cast %get3A_42 : vector<1x1024x1xf32> to vector<1024x1xf32>
    %add3A_44 = arith.addf %get3A_38, %get3A_43 : vector<1024x1xf32>
    %max3A_45 = arith.constant 1.000000e+00 : f32
    %max3A_46 = vector.broadcast %max3A_45 : f32 to vector<1024x1xf32>
    %max3A_47 = arith.maximumf %add3A_44, %max3A_46 : vector<1024x1xf32>
    %div3A_48 = arith.constant 1.000000e+00 : f32
    %div3A_49 = vector.broadcast %div3A_48 : f32 to vector<1024x1xf32>
    %div3A_50 = arith.divf %div3A_49, %max3A_47 : vector<1024x1xf32>
    %get3A_51 = arith.constant 0 : index
    %get3A_52 = arith.constant 0 : index
    %get3A_53 = arith.constant 32 : index
    %get3A_54 = vector.load %arg2[%get3A_51, %get3A_52, %get3A_53] : memref<2x1024x128xf32, #tpu.memory_space<vmem>>, vector<1x1024x32xf32>
    %get3A_55 = vector.shape_cast %get3A_54 : vector<1x1024x32xf32> to vector<1024x32xf32>
    %get3A_56 = arith.constant 1 : index
    %get3A_57 = arith.constant 0 : index
    %get3A_58 = arith.constant 32 : index
    %get3A_59 = vector.load %arg2[%get3A_56, %get3A_57, %get3A_58] : memref<2x1024x128xf32, #tpu.memory_space<vmem>>, vector<1x1024x32xf32>
    %get3A_60 = vector.shape_cast %get3A_59 : vector<1x1024x32xf32> to vector<1024x32xf32>
    %concatenate3A_61 = tpu.concatenate %get3A_55, %get3A_60 in 1 : vector<1024x32xf32>, vector<1024x32xf32> -> vector<1024x64xf32>
    %get3A_62 = arith.constant 1 : index
    %get3A_63 = arith.constant 0 : index
    %get3A_64 = vector.load %arg3[%get3A_62, %get3A_63] : memref<3x1xf32, #tpu.memory_space<vmem>>, vector<1x1xf32>
    %get3A_65 = vector.extract %get3A_64[0, 0] : f32 from vector<1x1xf32>
    %mul3A_66 = vector.broadcast %get3A_65 : f32 to vector<1024x1xf32>
    %mul3A_67 = arith.mulf %mul3A_66, %div3A_50 : vector<1024x1xf32>
    %mul3A_68 = vector.broadcast %mul3A_67 : vector<1024x1xf32> to vector<1024x64xf32>
    %mul3A_69 = arith.mulf %concatenate3A_61, %mul3A_68 : vector<1024x64xf32>
    %add3A_70 = arith.addf %add3A_33, %mul3A_69 : vector<1024x64xf32>
    %get3A_71 = arith.constant 0 : index
    %get3A_72 = arith.constant 0 : index
    %get3A_73 = arith.constant 112 : index
    %get3A_74 = vector.load %arg2[%get3A_71, %get3A_72, %get3A_73] : memref<2x1024x128xf32, #tpu.memory_space<vmem>>, vector<1x1024x1xf32>
    %get3A_75 = vector.shape_cast %get3A_74 : vector<1x1024x1xf32> to vector<1024x1xf32>
    %get3A_76 = arith.constant 1 : index
    %get3A_77 = arith.constant 0 : index
    %get3A_78 = arith.constant 112 : index
    %get3A_79 = vector.load %arg2[%get3A_76, %get3A_77, %get3A_78] : memref<2x1024x128xf32, #tpu.memory_space<vmem>>, vector<1x1024x1xf32>
    %get3A_80 = vector.shape_cast %get3A_79 : vector<1x1024x1xf32> to vector<1024x1xf32>
    %add3A_81 = arith.addf %get3A_75, %get3A_80 : vector<1024x1xf32>
    %max3A_82 = arith.constant 1.000000e+00 : f32
    %max3A_83 = vector.broadcast %max3A_82 : f32 to vector<1024x1xf32>
    %max3A_84 = arith.maximumf %add3A_81, %max3A_83 : vector<1024x1xf32>
    %div3A_85 = arith.constant 1.000000e+00 : f32
    %div3A_86 = vector.broadcast %div3A_85 : f32 to vector<1024x1xf32>
    %div3A_87 = arith.divf %div3A_86, %max3A_84 : vector<1024x1xf32>
    %get3A_88 = arith.constant 0 : index
    %get3A_89 = arith.constant 0 : index
    %get3A_90 = arith.constant 64 : index
    %get3A_91 = vector.load %arg2[%get3A_88, %get3A_89, %get3A_90] : memref<2x1024x128xf32, #tpu.memory_space<vmem>>, vector<1x1024x32xf32>
    %get3A_92 = vector.shape_cast %get3A_91 : vector<1x1024x32xf32> to vector<1024x32xf32>
    %get3A_93 = arith.constant 1 : index
    %get3A_94 = arith.constant 0 : index
    %get3A_95 = arith.constant 64 : index
    %get3A_96 = vector.load %arg2[%get3A_93, %get3A_94, %get3A_95] : memref<2x1024x128xf32, #tpu.memory_space<vmem>>, vector<1x1024x32xf32>
    %get3A_97 = vector.shape_cast %get3A_96 : vector<1x1024x32xf32> to vector<1024x32xf32>
    %concatenate3A_98 = tpu.concatenate %get3A_92, %get3A_97 in 1 : vector<1024x32xf32>, vector<1024x32xf32> -> vector<1024x64xf32>
    %get3A_99 = arith.constant 2 : index
    %get3A_100 = arith.constant 0 : index
    %get3A_101 = vector.load %arg3[%get3A_99, %get3A_100] : memref<3x1xf32, #tpu.memory_space<vmem>>, vector<1x1xf32>
    %get3A_102 = vector.extract %get3A_101[0, 0] : f32 from vector<1x1xf32>
    %mul3A_103 = vector.broadcast %get3A_102 : f32 to vector<1024x1xf32>
    %mul3A_104 = arith.mulf %mul3A_103, %div3A_87 : vector<1024x1xf32>
    %mul3A_105 = vector.broadcast %mul3A_104 : vector<1024x1xf32> to vector<1024x64xf32>
    %mul3A_106 = arith.mulf %concatenate3A_98, %mul3A_105 : vector<1024x64xf32>
    %add3A_107 = arith.addf %add3A_70, %mul3A_106 : vector<1024x64xf32>
    %max3A_108 = arith.constant 0.000000e+00 : f32
    %max3A_109 = vector.broadcast %max3A_108 : f32 to vector<1024x64xf32>
    %max3A_110 = arith.maximumf %add3A_107, %max3A_109 : vector<1024x64xf32>
    %get3A_111 = arith.constant 0 : index
    %get3A_112 = arith.constant 0 : index
    %get3A_113 = vector.load %arg4[%get3A_111, %get3A_112] : memref<64x8xf32, #tpu.memory_space<vmem>>, vector<64x8xf32>
    %dot_general3A = arith.constant dense<0.000000e+00> : vector<1024x8xf32>
    %dot_general3A_114 = tpu.matmul %max3A_110, %get3A_113, %dot_general3A {dimension_numbers = #tpu.dot_dimension_numbers<[1], [0], [0], [1], [0, 0, 1, 1], [], []>, precision = #tpu.contract_precision<fp32>, transpose_lhs_hint = false} : vector<1024x64xf32>, vector<64x8xf32>, vector<1024x8xf32> -> vector<1024x8xf32>
    %get3A_115 = arith.constant 0 : index
    %get3A_116 = arith.constant 0 : index
    %get3A_117 = vector.load %arg5[%get3A_115, %get3A_116] : memref<1x8xf32, #tpu.memory_space<vmem>>, vector<1x8xf32>
    %add3A_118 = vector.broadcast %get3A_117 : vector<1x8xf32> to vector<1024x8xf32>
    %add3A_119 = arith.addf %dot_general3A_114, %add3A_118 : vector<1024x8xf32>
    %broadcast_in_dim3A = arith.constant 0.000000e+00 : f32
    %broadcast_in_dim3A_120 = vector.broadcast %broadcast_in_dim3A : f32 to vector<1024x120xf32>
    %concatenate3A_121 = tpu.concatenate %add3A_119, %broadcast_in_dim3A_120 in 1 : vector<1024x8xf32>, vector<1024x120xf32> -> vector<1024x128xf32>
    %swap3A = arith.constant 0 : index
    %swap3A_122 = arith.constant 0 : index
    %swap3A_123 = vector.load %arg6[%swap3A, %swap3A_122] : memref<1024x128xf32, #tpu.memory_space<vmem>>, vector<1024x128xf32>
    tpu.vector_store %arg6[%swap3A, %swap3A_122], %concatenate3A_121 {strides = array<i32>} : memref<1024x128xf32, #tpu.memory_space<vmem>>, vector<1024x128xf32>,
    return
  }
  func.func @transform_0(%arg0: i32) -> (i32, i32) {
    %c0_i32 = arith.constant 0 : i32
    %c0_i32_0 = arith.constant 0 : i32
    return %arg0, %c0_i32 : i32, i32
  }
  func.func @transform_1(%arg0: i32) -> (i32, i32, i32) {
    %c0_i32 = arith.constant 0 : i32
    %c0_i32_0 = arith.constant 0 : i32
    %c0_i32_1 = arith.constant 0 : i32
    return %c0_i32, %arg0, %c0_i32_0 : i32, i32, i32
  }
  func.func @transform_2(%arg0: i32) -> (i32, i32) {
    %c0_i32 = arith.constant 0 : i32
    %c0_i32_0 = arith.constant 0 : i32
    %c0_i32_1 = arith.constant 0 : i32
    return %c0_i32, %c0_i32_0 : i32, i32
  }
  func.func @transform_3(%arg0: i32) -> (i32, i32) {
    %c0_i32 = arith.constant 0 : i32
    %c0_i32_0 = arith.constant 0 : i32
    %c0_i32_1 = arith.constant 0 : i32
    return %c0_i32, %c0_i32_0 : i32, i32
  }
  func.func @transform_4(%arg0: i32) -> (i32, i32) {
    %c0_i32 = arith.constant 0 : i32
    %c0_i32_0 = arith.constant 0 : i32
    %c0_i32_1 = arith.constant 0 : i32
    return %c0_i32, %c0_i32_0 : i32, i32
  }
  func.func @transform_5(%arg0: i32) -> (i32, i32) {
    %c0_i32 = arith.constant 0 : i32
    %c0_i32_0 = arith.constant 0 : i32
    return %arg0, %c0_i32 : i32, i32
  }
}

module attributes {stable_mosaic.version = 14 : i64} {
  func.func @_comb2_body(%arg0: i32, %arg1: memref<1024x128xf32, #tpu.memory_space<vmem>>, %arg2: memref<2x1024x128xf32, #tpu.memory_space<vmem>>, %arg3: memref<2x1024x128xf32, #tpu.memory_space<vmem>>, %arg4: memref<3x1xf32, #tpu.memory_space<vmem>>, %arg5: memref<1024x4xf32, #tpu.memory_space<vmem>>) attributes {dimension_semantics = [#tpu.dimension_semantics<arbitrary>], iteration_bounds = array<i64: 10>, scalar_prefetch = 0 : i64, scratch_operands = 0 : i64, tpu.core_type = #tpu.core_type<tc>, window_params = [{transform_indices = @transform_0, window_bounds = array<i64: 1024, 128>}, {transform_indices = @transform_1, window_bounds = array<i64: 2, 1024, 128>}, {transform_indices = @transform_2, window_bounds = array<i64: 2, 1024, 128>}, {pipeline_mode = #tpu.pipeline_mode<synchronous>, transform_indices = @transform_3, window_bounds = array<i64: 3, 1>}, {transform_indices = @transform_4, window_bounds = array<i64: 1024, 4>}]} {
    %get3A = arith.constant 0 : index
    %get3A_0 = arith.constant 4 : index
    %get3A_1 = vector.load %arg1[%get3A, %get3A_0] : memref<1024x128xf32, #tpu.memory_space<vmem>>, vector<1024x4xf32>
    %get3A_2 = arith.constant 0 : index
    %get3A_3 = arith.constant 0 : index
    %get3A_4 = arith.constant 96 : index
    %get3A_5 = vector.load %arg3[%get3A_2, %get3A_3, %get3A_4] : memref<2x1024x128xf32, #tpu.memory_space<vmem>>, vector<1x1024x1xf32>
    %get3A_6 = vector.shape_cast %get3A_5 : vector<1x1024x1xf32> to vector<1024x1xf32>
    %get3A_7 = arith.constant 1 : index
    %get3A_8 = arith.constant 0 : index
    %get3A_9 = arith.constant 96 : index
    %get3A_10 = vector.load %arg3[%get3A_7, %get3A_8, %get3A_9] : memref<2x1024x128xf32, #tpu.memory_space<vmem>>, vector<1x1024x1xf32>
    %get3A_11 = vector.shape_cast %get3A_10 : vector<1x1024x1xf32> to vector<1024x1xf32>
    %add3A = arith.addf %get3A_6, %get3A_11 : vector<1024x1xf32>
    %max3A = arith.constant 1.000000e+00 : f32
    %max3A_12 = vector.broadcast %max3A : f32 to vector<1024x1xf32>
    %max3A_13 = arith.maximumf %add3A, %max3A_12 : vector<1024x1xf32>
    %div3A = arith.constant 1.000000e+00 : f32
    %div3A_14 = vector.broadcast %div3A : f32 to vector<1024x1xf32>
    %div3A_15 = arith.divf %div3A_14, %max3A_13 : vector<1024x1xf32>
    %get3A_16 = arith.constant 0 : index
    %get3A_17 = arith.constant 0 : index
    %get3A_18 = arith.constant 0 : index
    %get3A_19 = vector.load %arg2[%get3A_16, %get3A_17, %get3A_18] : memref<2x1024x128xf32, #tpu.memory_space<vmem>>, vector<1x1024x4xf32>
    %get3A_20 = vector.shape_cast %get3A_19 : vector<1x1024x4xf32> to vector<1024x4xf32>
    %get3A_21 = arith.constant 1 : index
    %get3A_22 = arith.constant 0 : index
    %get3A_23 = arith.constant 0 : index
    %get3A_24 = vector.load %arg2[%get3A_21, %get3A_22, %get3A_23] : memref<2x1024x128xf32, #tpu.memory_space<vmem>>, vector<1x1024x4xf32>
    %get3A_25 = vector.shape_cast %get3A_24 : vector<1x1024x4xf32> to vector<1024x4xf32>
    %add3A_26 = arith.addf %get3A_20, %get3A_25 : vector<1024x4xf32>
    %get3A_27 = arith.constant 0 : index
    %get3A_28 = arith.constant 0 : index
    %get3A_29 = vector.load %arg4[%get3A_27, %get3A_28] : memref<3x1xf32, #tpu.memory_space<vmem>>, vector<1x1xf32>
    %get3A_30 = vector.extract %get3A_29[0, 0] : f32 from vector<1x1xf32>
    %mul3A = vector.broadcast %get3A_30 : f32 to vector<1024x1xf32>
    %mul3A_31 = arith.mulf %mul3A, %div3A_15 : vector<1024x1xf32>
    %mul3A_32 = vector.broadcast %mul3A_31 : vector<1024x1xf32> to vector<1024x4xf32>
    %mul3A_33 = arith.mulf %add3A_26, %mul3A_32 : vector<1024x4xf32>
    %add3A_34 = arith.addf %get3A_1, %mul3A_33 : vector<1024x4xf32>
    %get3A_35 = arith.constant 0 : index
    %get3A_36 = arith.constant 0 : index
    %get3A_37 = arith.constant 104 : index
    %get3A_38 = vector.load %arg3[%get3A_35, %get3A_36, %get3A_37] : memref<2x1024x128xf32, #tpu.memory_space<vmem>>, vector<1x1024x1xf32>
    %get3A_39 = vector.shape_cast %get3A_38 : vector<1x1024x1xf32> to vector<1024x1xf32>
    %get3A_40 = arith.constant 1 : index
    %get3A_41 = arith.constant 0 : index
    %get3A_42 = arith.constant 104 : index
    %get3A_43 = vector.load %arg3[%get3A_40, %get3A_41, %get3A_42] : memref<2x1024x128xf32, #tpu.memory_space<vmem>>, vector<1x1024x1xf32>
    %get3A_44 = vector.shape_cast %get3A_43 : vector<1x1024x1xf32> to vector<1024x1xf32>
    %add3A_45 = arith.addf %get3A_39, %get3A_44 : vector<1024x1xf32>
    %max3A_46 = arith.constant 1.000000e+00 : f32
    %max3A_47 = vector.broadcast %max3A_46 : f32 to vector<1024x1xf32>
    %max3A_48 = arith.maximumf %add3A_45, %max3A_47 : vector<1024x1xf32>
    %div3A_49 = arith.constant 1.000000e+00 : f32
    %div3A_50 = vector.broadcast %div3A_49 : f32 to vector<1024x1xf32>
    %div3A_51 = arith.divf %div3A_50, %max3A_48 : vector<1024x1xf32>
    %get3A_52 = arith.constant 0 : index
    %get3A_53 = arith.constant 0 : index
    %get3A_54 = arith.constant 16 : index
    %get3A_55 = vector.load %arg2[%get3A_52, %get3A_53, %get3A_54] : memref<2x1024x128xf32, #tpu.memory_space<vmem>>, vector<1x1024x4xf32>
    %get3A_56 = vector.shape_cast %get3A_55 : vector<1x1024x4xf32> to vector<1024x4xf32>
    %get3A_57 = arith.constant 1 : index
    %get3A_58 = arith.constant 0 : index
    %get3A_59 = arith.constant 16 : index
    %get3A_60 = vector.load %arg2[%get3A_57, %get3A_58, %get3A_59] : memref<2x1024x128xf32, #tpu.memory_space<vmem>>, vector<1x1024x4xf32>
    %get3A_61 = vector.shape_cast %get3A_60 : vector<1x1024x4xf32> to vector<1024x4xf32>
    %add3A_62 = arith.addf %get3A_56, %get3A_61 : vector<1024x4xf32>
    %get3A_63 = arith.constant 1 : index
    %get3A_64 = arith.constant 0 : index
    %get3A_65 = vector.load %arg4[%get3A_63, %get3A_64] : memref<3x1xf32, #tpu.memory_space<vmem>>, vector<1x1xf32>
    %get3A_66 = vector.extract %get3A_65[0, 0] : f32 from vector<1x1xf32>
    %mul3A_67 = vector.broadcast %get3A_66 : f32 to vector<1024x1xf32>
    %mul3A_68 = arith.mulf %mul3A_67, %div3A_51 : vector<1024x1xf32>
    %mul3A_69 = vector.broadcast %mul3A_68 : vector<1024x1xf32> to vector<1024x4xf32>
    %mul3A_70 = arith.mulf %add3A_62, %mul3A_69 : vector<1024x4xf32>
    %add3A_71 = arith.addf %add3A_34, %mul3A_70 : vector<1024x4xf32>
    %get3A_72 = arith.constant 0 : index
    %get3A_73 = arith.constant 0 : index
    %get3A_74 = arith.constant 112 : index
    %get3A_75 = vector.load %arg3[%get3A_72, %get3A_73, %get3A_74] : memref<2x1024x128xf32, #tpu.memory_space<vmem>>, vector<1x1024x1xf32>
    %get3A_76 = vector.shape_cast %get3A_75 : vector<1x1024x1xf32> to vector<1024x1xf32>
    %get3A_77 = arith.constant 1 : index
    %get3A_78 = arith.constant 0 : index
    %get3A_79 = arith.constant 112 : index
    %get3A_80 = vector.load %arg3[%get3A_77, %get3A_78, %get3A_79] : memref<2x1024x128xf32, #tpu.memory_space<vmem>>, vector<1x1024x1xf32>
    %get3A_81 = vector.shape_cast %get3A_80 : vector<1x1024x1xf32> to vector<1024x1xf32>
    %add3A_82 = arith.addf %get3A_76, %get3A_81 : vector<1024x1xf32>
    %max3A_83 = arith.constant 1.000000e+00 : f32
    %max3A_84 = vector.broadcast %max3A_83 : f32 to vector<1024x1xf32>
    %max3A_85 = arith.maximumf %add3A_82, %max3A_84 : vector<1024x1xf32>
    %div3A_86 = arith.constant 1.000000e+00 : f32
    %div3A_87 = vector.broadcast %div3A_86 : f32 to vector<1024x1xf32>
    %div3A_88 = arith.divf %div3A_87, %max3A_85 : vector<1024x1xf32>
    %get3A_89 = arith.constant 0 : index
    %get3A_90 = arith.constant 0 : index
    %get3A_91 = arith.constant 32 : index
    %get3A_92 = vector.load %arg2[%get3A_89, %get3A_90, %get3A_91] : memref<2x1024x128xf32, #tpu.memory_space<vmem>>, vector<1x1024x4xf32>
    %get3A_93 = vector.shape_cast %get3A_92 : vector<1x1024x4xf32> to vector<1024x4xf32>
    %get3A_94 = arith.constant 1 : index
    %get3A_95 = arith.constant 0 : index
    %get3A_96 = arith.constant 32 : index
    %get3A_97 = vector.load %arg2[%get3A_94, %get3A_95, %get3A_96] : memref<2x1024x128xf32, #tpu.memory_space<vmem>>, vector<1x1024x4xf32>
    %get3A_98 = vector.shape_cast %get3A_97 : vector<1x1024x4xf32> to vector<1024x4xf32>
    %add3A_99 = arith.addf %get3A_93, %get3A_98 : vector<1024x4xf32>
    %get3A_100 = arith.constant 2 : index
    %get3A_101 = arith.constant 0 : index
    %get3A_102 = vector.load %arg4[%get3A_100, %get3A_101] : memref<3x1xf32, #tpu.memory_space<vmem>>, vector<1x1xf32>
    %get3A_103 = vector.extract %get3A_102[0, 0] : f32 from vector<1x1xf32>
    %mul3A_104 = vector.broadcast %get3A_103 : f32 to vector<1024x1xf32>
    %mul3A_105 = arith.mulf %mul3A_104, %div3A_88 : vector<1024x1xf32>
    %mul3A_106 = vector.broadcast %mul3A_105 : vector<1024x1xf32> to vector<1024x4xf32>
    %mul3A_107 = arith.mulf %add3A_99, %mul3A_106 : vector<1024x4xf32>
    %add3A_108 = arith.addf %add3A_71, %mul3A_107 : vector<1024x4xf32>
    %reduce_max3A = arith.constant dense<0xFF800000> : vector<1024xf32>
    %reduce_max3A_109 = vector.multi_reduction <maximumf>, %add3A_108, %reduce_max3A [1] : vector<1024x4xf32> to vector<1024xf32>
    %broadcast_in_dim3A = vector.shape_cast %reduce_max3A_109 : vector<1024xf32> to vector<1024x1xf32>
    %sub3A = vector.broadcast %broadcast_in_dim3A : vector<1024x1xf32> to vector<1024x4xf32>
    %sub3A_110 = arith.subf %add3A_108, %sub3A : vector<1024x4xf32>
    %exp3A = math.exp %sub3A_110 : vector<1024x4xf32>
    %reduce_sum3A = arith.constant dense<0.000000e+00> : vector<1024xf32>
    %reduce_sum3A_111 = vector.multi_reduction <add>, %exp3A, %reduce_sum3A [1] : vector<1024x4xf32> to vector<1024xf32>
    %broadcast_in_dim3A_112 = vector.shape_cast %reduce_sum3A_111 : vector<1024xf32> to vector<1024x1xf32>
    %div3A_113 = vector.broadcast %broadcast_in_dim3A_112 : vector<1024x1xf32> to vector<1024x4xf32>
    %div3A_114 = arith.divf %exp3A, %div3A_113 : vector<1024x4xf32>
    %swap3A = arith.constant 0 : index
    %swap3A_115 = arith.constant 0 : index
    %swap3A_116 = vector.load %arg5[%swap3A, %swap3A_115] : memref<1024x4xf32, #tpu.memory_space<vmem>>, vector<1024x4xf32>
    tpu.vector_store %arg5[%swap3A, %swap3A_115], %div3A_114 {strides = array<i32>} : memref<1024x4xf32, #tpu.memory_space<vmem>>, vector<1024x4xf32>,
    return
  }
  func.func @transform_0(%arg0: i32) -> (i32, i32) {
    %c0_i32 = arith.constant 0 : i32
    %c0_i32_0 = arith.constant 0 : i32
    return %arg0, %c0_i32 : i32, i32
  }
  func.func @transform_1(%arg0: i32) -> (i32, i32, i32) {
    %c0_i32 = arith.constant 0 : i32
    %c0_i32_0 = arith.constant 0 : i32
    %c0_i32_1 = arith.constant 0 : i32
    return %c0_i32, %arg0, %c0_i32_0 : i32, i32, i32
  }
  func.func @transform_2(%arg0: i32) -> (i32, i32, i32) {
    %c0_i32 = arith.constant 0 : i32
    %c0_i32_0 = arith.constant 0 : i32
    %c0_i32_1 = arith.constant 0 : i32
    return %c0_i32, %arg0, %c0_i32_0 : i32, i32, i32
  }
  func.func @transform_3(%arg0: i32) -> (i32, i32) {
    %c0_i32 = arith.constant 0 : i32
    %c0_i32_0 = arith.constant 0 : i32
    %c0_i32_1 = arith.constant 0 : i32
    return %c0_i32, %c0_i32_0 : i32, i32
  }
  func.func @transform_4(%arg0: i32) -> (i32, i32) {
    %c0_i32 = arith.constant 0 : i32
    %c0_i32_0 = arith.constant 0 : i32
    return %arg0, %c0_i32 : i32, i32
  }
}

</mosaic_0001>

<sc_bundles>
// kernel: kernel.11.cloned.1.call-start
scs
__scs_entry_jumppad:
0x0: {  	(pc) =	sbr.rel $0x88, $3  }
0x1: {  	(tag) =	ssettag $0x0;
	lr =	simm.s32 $0x1  }
0x2: {  	[smem:$0x3F96] =	sst lr;
	_ =	strace $0xD0000000  }
0x3: {  	_ = 	snop  }
0x4: {  	_ = 	snop  }
0x5: {  	_ = 	snop  }
0x6: {  	_ = 	snop  }
0x7: {  	_ = 	snop  }
__scs_overlays_trampoline_lowered:
0x8: {  	[smem:$0x3FA5] =	sst s0  }
0x9: {  	[smem:$0x3FA6] =	sst s1  }
0xa: {  	[smem:$0x3FA7] =	sst s2  }
0xb: {  	[smem:$0x3FA8] =	sst s3  }
0xc: {  	[smem:$0x3FA9] =	sst s4  }
0xd: {  	[smem:$0x3FAA] =	sst s5  }
0xe: {  	[smem:$0x3FAB] =	sst s6  }
0xf: {  	[smem:$0x3FAC] =	sst s7  }
0x10: {  	[smem:$0x3FAD] =	sst s8  }
0x11: {  	[smem:$0x3FAE] =	sst s9;
	s0 =	simm.s32 @!p0 $0x0  }
0x12: {  	s1 =	sld [smem:$0x3F94];
	s0 =	simm.s32 @p0 $0x1  }
0x13: {  	[smem:$0x3FAF] =	sst s0;
	s0 =	simm.s32 @!p1 $0x0  }
0x14: {  	s2 =	sld [smem:$0x3F93];
	s0 =	simm.s32 @p1 $0x1  }
0x15: {  	[smem:$0x3FB0] =	sst s0;
	s0 =	simm.s32 @!p2 $0x0  }
0x16: {  	s3 =	sld [smem:$0x3FDB];
	s0 =	simm.s32 @p2 $0x1  }
0x17: {  	s4 =	simm.s32 $0x1BF5;
	[smem:$0x3FB2] =	sst s0  }
0x18: {  	s0 =	sld [smem:$0x3F95];
	_ =	swait.ge [sflag:s4], $0x0  }
0x19: {  	s7 =	sld [smem:$0x3F96]  }
0x1a: {  	s8 =	sadd.s32 $0xFFFFE003, lr  }
0x1b: {  	s9 =	sadd.s32 $0xFFFFFEF7, lr;
	s5 =	simm.s32 $0xFFFFFFFF;
	p2 =	slt.u32 s8, $0xFFFFF086  }
0x1c: {  	p1 =	slt.u32 s9, $0xF7A;
	s5 =	simm.s32 @!p2 $0x0  }
0x1d: {  	s5 =	simm.s32 @p1 $0x1;
	p0 =	seq.s32 s7, s2  }
0x1e: {  	s7 =	smul.u32 @!p0 $0xF7A, s2;
	p2 =	seq.s32 @!p0 s5, $0x0  }
0x1f: {  	s9 =	smul.u32 $0xF7A, s1;
	s8 =	simm.s32 @!p0 $0x1BF5;
	p2 =	por !p2, p0  }
0x20: {  	[sflag:s8] =	ssyncset.s32 @!p0 $0xFFFFF086;
	s6 =	sadd.s32 @!p0 s3, s7;
	s7 =	simm.s32 @!p0 $0x108  }
0x21: {  	s3 =	sadd.s32 s3, s9;
	s6 =	sadd.s32 @!p0 $0x88, s6;
	s7 =	simm.s32 @p2 $0x1082  }
0x22: {  	[simem:s7], [sflag:s8] =	dma.local @!p0 [hbm:s6], $0xF7A  }
0x23: {  	s9 =	sor.u32 $0xD0000000, s2;
	s6 =	simm.s32 $0x108;
	_ =	swait.ge @!p0 [sflag:s8], $0x0  }
0x24: {  	s3 =	sadd.s32 $0x88, s3;
	s6 =	simm.s32 @!p1 $0x1082;
	[sflag:s4] =	ssyncset.s32 $0xFFFFF086  }
0x25: {  	[simem:s6], [sflag:s4] =	dma.local [hbm:s3], $0xF7A  }
0x26: {  	[smem:$0x3F96] =	sst s1;
	(tag) =	ssettag s2;
	_ =	strace s9  }
0x27: {  	s1 =	sld [smem:$0x3FA6]  }
0x28: {  	s2 =	sld [smem:$0x3FA7]  }
0x29: {  	s4 =	sld [smem:$0x3FA9]  }
0x2a: {  	p0 =	seq.s32 s5, $0x0;
	s5 =	sld [smem:$0x3FAA]  }
0x2b: {  	s6 =	sld [smem:$0x3FAB]  }
0x2c: {  	s7 =	sld [smem:$0x3FAC]  }
0x2d: {  	s3 =	simm.s32 $0x108;
	s8 =	sld [smem:$0x3FAD]  }
0x2e: {  	s3 =	simm.s32 @!p0 $0x1082;
	s9 =	sld [smem:$0x3FAE]  }
0x2f: {  	lr =	sadd.s32 s0, s3;
	s0 =	sld [smem:$0x3FA5]  }
0x30: {  	s3 =	sld [smem:$0x3FA8]  }
0x31: {  	[smem:$0x3FB1] =	sst s10  }
0x32: {  	s10 =	sld [smem:$0x3FAF];
	_ =	sdelay $0x3  }
0x33: {  	p0 =	seq.s32 s10, $0x1;
	s10 =	sld [smem:$0x3FB1];
	_ =	sdelay $0x3  }
0x34: {  	[smem:$0x3FB1] =	sst s10  }
0x35: {  	s10 =	sld [smem:$0x3FB0];
	_ =	sdelay $0x3  }
0x36: {  	p1 =	seq.s32 s10, $0x1;
	s10 =	sld [smem:$0x3FB1];
	_ =	sdelay $0x3  }
0x37: {  	[smem:$0x3FB1] =	sst s10  }
0x38: {  	s10 =	sld [smem:$0x3FB2]  }
0x39: {  	_ = 	snop;
	(pc) =	sbr.ind lr, $3  }
0x3a: {  	_ = 	snop  }
0x3b: {  	_ = 	snop  }
0x3c: {  	p2 =	seq.s32 s10, $0x1;
	s10 =	sld [smem:$0x3FB1]  }
0x3d: {  	_ =	shalt  }
0x3e: {  	_ =	shalt  }
0x3f: {  	_ =	shalt  }
0x40: {  	_ =	shalt  }
0x41: {  	_ =	shalt  }
0x42: {  	_ =	shalt  }
0x43: {  	_ =	shalt  }
0x44: {  	_ =	shalt  }
0x45: {  	_ =	shalt  }
0x46: {  	_ =	shalt  }
0x47: {  	_ =	shalt  }
0x48: {  	_ =	shalt  }
0x49: {  	_ =	shalt  }
0x4a: {  	_ =	shalt  }
0x4b: {  	_ =	shalt  }
0x4c: {  	_ =	shalt  }
0x4d: {  	_ =	shalt  }
0x4e: {  	_ =	shalt  }
0x4f: {  	_ =	shalt  }
0x50: {  	_ =	shalt  }
0x51: {  	_ =	shalt  }
0x52: {  	_ =	shalt  }
0x53: {  	_ =	shalt  }
0x54: {  	_ =	shalt  }
0x55: {  	_ =	shalt  }
0x56: {  	_ =	shalt  }
0x57: {  	_ =	shalt  }
0x58: {  	_ =	shalt  }
0x59: {  	_ =	shalt  }
0x5a: {  	_ =	shalt  }
0x5b: {  	_ =	shalt  }
0x5c: {  	_ =	shalt  }
0x5d: {  	_ =	shalt  }
0x5e: {  	_ =	shalt  }
0x5f: {  	_ =	shalt  }
0x60: {  	_ =	shalt  }
0x61: {  	_ =	shalt  }
0x62: {  	_ =	shalt  }
0x63: {  	_ =	shalt  }
0x64: {  	_ =	shalt  }
0x65: {  	_ =	shalt  }
0x66: {  	_ =	shalt  }
0x67: {  	_ =	shalt  }
0x68: {  	_ =	shalt  }
0x69: {  	_ =	shalt  }
0x6a: {  	_ =	shalt  }
0x6b: {  	_ =	shalt  }
0x6c: {  	_ =	shalt  }
0x6d: {  	_ =	shalt  }
0x6e: {  	_ =	shalt  }
0x6f: {  	_ =	shalt  }
0x70: {  	_ =	shalt  }
0x71: {  	_ =	shalt  }
0x72: {  	_ =	shalt  }
0x73: {  	_ =	shalt  }
0x74: {  	_ =	shalt  }
0x75: {  	_ =	shalt  }
0x76: {  	_ =	shalt  }
0x77: {  	_ =	shalt  }
0x78: {  	_ =	shalt  }
0x79: {  	_ =	shalt  }
0x7a: {  	_ =	shalt  }
0x7b: {  	_ =	shalt  }
0x7c: {  	_ =	shalt  }
0x7d: {  	_ =	shalt  }
0x7e: {  	_ =	shalt  }
0x7f: {  	_ =	shalt  }
0x80: {  	_ =	shalt  }
0x81: {  	_ =	shalt  }
0x82: {  	_ =	shalt  }
0x83: {  	_ =	shalt  }
0x84: {  	_ =	shalt  }
0x85: {  	_ =	shalt  }
0x86: {  	_ =	shalt  }
0x87: {  	_ =	shalt  }
.Lfunc_end0:
.L_simem_size_0:
called_computation.1_lowered:
.L_overlay_start_0:
0x88: {  	s2 =	sld [smem:$0x3FD9]  }
0x89: {  	s3 =	sld [smem:$0x3FFE];
	_ =	sdelay $0x1  }
0x8a: {  	s1 =	srdreg.scid  }
0x8b: {  	s0 =	sand.u32 $0x1, s1  }
0x8c: {  	s16 =	sshll.u32 s0, $0xA;
	s2 =	sadd.s32 s3, s2  }
0x8d: {  	s2 =	sadd.s32 s2, s16  }
0x8e: {  	[smem:$0x3FBD] =	sst s2  }
0x8f: {  	_ = 	snop  }
0x90: {  	(tm) =	ssettm $0x1  }
0x91: {  	s17 =	sld [smem:$0x3FFB];
	_ =	sdelay $0x3  }
0x92: {  	_ =	strace s17  }
0x93: {  	s2 =	sld [smem:$0x3FFC];
	_ =	sdelay $0x3  }
0x94: {  	_ =	strace s2  }
0x95: {  	s2 =	sld [smem:$0x3FFD];
	_ =	sdelay $0x3  }
0x96: {  	_ =	strace s2  }
0x97: {  	_ =	strace $0x8FFFFFFF  }
0x98: {  	s18 =	sld [smem:$0x3FDB];
	_ =	sdelay $0x1  }
0x99: {  	s19 =	simm.s32 $_scs_section_size  }
0x9a: {  	s4 =	simm.s32 $_size__tile_overlayer_lowered;
	s5 =	simm.s32 $_tile_overlayer_lowered  }
0x9b: {  	s22 =	simm.s32 $0x1BFF;
	s21 =	sshll.u32 s5, $0x1;
	s2 =	sadd.s32 s19, s18  }
0x9c: {  	s6 =	simm.s32 $0x0;
	s20 =	sshll.u32 s4, $0x1;
	s4 =	sadd.s32 s21, s2  }
0x9d: {  	[timem:s6], [sflag:s22] =	dma.local [hbm:s4], s20  }
0x9e: {  	_ =	swait.ge [sflag:s22], s20  }
0x9f: {  	s3 =	ssub.s32 $0x0, s20;
	[sflag:s22] =	ssyncset.done $0x0  }
0xa0: {  	[sflag:s22] =	ssyncadd.s32 s3;
	_ =	sdelay $0x1  }
0xa1: {  	s23 =	simm.s32 $0x1B8B  }
0xa2: {  	_ =	swait.ge [sflag:s23], $0x1  }
0xa3: {  	[sflag:s23] =	ssyncset.done $0x0  }
0xa4: {  	s25 =	simm.s32 $0x1B8E;
	s24 =	sld [smem:$0x3FFE];
	[sflag:s23] =	ssyncadd.s32 $0xFFFFFFFF  }
0xa5: {  	s26 =	simm.s32 $execute0_lowered;
	[smem:$0x3FD2] =	sst s25  }
0xa6: {  	s4 =	sshll.u32 s26, $0x1;
	_ =	strace $0x80000049;
	[dreg:$0x1] =	wrdreg $0xFFFFFFFF  }
0xa7: {  	s28 =	simm.s32 $_size_execute0_lowered;
	s2 =	sadd.s32 s2, s4;
	[dreg:$0x0] =	wrdreg $0x0  }
0xa8: {  	s4 =	sshll.u32 s28, $0x1;
	[dreg:$0x2] =	wrdreg s2  }
0xa9: {  	[dreg:$0x3] =	wrdreg s4  }
0xaa: {  	[dreg:$0x4] =	wrdreg $0xC0  }
0xab: {  	_ =	task [dreg:s6], $0x5FFFF  }
0xac: {  	[dreg:$0x1] =	wrdreg $0xFFFFFFFF  }
0xad: {  	[dreg:$0x0] =	wrdreg $0x60  }
0xae: {  	[dreg:$0x2] =	wrdreg s24  }
0xaf: {  	[dreg:$0x3] =	wrdreg $0x0  }
0xb0: {  	[dreg:$0x4] =	wrdreg $0x9  }
0xb1: {  	_ =	task.clear_ibuf [dreg:s6], $0x5FFFF;
	_ =	strace $0x90000049  }
0xb2: {  	s29 =	simm.s32 $0x9;
	_ =	strace $0x8000004B  }
0xb3: {  	_ =	swait.ge [sflag:s29], $0x1  }
0xb4: {  	[sflag:s29] =	ssyncadd.s32 $0xFFFFFFFF  }
0xb5: {  	_ =	strace $0x9000004B  }
0xb6: {  	_ =	sfence  }
0xb7: {  	s30 =	sld [smem:$0x0];
	_ =	sdelay $0x2  }
0xb8: {  	s31 =	sshll.u32 s1, $0xD;
	s1 =	sshrl.u32 s1, $0x2  }
0xb9: {  	s3 =	sand.u32 $0x4000, s31;
	s1 =	sadd.s32 s1, s30  }
0xba: {  	s0 =	sor.u32 s3, s0;
	s1 =	sshll.u32 s1, $0x11  }
0xbb: {  	s0 =	sor.u32 s1, s0  }
0xbc: {  	s0 =	sadd.s32 $0x8F2B, s0  }
0xbd: {  	[sflag:s0] =	ssyncadd.remote.s32 $0x1  }
0xbe: {  	_ =	sfence.sel $0xFFFF  }
0xbf: {  	[dreg:$0x0] =	wrdreg $0xFFFFFFFF;
	(pc) =	sbr.abs _section_cstart, $3  }
0xc0: {  	[dreg:$0x1] =	wrdreg $0xFFFFFFFF  }
0xc1: {  	_ =	task.clear_ibuf [dreg:s6], $0x2FFFF;
	_ =	strace $0x9FFFFFFF  }
0xc2: {  	(tm) =	ssettm $0x7FFFFFFF  }
0xc3: {  	_ =	shalt  }
tec
execute0_lowered:
.L_overlay_start_1:
0x0: {  	(tag) =	ssettag $0x1  }
0x1: {  	s1 =	srdreg.scid;
	s6 =	rddreg [dreg:$0x0]  }
0x2: {  	s0 =	stileid.u32;
	s2 =	rddreg [dreg:$0x1]  }
0x3: {  	s3 =	simm.s32 $0x0;
	s13 =	simm.s32 $0x14080;
	s14 =	simm.s32 $0x16880  }
0x4: {  	s15 =	simm.s32 $0x80;
	s16 =	simm.s32 $0x19080;
	s17 =	simm.s32 $0x19880  }
0x5: {  	s18 =	simm.s32 $0x1;
	s19 =	simm.s32 $0x2;
	s20 =	simm.s32 $0x16800  }
0x6: {  	s21 =	simm.s32 $0x18F80;
	s22 =	simm.s32 $0x19000;
	s23 =	simm.s32 $0x0  }
0x7: {  	s5 =	sand.u32 $0x1, s1;
	s29 =	sshll.u32 s0, $0x1;
	s7 =	smul.u32 $0x14080, s0  }
0x8: {  	[smem:$0x7FF] =	sst s3;
	s31 =	sshll.u32 s0, $0x6;
	s1 =	sor.u32 s5, s29  }
0x9: {  	s8 =	smul.u32 $0x140800, s5;
	s10 =	ssub.s32 $0x2, s5;
	s5 =	sadd.s32 $0x4600, s6  }
0xa: {  	s4 =	smul.u32 $0x500, s1;
	s1 =	rddreg [dreg:$0x2];
	_ =	strace $0x8000004A  }
0xb: {  	s30 =	sshrl.u32 s10, $0x1;
	s12 =	sadd.s32 s7, s2;
	s8 =	sadd.s32 s7, s8  }
0xc: {  	s10 =	ssub.s32 s10, s30;
	s9 =	sadd.s32 s4, s6;
	s8 =	sshrl.u32 s8, $0x3  }
0xd: {  	s4 =	sadd.s32 $0x2C600, s6;
	s10 =	smax.u32 s10, $0x1;
	s11 =	sadd.s32 s8, s6  }
0xe: {  	s6 =	sor.u32 $0x1C03, s31;
	s7 =	sadd.s32 $0x18600, s9;
	s8 =	sadd.s32 $0x22600, s9  }
0xf: {  	s9 =	sadd.s32 $0xCE600, s11;
	s11 =	sshrl.u32 s12, $0x3;
	s12 =	simm.s32 $0x3  }
.LBB2_1:
0x10: {  	[spmem:s11], [sflag:s6] =	dma.local [hbm:s5], $0x2810  }
0x11: {  	_ =	swait.ge [sflag:s12], $0x2810  }
0x12: {  	[sflag:s12] =	ssyncset.done $0x0  }
0x13: {  	[sflag:s12] =	ssyncadd.s32 $0xFFFFD7F0  }
0x14: {  	[tilespmem:s13], [sflag:$0x3] =	stream.linear.gather [hbm4b:s7+s3], $0x2800, $0x38;
	[tilespmem:$0x1A080] =	vst v63  }
0x15: {  	_ =	swait.ge [sflag:s12], $0x2800  }
0x16: {  	[sflag:s12] =	ssyncset.done $0x0  }
0x17: {  	[sflag:s12] =	ssyncadd.s32 $0xFFFFD800  }
0x18: {  	[tilespmem:s14], [sflag:$0x3] =	stream.linear.gather [hbm4b:s8+s3], $0x2800, $0x38;
	[tilespmem:$0x1A080] =	vst v63  }
0x19: {  	_ =	swait.ge [sflag:s12], $0x2800  }
0x1a: {  	[sflag:s12] =	ssyncset.done $0x0  }
0x1b: {  	[sflag:s12] =	ssyncadd.s32 $0xFFFFD800  }
0x1c: {  	[bflag:$0x0] =	sbarrier.arrive $0xFFFF  }
0x1d: {  	[tilespmem:s16], [sflag:$0x1] =	stream.indirect.gather [hbm4b:s4+s15], $0x10, s13, s15, $0xb8;
	[tilespmem:$0x1A080] =	vst v63  }
0x1e: {  	s24 =	simm.s32 $0x14100  }
0x1f: {  	[tilespmem:s17], [sflag:$0x2] =	stream.indirect.gather [hbm4b:s4+s15], $0x10, s24, s15, $0xb8;
	[tilespmem:$0x1A080] =	vst v63  }
0x20: {  	_ =	swait.ge [sflag:s18], $0x800  }
0x21: {  	[sflag:s18] =	ssyncset.done $0x0  }
0x22: {  	s29 =	simm.s32 $0x16880;
	[sflag:s18] =	ssyncadd.s32 $0xFFFFF800  }
0x23: {  	[spmem:s2] =	stream.indirect.scatter.add.f32 [tilespmem:s16], [sflag:$0x3], $0x10, s29, s15, $0xb8;
	[tilespmem:$0x1A080] =	vst v63  }
0x24: {  	_ =	swait.ge [sflag:s12], $0x800  }
0x25: {  	[sflag:s12] =	ssyncset.done $0x0  }
0x26: {  	s30 =	simm.s32 $0x14180;
	[sflag:s12] =	ssyncadd.s32 $0xFFFFF800  }
0x27: {  	[tilespmem:s16], [sflag:$0x1] =	stream.indirect.gather [hbm4b:s4+s15], $0x10, s30, s15, $0xb8;
	[tilespmem:$0x1A080] =	vst v63  }
0x28: {  	_ =	swait.ge [sflag:s19], $0x800  }
0x29: {  	[sflag:s19] =	ssyncset.done $0x0  }
0x2a: {  	s31 =	simm.s32 $0x16900;
	[sflag:s19] =	ssyncadd.s32 $0xFFFFF800  }
0x2b: {  	[spmem:s2] =	stream.indirect.scatter.add.f32 [tilespmem:s17], [sflag:$0x3], $0x10, s31, s15, $0xb8;
	[tilespmem:$0x1A080] =	vst v63  }
0x2c: {  	_ =	swait.ge [sflag:s12], $0x800  }
0x2d: {  	s25 =	simm.s32 $0x800;
	s24 =	simm.s32 $0x100;
	[sflag:s12] =	ssyncset.done $0x0  }
.LBB2_2:
0x2e: {  	s26 =	sadd.s32 $0x14100, s24  }
0x2f: {  	[sflag:s12] =	ssyncadd.s32 $0xFFFFF800;
	s28 =	smov.u32 s25;
	s29 =	sadd.s32 $0x400, s25  }
0x30: {  	[tilespmem:s17], [sflag:$0x2] =	stream.indirect.gather [hbm4b:s4+s15], $0x10, s26, s15, $0xb8;
	[tilespmem:$0x1A080] =	vst v63  }
0x31: {  	p0 =	sne.s32 s25, $0x9800;
	_ =	swait.ge [sflag:s18], $0x800  }
0x32: {  	[sflag:s18] =	ssyncset.done $0x0  }
0x33: {  	s25 =	sadd.s32 $0x16880, s24;
	[sflag:s18] =	ssyncadd.s32 $0xFFFFF800  }
0x34: {  	[spmem:s2] =	stream.indirect.scatter.add.f32 [tilespmem:s16], [sflag:$0x3], $0x10, s25, s15, $0xb8;
	[tilespmem:$0x1A080] =	vst v63  }
0x35: {  	_ =	swait.ge [sflag:s12], $0x800  }
0x36: {  	[sflag:s12] =	ssyncset.done $0x0  }
0x37: {  	s25 =	sadd.s32 $0x14180, s24;
	[sflag:s12] =	ssyncadd.s32 $0xFFFFF800  }
0x38: {  	[tilespmem:s16], [sflag:$0x1] =	stream.indirect.gather [hbm4b:s4+s15], $0x10, s25, s15, $0xb8;
	[tilespmem:$0x1A080] =	vst v63  }
0x39: {  	_ =	swait.ge [sflag:s19], $0x800  }
.Ltmp0:
0x3a: {  	[sflag:s19] =	ssyncset.done $0x0;
	(pc) =	sbr.rel @p0 .LBB2_2-.Ltmp0, $4  }
0x3b: {  	s24 =	sadd.s32 $0x16900, s24;
	[sflag:s19] =	ssyncadd.s32 $0xFFFFF800  }
0x3c: {  	[spmem:s2] =	stream.indirect.scatter.add.f32 [tilespmem:s17], [sflag:$0x3], $0x10, s24, s15, $0xb8;
	[tilespmem:$0x1A080] =	vst v63  }
0x3d: {  	_ =	swait.ge [sflag:s12], $0x800  }
0x3e: {  	s25 =	smov.u32 s29;
	s24 =	sshra.s32 s28, $0x2;
	[sflag:s12] =	ssyncset.done $0x0  }
0x3f: {  	s25 =	sadd.s32 $0x14100, s24;
	[sflag:s12] =	ssyncadd.s32 $0xFFFFF800  }
0x40: {  	[tilespmem:s17], [sflag:$0x2] =	stream.indirect.gather [hbm4b:s4+s15], $0x10, s25, s15, $0xb8;
	[tilespmem:$0x1A080] =	vst v63  }
0x41: {  	_ =	swait.ge [sflag:s18], $0x800  }
0x42: {  	[sflag:s18] =	ssyncset.done $0x0  }
0x43: {  	s29 =	sadd.s32 $0x16880, s24;
	[sflag:s18] =	ssyncadd.s32 $0xFFFFF800  }
0x44: {  	[spmem:s2] =	stream.indirect.scatter.add.f32 [tilespmem:s16], [sflag:$0x3], $0x10, s29, s15, $0xb8;
	[tilespmem:$0x1A080] =	vst v63  }
0x45: {  	_ =	swait.ge [sflag:s12], $0x800  }
0x46: {  	[sflag:s12] =	ssyncset.done $0x0  }
0x47: {  	s30 =	sadd.s32 $0x14180, s24;
	[sflag:s12] =	ssyncadd.s32 $0xFFFFF800  }
0x48: {  	[tilespmem:s16], [sflag:$0x1] =	stream.indirect.gather [hbm4b:s4+s15], $0x10, s30, s15, $0xb8;
	[tilespmem:$0x1A080] =	vst v63  }
0x49: {  	_ =	swait.ge [sflag:s19], $0x800  }
0x4a: {  	[sflag:s19] =	ssyncset.done $0x0  }
0x4b: {  	s31 =	sadd.s32 $0x16900, s24;
	[sflag:s19] =	ssyncadd.s32 $0xFFFFF800  }
0x4c: {  	[spmem:s2] =	stream.indirect.scatter.add.f32 [tilespmem:s17], [sflag:$0x3], $0x10, s31, s15, $0xb8;
	[tilespmem:$0x1A080] =	vst v63  }
0x4d: {  	_ =	swait.ge [sflag:s12], $0x800  }
0x4e: {  	[sflag:s12] =	ssyncset.done $0x0  }
0x4f: {  	[sflag:s12] =	ssyncadd.s32 $0xFFFFF800  }
0x50: {  	[tilespmem:s17], [sflag:$0x2] =	stream.indirect.gather [hbm4b:s4+s15], $0x10, s20, s15, $0xb8;
	[tilespmem:$0x1A080] =	vst v63  }
0x51: {  	_ =	swait.ge [sflag:s18], $0x800  }
0x52: {  	[sflag:s18] =	ssyncset.done $0x0  }
0x53: {  	[sflag:s18] =	ssyncadd.s32 $0xFFFFF800  }
0x54: {  	[spmem:s2] =	stream.indirect.scatter.add.f32 [tilespmem:s16], [sflag:$0x3], $0x10, s21, s15, $0xb8;
	[tilespmem:$0x1A080] =	vst v63  }
0x55: {  	_ =	swait.ge [sflag:s12], $0x800  }
0x56: {  	[sflag:s12] =	ssyncset.done $0x0  }
0x57: {  	[sflag:s12] =	ssyncadd.s32 $0xFFFFF800  }
0x58: {  	_ =	swait.ge [sflag:s19], $0x800  }
0x59: {  	[sflag:s19] =	ssyncset.done $0x0  }
0x5a: {  	[sflag:s19] =	ssyncadd.s32 $0xFFFFF800  }
0x5b: {  	[spmem:s2] =	stream.indirect.scatter.add.f32 [tilespmem:s17], [sflag:$0x3], $0x10, s22, s15, $0xb8;
	[tilespmem:$0x1A080] =	vst v63  }
0x5c: {  	_ =	swait.ge [sflag:s12], $0x800  }
0x5d: {  	s23 =	sadd.s32 $0x1, s23;
	[sflag:s12] =	ssyncset.done $0x0  }
0x5e: {  	p0 =	sne.s32 s23, s10;
	[sflag:s12] =	ssyncadd.s32 $0xFFFFF800  }
.Ltmp1:
0x5f: {  	[bflag:$0x0] =	sbarrier.arrive $0xFFFF;
	(pc) =	sbr.rel @p0 .LBB2_1-.Ltmp1, $4  }
0x60: {  	[hbm:s9], [sflag:s6] =	dma.local [spmem:s11], $0x2810  }
0x61: {  	_ =	swait.ge [sflag:s12], $0x2810  }
0x62: {  	[sflag:s12] =	ssyncset.done $0x0  }
0x63: {  	[sflag:s12] =	ssyncadd.s32 $0xFFFFD7F0  }
0x64: {  	_ =	sfence.sel $0x180000  }
0x65: {  	[bflag:$0x0] =	sbarrier.arrive $0xFFFF  }
0x66: {  	p0 =	sne.s32 s0, $0x0;
	_ =	strace $0x9000004A  }
0x67: {  	s0 =	sadd.s32 @!p0 $0x100000, s1;
	[bflag:$0x2] =	sbarrier.arrive $0xFFFF  }
0x68: {  	[sflag:s0] =	ssyncadd.tile.s32 @!p0 $0x1;
	_ =	shalt  }
.Lfunc_end2:
_tile_overlayer_lowered:
.L_overlay_start_2:
0x69: {  	(tag) =	ssettag $0x2  }
0x6a: {  	s0 =	rddreg [dreg:$0x0];
	s2 =	stileid.u32  }
0x6b: {  	s1 =	rddreg [dreg:$0x1];
	p0 =	sne.s32 s2, $0x0  }
0x6c: {  	s3 =	rddreg [dreg:$0x2];
	[bflag:$0x3] =	sbarrier.arrive $0xFFFF;
	s2 =	simm.s32 @!p0 $0x1C03  }
0x6d: {  	[timem:s3], [sflag:s2] =	dma.local @!p0 [hbm:s0], s1  }
0x6e: {  	s0 =	simm.s32 @!p0 $0x3  }
0x6f: {  	_ =	swait.ge @!p0 [sflag:s0], s1  }
0x70: {  	s1 =	ssub.s32 @!p0 $0x0, s1;
	[sflag:s0] =	ssyncset.done @!p0 $0x0  }
0x71: {  	[sflag:s0] =	ssyncadd.s32 @!p0 s1  }
0x72: {  	[bflag:$0x3] =	sbarrier.arrive $0xFFFF  }
0x73: {  	_ =	shalt  }

// kernel: kernel.8.cloned.1.call-start
scs
__scs_entry_jumppad:
0x0: {  	(pc) =	sbr.rel $0x88, $3  }
0x1: {  	(tag) =	ssettag $0x0;
	lr =	simm.s32 $0x1  }
0x2: {  	[smem:$0x3F96] =	sst lr;
	_ =	strace $0xD0000000  }
0x3: {  	_ = 	snop  }
0x4: {  	_ = 	snop  }
0x5: {  	_ = 	snop  }
0x6: {  	_ = 	snop  }
0x7: {  	_ = 	snop  }
__scs_overlays_trampoline_lowered:
0x8: {  	[smem:$0x3FA5] =	sst s0  }
0x9: {  	[smem:$0x3FA6] =	sst s1  }
0xa: {  	[smem:$0x3FA7] =	sst s2  }
0xb: {  	[smem:$0x3FA8] =	sst s3  }
0xc: {  	[smem:$0x3FA9] =	sst s4  }
0xd: {  	[smem:$0x3FAA] =	sst s5  }
0xe: {  	[smem:$0x3FAB] =	sst s6  }
0xf: {  	[smem:$0x3FAC] =	sst s7  }
0x10: {  	[smem:$0x3FAD] =	sst s8  }
0x11: {  	[smem:$0x3FAE] =	sst s9;
	s0 =	simm.s32 @!p0 $0x0  }
0x12: {  	s1 =	sld [smem:$0x3F94];
	s0 =	simm.s32 @p0 $0x1  }
0x13: {  	[smem:$0x3FAF] =	sst s0;
	s0 =	simm.s32 @!p1 $0x0  }
0x14: {  	s2 =	sld [smem:$0x3F93];
	s0 =	simm.s32 @p1 $0x1  }
0x15: {  	[smem:$0x3FB0] =	sst s0;
	s0 =	simm.s32 @!p2 $0x0  }
0x16: {  	s3 =	sld [smem:$0x3FDB];
	s0 =	simm.s32 @p2 $0x1  }
0x17: {  	s4 =	simm.s32 $0x1BF5;
	[smem:$0x3FB2] =	sst s0  }
0x18: {  	s0 =	sld [smem:$0x3F95];
	_ =	swait.ge [sflag:s4], $0x0  }
0x19: {  	s7 =	sld [smem:$0x3F96]  }
0x1a: {  	s8 =	sadd.s32 $0xFFFFE003, lr  }
0x1b: {  	s9 =	sadd.s32 $0xFFFFFEF7, lr;
	s5 =	simm.s32 $0xFFFFFFFF;
	p2 =	slt.u32 s8, $0xFFFFF086  }
0x1c: {  	p1 =	slt.u32 s9, $0xF7A;
	s5 =	simm.s32 @!p2 $0x0  }
0x1d: {  	s5 =	simm.s32 @p1 $0x1;
	p0 =	seq.s32 s7, s2  }
0x1e: {  	s7 =	smul.u32 @!p0 $0xF7A, s2;
	p2 =	seq.s32 @!p0 s5, $0x0  }
0x1f: {  	s9 =	smul.u32 $0xF7A, s1;
	s8 =	simm.s32 @!p0 $0x1BF5;
	p2 =	por !p2, p0  }
0x20: {  	[sflag:s8] =	ssyncset.s32 @!p0 $0xFFFFF086;
	s6 =	sadd.s32 @!p0 s3, s7;
	s7 =	simm.s32 @!p0 $0x108  }
0x21: {  	s3 =	sadd.s32 s3, s9;
	s6 =	sadd.s32 @!p0 $0x88, s6;
	s7 =	simm.s32 @p2 $0x1082  }
0x22: {  	[simem:s7], [sflag:s8] =	dma.local @!p0 [hbm:s6], $0xF7A  }
0x23: {  	s9 =	sor.u32 $0xD0000000, s2;
	s6 =	simm.s32 $0x108;
	_ =	swait.ge @!p0 [sflag:s8], $0x0  }
0x24: {  	s3 =	sadd.s32 $0x88, s3;
	s6 =	simm.s32 @!p1 $0x1082;
	[sflag:s4] =	ssyncset.s32 $0xFFFFF086  }
0x25: {  	[simem:s6], [sflag:s4] =	dma.local [hbm:s3], $0xF7A  }
0x26: {  	[smem:$0x3F96] =	sst s1;
	(tag) =	ssettag s2;
	_ =	strace s9  }
0x27: {  	s1 =	sld [smem:$0x3FA6]  }
0x28: {  	s2 =	sld [smem:$0x3FA7]  }
0x29: {  	s4 =	sld [smem:$0x3FA9]  }
0x2a: {  	p0 =	seq.s32 s5, $0x0;
	s5 =	sld [smem:$0x3FAA]  }
0x2b: {  	s6 =	sld [smem:$0x3FAB]  }
0x2c: {  	s7 =	sld [smem:$0x3FAC]  }
0x2d: {  	s3 =	simm.s32 $0x108;
	s8 =	sld [smem:$0x3FAD]  }
0x2e: {  	s3 =	simm.s32 @!p0 $0x1082;
	s9 =	sld [smem:$0x3FAE]  }
0x2f: {  	lr =	sadd.s32 s0, s3;
	s0 =	sld [smem:$0x3FA5]  }
0x30: {  	s3 =	sld [smem:$0x3FA8]  }
0x31: {  	[smem:$0x3FB1] =	sst s10  }
0x32: {  	s10 =	sld [smem:$0x3FAF];
	_ =	sdelay $0x3  }
0x33: {  	p0 =	seq.s32 s10, $0x1;
	s10 =	sld [smem:$0x3FB1];
	_ =	sdelay $0x3  }
0x34: {  	[smem:$0x3FB1] =	sst s10  }
0x35: {  	s10 =	sld [smem:$0x3FB0];
	_ =	sdelay $0x3  }
0x36: {  	p1 =	seq.s32 s10, $0x1;
	s10 =	sld [smem:$0x3FB1];
	_ =	sdelay $0x3  }
0x37: {  	[smem:$0x3FB1] =	sst s10  }
0x38: {  	s10 =	sld [smem:$0x3FB2]  }
0x39: {  	_ = 	snop;
	(pc) =	sbr.ind lr, $3  }
0x3a: {  	_ = 	snop  }
0x3b: {  	_ = 	snop  }
0x3c: {  	p2 =	seq.s32 s10, $0x1;
	s10 =	sld [smem:$0x3FB1]  }
0x3d: {  	_ =	shalt  }
0x3e: {  	_ =	shalt  }
0x3f: {  	_ =	shalt  }
0x40: {  	_ =	shalt  }
0x41: {  	_ =	shalt  }
0x42: {  	_ =	shalt  }
0x43: {  	_ =	shalt  }
0x44: {  	_ =	shalt  }
0x45: {  	_ =	shalt  }
0x46: {  	_ =	shalt  }
0x47: {  	_ =	shalt  }
0x48: {  	_ =	shalt  }
0x49: {  	_ =	shalt  }
0x4a: {  	_ =	shalt  }
0x4b: {  	_ =	shalt  }
0x4c: {  	_ =	shalt  }
0x4d: {  	_ =	shalt  }
0x4e: {  	_ =	shalt  }
0x4f: {  	_ =	shalt  }
0x50: {  	_ =	shalt  }
0x51: {  	_ =	shalt  }
0x52: {  	_ =	shalt  }
0x53: {  	_ =	shalt  }
0x54: {  	_ =	shalt  }
0x55: {  	_ =	shalt  }
0x56: {  	_ =	shalt  }
0x57: {  	_ =	shalt  }
0x58: {  	_ =	shalt  }
0x59: {  	_ =	shalt  }
0x5a: {  	_ =	shalt  }
0x5b: {  	_ =	shalt  }
0x5c: {  	_ =	shalt  }
0x5d: {  	_ =	shalt  }
0x5e: {  	_ =	shalt  }
0x5f: {  	_ =	shalt  }
0x60: {  	_ =	shalt  }
0x61: {  	_ =	shalt  }
0x62: {  	_ =	shalt  }
0x63: {  	_ =	shalt  }
0x64: {  	_ =	shalt  }
0x65: {  	_ =	shalt  }
0x66: {  	_ =	shalt  }
0x67: {  	_ =	shalt  }
0x68: {  	_ =	shalt  }
0x69: {  	_ =	shalt  }
0x6a: {  	_ =	shalt  }
0x6b: {  	_ =	shalt  }
0x6c: {  	_ =	shalt  }
0x6d: {  	_ =	shalt  }
0x6e: {  	_ =	shalt  }
0x6f: {  	_ =	shalt  }
0x70: {  	_ =	shalt  }
0x71: {  	_ =	shalt  }
0x72: {  	_ =	shalt  }
0x73: {  	_ =	shalt  }
0x74: {  	_ =	shalt  }
0x75: {  	_ =	shalt  }
0x76: {  	_ =	shalt  }
0x77: {  	_ =	shalt  }
0x78: {  	_ =	shalt  }
0x79: {  	_ =	shalt  }
0x7a: {  	_ =	shalt  }
0x7b: {  	_ =	shalt  }
0x7c: {  	_ =	shalt  }
0x7d: {  	_ =	shalt  }
0x7e: {  	_ =	shalt  }
0x7f: {  	_ =	shalt  }
0x80: {  	_ =	shalt  }
0x81: {  	_ =	shalt  }
0x82: {  	_ =	shalt  }
0x83: {  	_ =	shalt  }
0x84: {  	_ =	shalt  }
0x85: {  	_ =	shalt  }
0x86: {  	_ =	shalt  }
0x87: {  	_ =	shalt  }
.Lfunc_end0:
.L_simem_size_0:
called_computation_lowered:
.L_overlay_start_0:
0x88: {  	s2 =	sld [smem:$0x3FD9]  }
0x89: {  	s3 =	sld [smem:$0x3FFE];
	_ =	sdelay $0x1  }
0x8a: {  	s1 =	srdreg.scid  }
0x8b: {  	s0 =	sand.u32 $0x1, s1  }
0x8c: {  	s17 =	sshll.u32 s0, $0xA;
	s2 =	sadd.s32 s3, s2  }
0x8d: {  	s2 =	sadd.s32 s2, s17  }
0x8e: {  	[smem:$0x3FBD] =	sst s2  }
0x8f: {  	_ = 	snop  }
0x90: {  	s2 =	sld [smem:$0x3FD0];
	(tm) =	ssettm $0x1  }
0x91: {  	s18 =	sld [smem:$0x3FFB];
	_ =	sdelay $0x3  }
0x92: {  	_ =	strace s18  }
0x93: {  	s3 =	sld [smem:$0x3FFC];
	_ =	sdelay $0x3  }
0x94: {  	_ =	strace s3  }
0x95: {  	s3 =	sld [smem:$0x3FFD];
	_ =	sdelay $0x3  }
0x96: {  	_ =	strace s3  }
0x97: {  	_ =	strace $0x8FFFFFFF  }
0x98: {  	s19 =	sld [smem:$0x3FDB];
	_ =	sdelay $0x1  }
0x99: {  	s4 =	simm.s32 $_scs_section_size  }
0x9a: {  	s5 =	simm.s32 $_size__tile_overlayer_lowered;
	s6 =	simm.s32 $_tile_overlayer_lowered  }
0x9b: {  	s22 =	simm.s32 $0x1BFF;
	s21 =	sshll.u32 s6, $0x1;
	s3 =	sadd.s32 s4, s19  }
0x9c: {  	s7 =	simm.s32 $0x0;
	s20 =	sshll.u32 s5, $0x1;
	s5 =	sadd.s32 s21, s3  }
0x9d: {  	[timem:s7], [sflag:s22] =	dma.local [hbm:s5], s20  }
0x9e: {  	_ =	swait.ge [sflag:s22], s20  }
0x9f: {  	s4 =	ssub.s32 $0x0, s20;
	[sflag:s22] =	ssyncset.done $0x0  }
0xa0: {  	[sflag:s22] =	ssyncadd.s32 s4;
	_ =	sdelay $0x1  }
0xa1: {  	s23 =	simm.s32 $0x1B8B  }
0xa2: {  	_ =	swait.ge [sflag:s23], $0x1  }
0xa3: {  	[sflag:s23] =	ssyncset.done $0x0  }
0xa4: {  	s25 =	simm.s32 $0x1B8E;
	s24 =	sld [smem:$0x3FFE];
	[sflag:s23] =	ssyncadd.s32 $0xFFFFFFFF  }
0xa5: {  	s26 =	simm.s32 $execute0_lowered;
	[smem:$0x3FD2] =	sst s25  }
0xa6: {  	s5 =	sshll.u32 s26, $0x1;
	_ =	strace $0x80000046;
	[dreg:$0x1] =	wrdreg $0xFFFFFFFF  }
0xa7: {  	s28 =	simm.s32 $_size_execute0_lowered;
	s3 =	sadd.s32 s3, s5;
	[dreg:$0x0] =	wrdreg $0x0  }
0xa8: {  	s5 =	sshll.u32 s28, $0x1;
	[dreg:$0x2] =	wrdreg s3  }
0xa9: {  	[dreg:$0x3] =	wrdreg s5  }
0xaa: {  	[dreg:$0x4] =	wrdreg $0xC0  }
0xab: {  	_ =	task [dreg:s7], $0x5FFFF  }
0xac: {  	[dreg:$0x1] =	wrdreg $0xFFFFFFFF  }
0xad: {  	[dreg:$0x0] =	wrdreg $0x60  }
0xae: {  	[dreg:$0x2] =	wrdreg s24  }
0xaf: {  	[dreg:$0x3] =	wrdreg s2  }
0xb0: {  	[dreg:$0x4] =	wrdreg $0x0  }
0xb1: {  	[dreg:$0x5] =	wrdreg $0x9  }
0xb2: {  	_ =	task.clear_ibuf [dreg:s7], $0x6FFFF;
	_ =	strace $0x90000046  }
0xb3: {  	s29 =	simm.s32 $0x9;
	_ =	strace $0x80000048  }
0xb4: {  	_ =	swait.ge [sflag:s29], $0x1  }
0xb5: {  	[sflag:s29] =	ssyncadd.s32 $0xFFFFFFFF  }
0xb6: {  	_ =	strace $0x90000048  }
0xb7: {  	_ =	sfence  }
0xb8: {  	s30 =	sld [smem:$0x0];
	_ =	sdelay $0x2  }
0xb9: {  	s31 =	sshll.u32 s1, $0xD;
	s1 =	sshrl.u32 s1, $0x2  }
0xba: {  	s3 =	sand.u32 $0x4000, s31;
	s1 =	sadd.s32 s1, s30  }
0xbb: {  	s0 =	sor.u32 s3, s0;
	s1 =	sshll.u32 s1, $0x11  }
0xbc: {  	s0 =	sor.u32 s1, s0  }
0xbd: {  	s0 =	sadd.s32 $0x8F2B, s0  }
0xbe: {  	[sflag:s0] =	ssyncadd.remote.s32 $0x1  }
0xbf: {  	_ =	sfence.sel $0xFFFF  }
0xc0: {  	[dreg:$0x0] =	wrdreg $0xFFFFFFFF;
	(pc) =	sbr.abs _section_cstart, $3  }
0xc1: {  	[dreg:$0x1] =	wrdreg $0xFFFFFFFF  }
0xc2: {  	_ =	task.clear_ibuf [dreg:s7], $0x2FFFF;
	_ =	strace $0x9FFFFFFF  }
0xc3: {  	(tm) =	ssettm $0x7FFFFFFF  }
tec
execute0_lowered:
.L_overlay_start_1:
0x0: {  	(tag) =	ssettag $0x1  }
0x1: {  	s0 =	srdreg.scid  }
0x2: {  	s2 =	rddreg [dreg:$0x0];
	s1 =	simm.s32 $0x0;
	s14 =	stileid.u32  }
0x3: {  	s30 =	simm.s32 $0x3;
	s31 =	simm.s32 $0x0;
	s0 =	sand.u32 $0x1, s0  }
0x4: {  	[smem:$0x7FF] =	sst s1;
	s4 =	sadd.s32 $0x4600, s2;
	s5 =	smul.u32 $0x5000, s14  }
0x5: {  	s6 =	sadd.s32 $0x2C600, s2;
	s7 =	sadd.s32 $0x36600, s2;
	s9 =	sadd.s32 $0x40600, s2  }
0x6: {  	s12 =	sadd.s32 $0x4A600, s2;
	s3 =	smul.u32 $0x50000, s0;
	s8 =	ssub.s32 $0x2, s0  }
0x7: {  	p0 =	sne.s32 s0, $0x0;
	p1 =	seq.s32 s0, $0x0;
	s10 =	sshrl.u32 s8, $0x1  }
0x8: {  	s17 =	sshrl.u32 s5, $0x3;
	s18 =	sadd.s32 $0x1400, s5;
	s25 =	sadd.s32 $0x2800, s5  }
0x9: {  	s11 =	sadd.s32 s5, s3;
	s8 =	ssub.s32 s8, s10;
	s13 =	sadd.s32 s6, s17  }
0xa: {  	s19 =	sadd.s32 s7, s17;
	s20 =	sadd.s32 s3, s18;
	[dreg:$0x5] =	wrdreg s13  }
0xb: {  	s15 =	sadd.s32 s9, s17;
	s26 =	sadd.s32 s3, s25;
	[dreg:$0x6] =	wrdreg s19  }
0xc: {  	s5 =	sadd.s32 $0x3C00, s5;
	s16 =	sshrl.u32 s11, $0x3;
	[dreg:$0x7] =	wrdreg s15  }
0xd: {  	s13 =	sshrl.u32 s20, $0x3;
	s19 =	rddreg [dreg:$0x1];
	s10 =	sadd.s32 s4, s16  }
0xe: {  	s11 =	sshrl.u32 s18, $0x3;
	s21 =	sadd.s32 s4, s13;
	[dreg:$0x4] =	wrdreg s10  }
0xf: {  	s3 =	sadd.s32 s3, s5;
	s22 =	sadd.s32 s6, s11;
	[dreg:$0x9] =	wrdreg s21  }
0x10: {  	s15 =	smul.u32 $0x14100, s14;
	s23 =	sadd.s32 s7, s11;
	[dreg:$0xa] =	wrdreg s22  }
0x11: {  	s24 =	sadd.s32 s9, s11;
	s11 =	sadd.s32 s12, s11;
	[dreg:$0xb] =	wrdreg s23  }
0x12: {  	s3 =	sshrl.u32 s3, $0x3;
	s13 =	sshrl.u32 s5, $0x3;
	[dreg:$0xc] =	wrdreg s24  }
0x13: {  	s10 =	sadd.s32 s12, s17;
	[dreg:$0xd] =	wrdreg s11;
	s11 =	sshrl.u32 s26, $0x3  }
0x14: {  	s3 =	sadd.s32 s4, s3;
	s5 =	sadd.s32 s6, s13;
	s24 =	rddreg [dreg:$0x2]  }
0x15: {  	s16 =	sadd.s32 s7, s13;
	s17 =	smul.u32 $0x141000, s0;
	[dreg:$0x8] =	wrdreg s10  }
0x16: {  	s18 =	sadd.s32 s9, s13;
	s23 =	sshll.u32 s14, $0x6;
	[dreg:$0x11] =	wrdreg s3  }
0x17: {  	s26 =	smax.u32 s8, $0x1;
	s14 =	simm.s32 $0x2;
	[dreg:$0x14] =	wrdreg s5  }
0x18: {  	s10 =	sshrl.u32 s25, $0x3;
	s11 =	sadd.s32 s4, s11;
	[dreg:$0x15] =	wrdreg s16  }
0x19: {  	[dreg:$0x16] =	wrdreg s18;
	s3 =	sadd.s32 s12, s13;
	s25 =	sadd.s32 $0x54600, s2  }
0x1a: {  	s22 =	sadd.s32 s15, s24;
	s5 =	simm.s32 $0x14100;
	s13 =	simm.s32 $0x1  }
0x1b: {  	s16 =	simm.s32 $0x16800;
	[dreg:$0xe] =	wrdreg s11;
	s28 =	sadd.s32 s6, s10  }
0x1c: {  	s29 =	sadd.s32 s7, s10;
	s4 =	sadd.s32 s9, s10;
	[dreg:$0x17] =	wrdreg s3  }
0x1d: {  	s11 =	sadd.s32 s12, s10;
	s20 =	sadd.s32 s15, s17;
	[dreg:$0xf] =	wrdreg s28  }
0x1e: {  	s7 =	sor.u32 $0x1C04, s23;
	s23 =	simm.s32 $0x4;
	[dreg:$0x10] =	wrdreg s29  }
0x1f: {  	s3 =	simm.s32 $0x1D500;
	s10 =	simm.s32 $0x80;
	[dreg:$0x12] =	wrdreg s4  }
0x20: {  	s12 =	simm.s32 $0x1B500;
	s15 =	simm.s32 $0x15480;
	[dreg:$0x13] =	wrdreg s11  }
0x21: {  	s21 =	sshrl.u32 s20, $0x3;
	_ =	strace $0x80000047;
	[dreg:$0x19] =	wrdreg s22  }
.Ltmp0:
0x22: {  	s28 =	sadd.s32 $0x200, s19;
	[dreg:$0x1b] =	wrdreg s26;
	(pc) =	sbr.rel .LBB2_1-.Ltmp0, $4  }
0x23: {  	s29 =	sadd.s32 $0x400, s19;
	s4 =	simm.s32 $0x1E500;
	[dreg:$0x1c] =	wrdreg s28  }
0x24: {  	s0 =	sadd.s32 s21, s2;
	s2 =	sadd.s32 $0x7B800, s2;
	[dreg:$0x1d] =	wrdreg s29  }
0x25: {  	s11 =	simm.s32 $0x1A500;
	[dreg:$0x18] =	wrdreg s2;
	s0 =	sadd.s32 $0x7E200, s0  }
0x26: {  	s20 =	simm.s32 $0x16880;
	s2 =	simm.s32 $0x1C500;
	[dreg:$0x1a] =	wrdreg s0  }
.LBB2_28:
0x27: {  	_ =	swait.ge [sflag:s14], $0x1000  }
0x28: {  	[sflag:s14] =	ssyncset.done $0x0  }
0x29: {  	[sflag:s14] =	ssyncadd.s32 $0xFFFFF000  }
0x2a: {  	[spmem:s24] =	stream.indirect.scatter.add.f32 [tilespmem:s12], [sflag:$0x4], $0x20, s20, s10, $0xb8;
	[tilespmem:$0x1F500] =	vst v63  }
0x2b: {  	_ =	swait.ge [sflag:s23], $0x1000  }
0x2c: {  	[sflag:s23] =	ssyncset.done $0x0  }
0x2d: {  	s7 =	smov.u32 s9;
	[sflag:s23] =	ssyncadd.s32 $0xFFFFF000  }
.LBB2_29:
0x2e: {  	[bflag:$0x0] =	sbarrier.arrive $0xFFFF  }
0x2f: {  	s0 =	rddreg [dreg:$0x1a]  }
0x30: {  	[hbm:s0], [sflag:s7] =	dma.local [spmem:s22], $0x2820  }
0x31: {  	_ =	swait.ge [sflag:s23], $0x2820  }
0x32: {  	s31 =	sadd.s32 $0x1, s31;
	s29 =	rddreg [dreg:$0x1b]  }
0x33: {  	p2 =	sne.s32 s31, s29  }
.Ltmp1:
0x34: {  	_ = 	snop;
	(pc) =	sbr.rel @!p2 .LBB2_30-.Ltmp1, $3  }
0x35: {  	_ =	sdelay $0x1  }
0x36: {  	[sflag:s23] =	ssyncset.done $0x0  }
0x37: {  	[sflag:s23] =	ssyncadd.s32 $0xFFFFD7E0  }
.LBB2_1:
0x38: {  	s0 =	rddreg [dreg:$0x19]  }
0x39: {  	s18 =	rddreg [dreg:$0x18];
	s22 =	sshrl.u32 s0, $0x3  }
0x3a: {  	[spmem:s22], [sflag:s7] =	dma.local [hbm:s18], $0x2820  }
0x3b: {  	_ =	swait.ge [sflag:s23], $0x2820  }
0x3c: {  	[sflag:s23] =	ssyncset.done $0x0  }
0x3d: {  	[sflag:s23] =	ssyncadd.s32 $0xFFFFD7E0  }
0x3e: {  	s19 =	rddreg [dreg:$0x1]  }
0x3f: {  	[tilespmem:s2], [sflag:$0x4] =	stream.linear.gather [hbm4b:s19+s1], $0x1000, $0x38;
	[tilespmem:$0x1F500] =	vst v63  }
0x40: {  	_ =	swait.ge [sflag:s23], $0x1000  }
0x41: {  	[sflag:s23] =	ssyncset.done $0x0  }
0x42: {  	s21 =	rddreg [dreg:$0x1c];
	[sflag:s23] =	ssyncadd.s32 $0xFFFFF000  }
0x43: {  	[tilespmem:s3], [sflag:$0x4] =	stream.linear.gather [hbm4b:s21+s1], $0x1000, $0x38;
	[tilespmem:$0x1F500] =	vst v63  }
0x44: {  	_ =	swait.ge [sflag:s23], $0x1000  }
0x45: {  	[sflag:s23] =	ssyncset.done $0x0  }
0x46: {  	s26 =	rddreg [dreg:$0x1d];
	[sflag:s23] =	ssyncadd.s32 $0xFFFFF000  }
0x47: {  	[tilespmem:s4], [sflag:$0x4] =	stream.linear.gather [hbm4b:s26+s1], $0x1000, $0x38;
	[tilespmem:$0x1F500] =	vst v63  }
0x48: {  	_ =	swait.ge [sflag:s23], $0x1000  }
0x49: {  	[sflag:s23] =	ssyncset.done $0x0  }
0x4a: {  	s6 =	rddreg [dreg:$0x4];
	[sflag:s23] =	ssyncadd.s32 $0xFFFFF000  }
0x4b: {  	[tilespmem:s5], [sflag:$0x4] =	stream.linear.gather [hbm4b:s6+s1], $0x1400, $0x38;
	[tilespmem:$0x1F500] =	vst v63  }
0x4c: {  	_ =	swait.ge [sflag:s23], $0x1400  }
0x4d: {  	s9 =	smov.u32 s7;
	[sflag:s23] =	ssyncset.done $0x0  }
0x4e: {  	s6 =	simm.s32 $0x15500;
	s7 =	rddreg [dreg:$0x5];
	[sflag:s23] =	ssyncadd.s32 $0xFFFFEC00  }
0x4f: {  	[tilespmem:s6], [sflag:$0x4] =	stream.linear.gather [hbm4b:s7+s1], $0x1400, $0x38;
	[tilespmem:$0x1F500] =	vst v63  }
0x50: {  	_ =	swait.ge [sflag:s23], $0x1400  }
0x51: {  	[sflag:s23] =	ssyncset.done $0x0  }
0x52: {  	s17 =	simm.s32 $0x16900;
	s8 =	rddreg [dreg:$0x6];
	[sflag:s23] =	ssyncadd.s32 $0xFFFFEC00  }
0x53: {  	[tilespmem:s17], [sflag:$0x4] =	stream.linear.gather [hbm4b:s8+s1], $0x1400, $0x38;
	[tilespmem:$0x1F500] =	vst v63  }
0x54: {  	_ =	swait.ge [sflag:s23], $0x1400  }
0x55: {  	[sflag:s23] =	ssyncset.done $0x0  }
0x56: {  	s19 =	simm.s32 $0x17D00;
	s18 =	rddreg [dreg:$0x7];
	[sflag:s23] =	ssyncadd.s32 $0xFFFFEC00  }
0x57: {  	[tilespmem:s19], [sflag:$0x4] =	stream.linear.gather [hbm4b:s18+s1], $0x1400, $0x38;
	[tilespmem:$0x1F500] =	vst v63  }
0x58: {  	_ =	swait.ge [sflag:s23], $0x1400  }
0x59: {  	[sflag:s23] =	ssyncset.done $0x0  }
0x5a: {  	s26 =	simm.s32 $0x19100;
	s21 =	rddreg [dreg:$0x8];
	[sflag:s23] =	ssyncadd.s32 $0xFFFFEC00  }
0x5b: {  	[tilespmem:s26], [sflag:$0x4] =	stream.linear.gather [hbm4b:s21+s1], $0x1400, $0x38;
	[tilespmem:$0x1F500] =	vst v63  }
0x5c: {  	_ =	swait.ge [sflag:s23], $0x1400  }
0x5d: {  	[sflag:s23] =	ssyncset.done $0x0  }
0x5e: {  	[sflag:s23] =	ssyncadd.s32 $0xFFFFEC00  }
0x5f: {  	[bflag:$0x0] =	sbarrier.arrive $0xFFFF  }
0x60: {  	[tilespmem:s11], [sflag:$0x1] =	stream.indirect.gather [hbm4b:s25+s10], $0x20, s5, s10, $0xb8;
	[tilespmem:$0x1F500] =	vst v63  }
0x61: {  	s6 =	simm.s32 $0x14180  }
0x62: {  	[tilespmem:s12], [sflag:$0x2] =	stream.indirect.gather [hbm4b:s25+s10], $0x20, s6, s10, $0xb8;
	[tilespmem:$0x1F500] =	vst v63  }
0x63: {  	_ =	swait.ge [sflag:s13], $0x1000  }
0x64: {  	[sflag:s13] =	ssyncset.done $0x0  }
0x65: {  	s7 =	simm.s32 $0x15500;
	[sflag:s13] =	ssyncadd.s32 $0xFFFFF000  }
0x66: {  	[spmem:s24] =	stream.indirect.scatter.add.f32 [tilespmem:s11], [sflag:$0x4], $0x20, s7, s10, $0xb8;
	[tilespmem:$0x1F500] =	vst v63  }
0x67: {  	_ =	swait.ge [sflag:s23], $0x1000  }
0x68: {  	s0 =	simm.s32 @!p0 $0x16900;
	[sflag:s23] =	ssyncset.done $0x0  }
0x69: {  	s17 =	simm.s32 @!p0 $0x1C500;
	s18 =	simm.s32 @!p0 $0x80;
	[sflag:s23] =	ssyncadd.s32 $0xFFFFF000  }
0x6a: {  	[spmem:s24] =	stream.indirect.scatter.add.f32 @!p0 [tilespmem:s17], [sflag:$0x3], $0x20, s0, s18, $0xb8;
	[tilespmem:$0x1F500] =	vst v63  }
0x6b: {  	s19 =	simm.s32 @!p0 $0x1D500;
	s0 =	simm.s32 @!p0 $0x17D00  }
0x6c: {  	[spmem:s24] =	stream.indirect.scatter.add.f32 @!p0 [tilespmem:s19], [sflag:$0x3], $0x20, s0, s18, $0xb8;
	[tilespmem:$0x1F500] =	vst v63  }
0x6d: {  	s21 =	simm.s32 @!p0 $0x1E500;
	s0 =	simm.s32 @!p0 $0x19100  }
0x6e: {  	[spmem:s24] =	stream.indirect.scatter.add.f32 @!p0 [tilespmem:s21], [sflag:$0x3], $0x20, s0, s18, $0xb8;
	[tilespmem:$0x1F500] =	vst v63  }
0x6f: {  	s8 =	simm.s32 $0x14200  }
0x70: {  	[tilespmem:s11], [sflag:$0x1] =	stream.indirect.gather [hbm4b:s25+s10], $0x20, s8, s10, $0xb8;
	[tilespmem:$0x1F500] =	vst v63  }
0x71: {  	_ =	swait.ge [sflag:s14], $0x1000  }
0x72: {  	[sflag:s14] =	ssyncset.done $0x0  }
0x73: {  	s26 =	simm.s32 $0x15580;
	[sflag:s14] =	ssyncadd.s32 $0xFFFFF000  }
0x74: {  	[spmem:s24] =	stream.indirect.scatter.add.f32 [tilespmem:s12], [sflag:$0x4], $0x20, s26, s10, $0xb8;
	[tilespmem:$0x1F500] =	vst v63  }
0x75: {  	_ =	swait.ge [sflag:s23], $0x1000  }
0x76: {  	[sflag:s23] =	ssyncset.done $0x0  }
0x77: {  	s0 =	simm.s32 @!p0 $0x16980;
	[sflag:s23] =	ssyncadd.s32 $0xFFFFF000  }
0x78: {  	[spmem:s24] =	stream.indirect.scatter.add.f32 @!p0 [tilespmem:s17], [sflag:$0x3], $0x20, s0, s18, $0xb8;
	[tilespmem:$0x1F500] =	vst v63  }
0x79: {  	s28 =	simm.s32 $0x800;
	s0 =	simm.s32 @!p0 $0x17D80  }
0x7a: {  	[spmem:s24] =	stream.indirect.scatter.add.f32 @!p0 [tilespmem:s19], [sflag:$0x3], $0x20, s0, s18, $0xb8;
	[tilespmem:$0x1F500] =	vst v63  }
0x7b: {  	s29 =	simm.s32 @!p0 $0x19180;
	s26 =	simm.s32 $0x400;
	s0 =	simm.s32 $0x100  }
.LBB2_2:
0x7c: {  	[spmem:s24] =	stream.indirect.scatter.add.f32 @!p0 [tilespmem:s21], [sflag:$0x3], $0x20, s29, s18, $0xb8;
	[tilespmem:$0x1F500] =	vst v63  }
0x7d: {  	s29 =	smov.u32 s28  }
0x7e: {  	s28 =	sadd.s32 $0x400, s28;
	s7 =	sadd.s32 $0x14180, s0;
	s6 =	sshra.s32 s29, $0x2  }
0x7f: {  	[tilespmem:s12], [sflag:$0x2] =	stream.indirect.gather [hbm4b:s25+s10], $0x20, s7, s10, $0xb8;
	[tilespmem:$0x1F500] =	vst v63  }
0x80: {  	p2 =	sne.s32 s28, $0x4C00;
	_ =	swait.ge [sflag:s13], $0x1000  }
0x81: {  	[sflag:s13] =	ssyncset.done $0x0  }
0x82: {  	s7 =	sadd.s32 $0x15500, s0;
	[sflag:s13] =	ssyncadd.s32 $0xFFFFF000  }
0x83: {  	[spmem:s24] =	stream.indirect.scatter.add.f32 [tilespmem:s11], [sflag:$0x4], $0x20, s7, s10, $0xb8;
	[tilespmem:$0x1F500] =	vst v63  }
0x84: {  	_ =	swait.ge [sflag:s23], $0x1000  }
0x85: {  	s7 =	sshra.s32 @!p0 s26, $0x2;
	[sflag:s23] =	ssyncset.done $0x0  }
0x86: {  	s26 =	sadd.s32 @!p0 $0x16900, s7;
	[sflag:s23] =	ssyncadd.s32 $0xFFFFF000  }
0x87: {  	[spmem:s24] =	stream.indirect.scatter.add.f32 @!p0 [tilespmem:s17], [sflag:$0x3], $0x20, s26, s18, $0xb8;
	[tilespmem:$0x1F500] =	vst v63  }
0x88: {  	s8 =	sadd.s32 @!p0 $0x17D00, s7;
	s26 =	smov.u32 s29  }
0x89: {  	[spmem:s24] =	stream.indirect.scatter.add.f32 @!p0 [tilespmem:s19], [sflag:$0x3], $0x20, s8, s18, $0xb8;
	[tilespmem:$0x1F500] =	vst v63  }
0x8a: {  	s8 =	sadd.s32 @!p0 $0x19100, s7  }
0x8b: {  	[spmem:s24] =	stream.indirect.scatter.add.f32 @!p0 [tilespmem:s21], [sflag:$0x3], $0x20, s8, s18, $0xb8;
	[tilespmem:$0x1F500] =	vst v63  }
0x8c: {  	s8 =	sadd.s32 $0x14200, s0  }
0x8d: {  	[tilespmem:s11], [sflag:$0x1] =	stream.indirect.gather [hbm4b:s25+s10], $0x20, s8, s10, $0xb8;
	[tilespmem:$0x1F500] =	vst v63  }
0x8e: {  	_ =	swait.ge [sflag:s14], $0x1000  }
0x8f: {  	[sflag:s14] =	ssyncset.done $0x0  }
0x90: {  	s8 =	sadd.s32 $0x15580, s0;
	s0 =	smov.u32 s6;
	[sflag:s14] =	ssyncadd.s32 $0xFFFFF000  }
0x91: {  	[spmem:s24] =	stream.indirect.scatter.add.f32 [tilespmem:s12], [sflag:$0x4], $0x20, s8, s10, $0xb8;
	[tilespmem:$0x1F500] =	vst v63  }
0x92: {  	_ =	swait.ge [sflag:s23], $0x1000  }
0x93: {  	[sflag:s23] =	ssyncset.done $0x0  }
.Ltmp2:
0x94: {  	s6 =	sadd.s32 @!p0 $0x16980, s7;
	[sflag:s23] =	ssyncadd.s32 $0xFFFFF000;
	(pc) =	sbr.rel @p2 .LBB2_2-.Ltmp2, $4  }
0x95: {  	[spmem:s24] =	stream.indirect.scatter.add.f32 @!p0 [tilespmem:s17], [sflag:$0x3], $0x20, s6, s18, $0xb8;
	[tilespmem:$0x1F500] =	vst v63  }
0x96: {  	s6 =	sadd.s32 @!p0 $0x17D80, s7  }
0x97: {  	[spmem:s24] =	stream.indirect.scatter.add.f32 @!p0 [tilespmem:s19], [sflag:$0x3], $0x20, s6, s18, $0xb8;
	[tilespmem:$0x1F500] =	vst v63  }
0x98: {  	s29 =	sadd.s32 @!p0 $0x19180, s7  }
0x99: {  	[spmem:s24] =	stream.indirect.scatter.add.f32 @!p0 [tilespmem:s21], [sflag:$0x3], $0x20, s29, s18, $0xb8;
	[tilespmem:$0x1F500] =	vst v63  }
0x9a: {  	s6 =	sadd.s32 $0x14180, s0  }
0x9b: {  	[tilespmem:s12], [sflag:$0x2] =	stream.indirect.gather [hbm4b:s25+s10], $0x20, s6, s10, $0xb8;
	[tilespmem:$0x1F500] =	vst v63  }
0x9c: {  	_ =	swait.ge [sflag:s13], $0x1000  }
0x9d: {  	[sflag:s13] =	ssyncset.done $0x0  }
0x9e: {  	s21 =	sadd.s32 $0x15500, s0;
	[sflag:s13] =	ssyncadd.s32 $0xFFFFF000  }
0x9f: {  	[spmem:s24] =	stream.indirect.scatter.add.f32 [tilespmem:s11], [sflag:$0x4], $0x20, s21, s10, $0xb8;
	[tilespmem:$0x1F500] =	vst v63  }
0xa0: {  	_ =	swait.ge [sflag:s23], $0x1000  }
0xa1: {  	s7 =	simm.s32 @!p0 $0x1C500;
	s6 =	sshra.s32 @!p0 s26, $0x2;
	[sflag:s23] =	ssyncset.done $0x0  }
0xa2: {  	s17 =	simm.s32 @!p0 $0x80;
	s8 =	sadd.s32 @!p0 $0x16900, s6;
	[sflag:s23] =	ssyncadd.s32 $0xFFFFF000  }
0xa3: {  	[spmem:s24] =	stream.indirect.scatter.add.f32 @!p0 [tilespmem:s7], [sflag:$0x3], $0x20, s8, s17, $0xb8;
	[tilespmem:$0x1F500] =	vst v63  }
0xa4: {  	s18 =	simm.s32 @!p0 $0x1D500;
	s8 =	sadd.s32 @!p0 $0x17D00, s6  }
0xa5: {  	[spmem:s24] =	stream.indirect.scatter.add.f32 @!p0 [tilespmem:s18], [sflag:$0x3], $0x20, s8, s17, $0xb8;
	[tilespmem:$0x1F500] =	vst v63  }
0xa6: {  	s19 =	simm.s32 @!p0 $0x1E500;
	s8 =	sadd.s32 @!p0 $0x19100, s6  }
0xa7: {  	[spmem:s24] =	stream.indirect.scatter.add.f32 @!p0 [tilespmem:s19], [sflag:$0x3], $0x20, s8, s17, $0xb8;
	[tilespmem:$0x1F500] =	vst v63  }
0xa8: {  	s28 =	sadd.s32 $0x14200, s0  }
0xa9: {  	[tilespmem:s11], [sflag:$0x1] =	stream.indirect.gather [hbm4b:s25+s10], $0x20, s28, s10, $0xb8;
	[tilespmem:$0x1F500] =	vst v63  }
0xaa: {  	_ =	swait.ge [sflag:s14], $0x1000  }
0xab: {  	[sflag:s14] =	ssyncset.done $0x0  }
0xac: {  	s29 =	sadd.s32 $0x15580, s0;
	[sflag:s14] =	ssyncadd.s32 $0xFFFFF000  }
0xad: {  	[spmem:s24] =	stream.indirect.scatter.add.f32 [tilespmem:s12], [sflag:$0x4], $0x20, s29, s10, $0xb8;
	[tilespmem:$0x1F500] =	vst v63  }
0xae: {  	_ =	swait.ge [sflag:s23], $0x1000  }
0xaf: {  	[sflag:s23] =	ssyncset.done $0x0  }
0xb0: {  	s0 =	sadd.s32 @!p0 $0x16980, s6;
	[sflag:s23] =	ssyncadd.s32 $0xFFFFF000  }
0xb1: {  	[spmem:s24] =	stream.indirect.scatter.add.f32 @!p0 [tilespmem:s7], [sflag:$0x3], $0x20, s0, s17, $0xb8;
	[tilespmem:$0x1F500] =	vst v63  }
0xb2: {  	s0 =	sadd.s32 @!p0 $0x17D80, s6  }
0xb3: {  	[spmem:s24] =	stream.indirect.scatter.add.f32 @!p0 [tilespmem:s18], [sflag:$0x3], $0x20, s0, s17, $0xb8;
	[tilespmem:$0x1F500] =	vst v63  }
0xb4: {  	s0 =	sadd.s32 @!p0 $0x19180, s6  }
0xb5: {  	[spmem:s24] =	stream.indirect.scatter.add.f32 @!p0 [tilespmem:s19], [sflag:$0x3], $0x20, s0, s17, $0xb8;
	[tilespmem:$0x1F500] =	vst v63  }
0xb6: {  	_ = 	snop  }
0xb7: {  	[tilespmem:s12], [sflag:$0x2] =	stream.indirect.gather [hbm4b:s25+s10], $0x20, s15, s10, $0xb8;
	[tilespmem:$0x1F500] =	vst v63  }
0xb8: {  	_ =	swait.ge [sflag:s13], $0x1000  }
0xb9: {  	[sflag:s13] =	ssyncset.done $0x0  }
.Ltmp3:
0xba: {  	[sflag:s13] =	ssyncadd.s32 $0xFFFFF000;
	(pc) =	sbr.rel @p0 .LBB2_7-.Ltmp3, $4  }
0xbb: {  	[spmem:s24] =	stream.indirect.scatter.add.f32 [tilespmem:s11], [sflag:$0x4], $0x20, s16, s10, $0xb8;
	[tilespmem:$0x1F500] =	vst v63  }
0xbc: {  	_ =	swait.ge [sflag:s23], $0x1000  }
0xbd: {  	[sflag:s23] =	ssyncset.done $0x0  }
0xbe: {  	[sflag:s23] =	ssyncadd.s32 $0xFFFFF000  }
0xbf: {  	s0 =	simm.s32 $0x17C00  }
0xc0: {  	[spmem:s24] =	stream.indirect.scatter.add.f32 [tilespmem:s2], [sflag:$0x3], $0x20, s0, s10, $0xb8;
	[tilespmem:$0x1F500] =	vst v63  }
0xc1: {  	s19 =	simm.s32 $0x19000  }
0xc2: {  	[spmem:s24] =	stream.indirect.scatter.add.f32 [tilespmem:s3], [sflag:$0x3], $0x20, s19, s10, $0xb8;
	[tilespmem:$0x1F500] =	vst v63  }
0xc3: {  	s21 =	simm.s32 $0x1A400  }
0xc4: {  	[spmem:s24] =	stream.indirect.scatter.add.f32 [tilespmem:s4], [sflag:$0x3], $0x20, s21, s10, $0xb8;
	[tilespmem:$0x1F500] =	vst v63  }
0xc5: {  	_ =	swait.ge [sflag:s14], $0x1000  }
0xc6: {  	[sflag:s14] =	ssyncset.done $0x0  }
0xc7: {  	[sflag:s14] =	ssyncadd.s32 $0xFFFFF000  }
0xc8: {  	[spmem:s24] =	stream.indirect.scatter.add.f32 [tilespmem:s12], [sflag:$0x4], $0x20, s20, s10, $0xb8;
	[tilespmem:$0x1F500] =	vst v63  }
0xc9: {  	_ =	swait.ge [sflag:s23], $0x1000  }
0xca: {  	[sflag:s23] =	ssyncset.done $0x0  }
0xcb: {  	s26 =	simm.s32 $0x17C80;
	[sflag:s23] =	ssyncadd.s32 $0xFFFFF000  }
0xcc: {  	[spmem:s24] =	stream.indirect.scatter.add.f32 [tilespmem:s2], [sflag:$0x3], $0x20, s26, s10, $0xb8;
	[tilespmem:$0x1F500] =	vst v63  }
0xcd: {  	s28 =	simm.s32 $0x19080  }
0xce: {  	[spmem:s24] =	stream.indirect.scatter.add.f32 [tilespmem:s3], [sflag:$0x3], $0x20, s28, s10, $0xb8;
	[tilespmem:$0x1F500] =	vst v63  }
0xcf: {  	s29 =	simm.s32 $0x1A480  }
0xd0: {  	[spmem:s24] =	stream.indirect.scatter.add.f32 [tilespmem:s4], [sflag:$0x3], $0x20, s29, s10, $0xb8;
	[tilespmem:$0x1F500] =	vst v63  }
0xd1: {  	_ =	swait.ge [sflag:s30], $0x1000  }
0xd2: {  	s0 =	simm.s32 $0x77;
	[sflag:s30] =	ssyncset.done $0x0  }
.LBB2_5:
0xd3: {  	p2 =	seq.s32 s0, $0x1;
	s0 =	sadd.s32 $0xFFFFFFFF, s0;
	[sflag:s30] =	ssyncadd.s32 $0xFFFFF000  }
.Ltmp4:
0xd4: {  	(pc) =	sbr.rel @!p2 .LBB2_5-.Ltmp4, $3  }
0xd5: {  	_ =	sdelay $0x1  }
0xd6: {  	_ =	swait.ge [sflag:s30], $0x1000  }
0xd7: {  	[sflag:s30] =	ssyncset.done $0x0  }
.Ltmp5:
0xd8: {  	(pc) =	sbr.rel .LBB2_8-.Ltmp5, $2  }
0xd9: {  	_ =	sdelay $0x2  }
0xda: {  	[sflag:s30] =	ssyncadd.s32 $0xFFFFF000  }
.LBB2_7:
0xdb: {  	_ =	swait.ge [sflag:s14], $0x1000  }
0xdc: {  	[sflag:s14] =	ssyncset.done $0x0  }
0xdd: {  	[sflag:s14] =	ssyncadd.s32 $0xFFFFF000  }
0xde: {  	[spmem:s24] =	stream.indirect.scatter.add.f32 [tilespmem:s12], [sflag:$0x4], $0x20, s20, s10, $0xb8;
	[tilespmem:$0x1F500] =	vst v63  }
0xdf: {  	_ =	swait.ge [sflag:s23], $0x1000  }
0xe0: {  	[sflag:s23] =	ssyncset.done $0x0  }
0xe1: {  	[sflag:s23] =	ssyncadd.s32 $0xFFFFF000  }
.LBB2_8:
0xe2: {  	s0 =	simm.s32 $0x0;
	s6 =	rddreg [dreg:$0x9]  }
0xe3: {  	[tilespmem:s5], [sflag:$0x4] =	stream.linear.gather [hbm4b:s6+s0], $0x1400, $0x38;
	[tilespmem:$0x1F500] =	vst v63  }
0xe4: {  	_ =	swait.ge [sflag:s23], $0x1400  }
0xe5: {  	[sflag:s23] =	ssyncset.done $0x0  }
0xe6: {  	s7 =	simm.s32 $0x15500;
	s26 =	rddreg [dreg:$0xa];
	[sflag:s23] =	ssyncadd.s32 $0xFFFFEC00  }
0xe7: {  	[tilespmem:s7], [sflag:$0x4] =	stream.linear.gather [hbm4b:s26+s0], $0x1400, $0x38;
	[tilespmem:$0x1F500] =	vst v63  }
0xe8: {  	_ =	swait.ge [sflag:s23], $0x1400  }
0xe9: {  	[sflag:s23] =	ssyncset.done $0x0  }
0xea: {  	s17 =	simm.s32 $0x16900;
	s8 =	rddreg [dreg:$0xb];
	[sflag:s23] =	ssyncadd.s32 $0xFFFFEC00  }
0xeb: {  	[tilespmem:s17], [sflag:$0x4] =	stream.linear.gather [hbm4b:s8+s0], $0x1400, $0x38;
	[tilespmem:$0x1F500] =	vst v63  }
0xec: {  	_ =	swait.ge [sflag:s23], $0x1400  }
0xed: {  	[sflag:s23] =	ssyncset.done $0x0  }
0xee: {  	s19 =	simm.s32 $0x17D00;
	s18 =	rddreg [dreg:$0xc];
	[sflag:s23] =	ssyncadd.s32 $0xFFFFEC00  }
0xef: {  	[tilespmem:s19], [sflag:$0x4] =	stream.linear.gather [hbm4b:s18+s0], $0x1400, $0x38;
	[tilespmem:$0x1F500] =	vst v63  }
0xf0: {  	_ =	swait.ge [sflag:s23], $0x1400  }
0xf1: {  	[sflag:s23] =	ssyncset.done $0x0  }
0xf2: {  	s26 =	simm.s32 $0x19100;
	s21 =	rddreg [dreg:$0xd];
	[sflag:s23] =	ssyncadd.s32 $0xFFFFEC00  }
0xf3: {  	[tilespmem:s26], [sflag:$0x4] =	stream.linear.gather [hbm4b:s21+s0], $0x1400, $0x38;
	[tilespmem:$0x1F500] =	vst v63  }
0xf4: {  	_ =	swait.ge [sflag:s23], $0x1400  }
0xf5: {  	[sflag:s23] =	ssyncset.done $0x0  }
0xf6: {  	[sflag:s23] =	ssyncadd.s32 $0xFFFFEC00  }
0xf7: {  	[tilespmem:s11], [sflag:$0x1] =	stream.indirect.gather [hbm4b:s25+s10], $0x20, s5, s10, $0xb8;
	[tilespmem:$0x1F500] =	vst v63  }
0xf8: {  	s6 =	simm.s32 $0x14180  }
0xf9: {  	[tilespmem:s12], [sflag:$0x2] =	stream.indirect.gather [hbm4b:s25+s10], $0x20, s6, s10, $0xb8;
	[tilespmem:$0x1F500] =	vst v63  }
0xfa: {  	_ =	swait.ge [sflag:s13], $0x1000  }
0xfb: {  	[sflag:s13] =	ssyncset.done $0x0  }
0xfc: {  	s7 =	simm.s32 $0x15500;
	[sflag:s13] =	ssyncadd.s32 $0xFFFFF000  }
0xfd: {  	[spmem:s24] =	stream.indirect.scatter.add.f32 [tilespmem:s11], [sflag:$0x4], $0x20, s7, s10, $0xb8;
	[tilespmem:$0x1F500] =	vst v63  }
0xfe: {  	_ =	swait.ge [sflag:s23], $0x1000  }
0xff: {  	s17 =	simm.s32 @!p0 $0x1C500;
	[sflag:s23] =	ssyncset.done $0x0  }
0x100: {  	s18 =	simm.s32 @!p0 $0x80;
	s0 =	simm.s32 @!p0 $0x16900;
	[sflag:s23] =	ssyncadd.s32 $0xFFFFF000  }
0x101: {  	[spmem:s24] =	stream.indirect.scatter.add.f32 @!p0 [tilespmem:s17], [sflag:$0x3], $0x20, s0, s18, $0xb8;
	[tilespmem:$0x1F500] =	vst v63  }
0x102: {  	s19 =	simm.s32 @!p0 $0x1D500;
	s0 =	simm.s32 @!p0 $0x17D00  }
0x103: {  	[spmem:s24] =	stream.indirect.scatter.add.f32 @!p0 [tilespmem:s19], [sflag:$0x3], $0x20, s0, s18, $0xb8;
	[tilespmem:$0x1F500] =	vst v63  }
0x104: {  	s21 =	simm.s32 @!p0 $0x1E500;
	s0 =	simm.s32 @!p0 $0x19100  }
0x105: {  	[spmem:s24] =	stream.indirect.scatter.add.f32 @!p0 [tilespmem:s21], [sflag:$0x3], $0x20, s0, s18, $0xb8;
	[tilespmem:$0x1F500] =	vst v63  }
0x106: {  	s8 =	simm.s32 $0x14200  }
0x107: {  	[tilespmem:s11], [sflag:$0x1] =	stream.indirect.gather [hbm4b:s25+s10], $0x20, s8, s10, $0xb8;
	[tilespmem:$0x1F500] =	vst v63  }
0x108: {  	_ =	swait.ge [sflag:s14], $0x1000  }
0x109: {  	[sflag:s14] =	ssyncset.done $0x0  }
0x10a: {  	s26 =	simm.s32 $0x15580;
	[sflag:s14] =	ssyncadd.s32 $0xFFFFF000  }
0x10b: {  	[spmem:s24] =	stream.indirect.scatter.add.f32 [tilespmem:s12], [sflag:$0x4], $0x20, s26, s10, $0xb8;
	[tilespmem:$0x1F500] =	vst v63  }
0x10c: {  	_ =	swait.ge [sflag:s23], $0x1000  }
0x10d: {  	[sflag:s23] =	ssyncset.done $0x0  }
0x10e: {  	s0 =	simm.s32 @!p0 $0x16980;
	[sflag:s23] =	ssyncadd.s32 $0xFFFFF000  }
0x10f: {  	[spmem:s24] =	stream.indirect.scatter.add.f32 @!p0 [tilespmem:s17], [sflag:$0x3], $0x20, s0, s18, $0xb8;
	[tilespmem:$0x1F500] =	vst v63  }
0x110: {  	s28 =	simm.s32 $0x800;
	s0 =	simm.s32 @!p0 $0x17D80  }
0x111: {  	[spmem:s24] =	stream.indirect.scatter.add.f32 @!p0 [tilespmem:s19], [sflag:$0x3], $0x20, s0, s18, $0xb8;
	[tilespmem:$0x1F500] =	vst v63  }
0x112: {  	s29 =	simm.s32 @!p0 $0x19180;
	s26 =	simm.s32 $0x400;
	s0 =	simm.s32 $0x100  }
.LBB2_9:
0x113: {  	[spmem:s24] =	stream.indirect.scatter.add.f32 @!p0 [tilespmem:s21], [sflag:$0x3], $0x20, s29, s18, $0xb8;
	[tilespmem:$0x1F500] =	vst v63  }
0x114: {  	s6 =	smov.u32 s28  }
0x115: {  	s28 =	sadd.s32 $0x400, s28;
	s8 =	sadd.s32 $0x14180, s0;
	s7 =	sshra.s32 s6, $0x2  }
0x116: {  	[tilespmem:s12], [sflag:$0x2] =	stream.indirect.gather [hbm4b:s25+s10], $0x20, s8, s10, $0xb8;
	[tilespmem:$0x1F500] =	vst v63  }
0x117: {  	p2 =	sne.s32 s28, $0x4C00;
	_ =	swait.ge [sflag:s13], $0x1000  }
0x118: {  	[sflag:s13] =	ssyncset.done $0x0  }
0x119: {  	s8 =	sadd.s32 $0x15500, s0;
	[sflag:s13] =	ssyncadd.s32 $0xFFFFF000  }
0x11a: {  	[spmem:s24] =	stream.indirect.scatter.add.f32 [tilespmem:s11], [sflag:$0x4], $0x20, s8, s10, $0xb8;
	[tilespmem:$0x1F500] =	vst v63  }
0x11b: {  	_ =	swait.ge [sflag:s23], $0x1000  }
0x11c: {  	s8 =	sshra.s32 @!p0 s26, $0x2;
	[sflag:s23] =	ssyncset.done $0x0  }
0x11d: {  	s26 =	sadd.s32 @!p0 $0x16900, s8;
	[sflag:s23] =	ssyncadd.s32 $0xFFFFF000  }
0x11e: {  	[spmem:s24] =	stream.indirect.scatter.add.f32 @!p0 [tilespmem:s17], [sflag:$0x3], $0x20, s26, s18, $0xb8;
	[tilespmem:$0x1F500] =	vst v63  }
0x11f: {  	s29 =	sadd.s32 @!p0 $0x17D00, s8;
	s26 =	smov.u32 s6  }
0x120: {  	[spmem:s24] =	stream.indirect.scatter.add.f32 @!p0 [tilespmem:s19], [sflag:$0x3], $0x20, s29, s18, $0xb8;
	[tilespmem:$0x1F500] =	vst v63  }
0x121: {  	s6 =	sadd.s32 @!p0 $0x19100, s8  }
0x122: {  	[spmem:s24] =	stream.indirect.scatter.add.f32 @!p0 [tilespmem:s21], [sflag:$0x3], $0x20, s6, s18, $0xb8;
	[tilespmem:$0x1F500] =	vst v63  }
0x123: {  	s6 =	sadd.s32 $0x14200, s0  }
0x124: {  	[tilespmem:s11], [sflag:$0x1] =	stream.indirect.gather [hbm4b:s25+s10], $0x20, s6, s10, $0xb8;
	[tilespmem:$0x1F500] =	vst v63  }
0x125: {  	_ =	swait.ge [sflag:s14], $0x1000  }
0x126: {  	[sflag:s14] =	ssyncset.done $0x0  }
0x127: {  	s6 =	sadd.s32 $0x15580, s0;
	s0 =	smov.u32 s7;
	[sflag:s14] =	ssyncadd.s32 $0xFFFFF000  }
0x128: {  	[spmem:s24] =	stream.indirect.scatter.add.f32 [tilespmem:s12], [sflag:$0x4], $0x20, s6, s10, $0xb8;
	[tilespmem:$0x1F500] =	vst v63  }
0x129: {  	_ =	swait.ge [sflag:s23], $0x1000  }
0x12a: {  	[sflag:s23] =	ssyncset.done $0x0  }
.Ltmp6:
0x12b: {  	s6 =	sadd.s32 @!p0 $0x16980, s8;
	[sflag:s23] =	ssyncadd.s32 $0xFFFFF000;
	(pc) =	sbr.rel @p2 .LBB2_9-.Ltmp6, $4  }
0x12c: {  	[spmem:s24] =	stream.indirect.scatter.add.f32 @!p0 [tilespmem:s17], [sflag:$0x3], $0x20, s6, s18, $0xb8;
	[tilespmem:$0x1F500] =	vst v63  }
0x12d: {  	s6 =	sadd.s32 @!p0 $0x17D80, s8  }
0x12e: {  	[spmem:s24] =	stream.indirect.scatter.add.f32 @!p0 [tilespmem:s19], [sflag:$0x3], $0x20, s6, s18, $0xb8;
	[tilespmem:$0x1F500] =	vst v63  }
0x12f: {  	s29 =	sadd.s32 @!p0 $0x19180, s8  }
0x130: {  	[spmem:s24] =	stream.indirect.scatter.add.f32 @!p0 [tilespmem:s21], [sflag:$0x3], $0x20, s29, s18, $0xb8;
	[tilespmem:$0x1F500] =	vst v63  }
0x131: {  	s6 =	sadd.s32 $0x14180, s0  }
0x132: {  	[tilespmem:s12], [sflag:$0x2] =	stream.indirect.gather [hbm4b:s25+s10], $0x20, s6, s10, $0xb8;
	[tilespmem:$0x1F500] =	vst v63  }
0x133: {  	_ =	swait.ge [sflag:s13], $0x1000  }
0x134: {  	[sflag:s13] =	ssyncset.done $0x0  }
0x135: {  	s21 =	sadd.s32 $0x15500, s0;
	[sflag:s13] =	ssyncadd.s32 $0xFFFFF000  }
0x136: {  	[spmem:s24] =	stream.indirect.scatter.add.f32 [tilespmem:s11], [sflag:$0x4], $0x20, s21, s10, $0xb8;
	[tilespmem:$0x1F500] =	vst v63  }
0x137: {  	_ =	swait.ge [sflag:s23], $0x1000  }
0x138: {  	s7 =	simm.s32 @!p0 $0x1C500;
	s6 =	sshra.s32 @!p0 s26, $0x2;
	[sflag:s23] =	ssyncset.done $0x0  }
0x139: {  	s17 =	simm.s32 @!p0 $0x80;
	s8 =	sadd.s32 @!p0 $0x16900, s6;
	[sflag:s23] =	ssyncadd.s32 $0xFFFFF000  }
0x13a: {  	[spmem:s24] =	stream.indirect.scatter.add.f32 @!p0 [tilespmem:s7], [sflag:$0x3], $0x20, s8, s17, $0xb8;
	[tilespmem:$0x1F500] =	vst v63  }
0x13b: {  	s18 =	simm.s32 @!p0 $0x1D500;
	s8 =	sadd.s32 @!p0 $0x17D00, s6  }
0x13c: {  	[spmem:s24] =	stream.indirect.scatter.add.f32 @!p0 [tilespmem:s18], [sflag:$0x3], $0x20, s8, s17, $0xb8;
	[tilespmem:$0x1F500] =	vst v63  }
0x13d: {  	s19 =	simm.s32 @!p0 $0x1E500;
	s8 =	sadd.s32 @!p0 $0x19100, s6  }
0x13e: {  	[spmem:s24] =	stream.indirect.scatter.add.f32 @!p0 [tilespmem:s19], [sflag:$0x3], $0x20, s8, s17, $0xb8;
	[tilespmem:$0x1F500] =	vst v63  }
0x13f: {  	s28 =	sadd.s32 $0x14200, s0  }
0x140: {  	[tilespmem:s11], [sflag:$0x1] =	stream.indirect.gather [hbm4b:s25+s10], $0x20, s28, s10, $0xb8;
	[tilespmem:$0x1F500] =	vst v63  }
0x141: {  	_ =	swait.ge [sflag:s14], $0x1000  }
0x142: {  	[sflag:s14] =	ssyncset.done $0x0  }
0x143: {  	s29 =	sadd.s32 $0x15580, s0;
	[sflag:s14] =	ssyncadd.s32 $0xFFFFF000  }
0x144: {  	[spmem:s24] =	stream.indirect.scatter.add.f32 [tilespmem:s12], [sflag:$0x4], $0x20, s29, s10, $0xb8;
	[tilespmem:$0x1F500] =	vst v63  }
0x145: {  	_ =	swait.ge [sflag:s23], $0x1000  }
0x146: {  	[sflag:s23] =	ssyncset.done $0x0  }
0x147: {  	s0 =	sadd.s32 @!p0 $0x16980, s6;
	[sflag:s23] =	ssyncadd.s32 $0xFFFFF000  }
0x148: {  	[spmem:s24] =	stream.indirect.scatter.add.f32 @!p0 [tilespmem:s7], [sflag:$0x3], $0x20, s0, s17, $0xb8;
	[tilespmem:$0x1F500] =	vst v63  }
0x149: {  	s0 =	sadd.s32 @!p0 $0x17D80, s6  }
0x14a: {  	[spmem:s24] =	stream.indirect.scatter.add.f32 @!p0 [tilespmem:s18], [sflag:$0x3], $0x20, s0, s17, $0xb8;
	[tilespmem:$0x1F500] =	vst v63  }
0x14b: {  	s0 =	sadd.s32 @!p0 $0x19180, s6  }
0x14c: {  	[spmem:s24] =	stream.indirect.scatter.add.f32 @!p0 [tilespmem:s19], [sflag:$0x3], $0x20, s0, s17, $0xb8;
	[tilespmem:$0x1F500] =	vst v63  }
0x14d: {  	_ = 	snop  }
0x14e: {  	[tilespmem:s12], [sflag:$0x2] =	stream.indirect.gather [hbm4b:s25+s10], $0x20, s15, s10, $0xb8;
	[tilespmem:$0x1F500] =	vst v63  }
0x14f: {  	_ =	swait.ge [sflag:s13], $0x1000  }
0x150: {  	[sflag:s13] =	ssyncset.done $0x0  }
.Ltmp7:
0x151: {  	[sflag:s13] =	ssyncadd.s32 $0xFFFFF000;
	(pc) =	sbr.rel @p0 .LBB2_14-.Ltmp7, $4  }
0x152: {  	[spmem:s24] =	stream.indirect.scatter.add.f32 [tilespmem:s11], [sflag:$0x4], $0x20, s16, s10, $0xb8;
	[tilespmem:$0x1F500] =	vst v63  }
0x153: {  	_ =	swait.ge [sflag:s23], $0x1000  }
0x154: {  	[sflag:s23] =	ssyncset.done $0x0  }
0x155: {  	[sflag:s23] =	ssyncadd.s32 $0xFFFFF000  }
0x156: {  	s0 =	simm.s32 $0x17C00  }
0x157: {  	[spmem:s24] =	stream.indirect.scatter.add.f32 [tilespmem:s2], [sflag:$0x3], $0x20, s0, s10, $0xb8;
	[tilespmem:$0x1F500] =	vst v63  }
0x158: {  	s19 =	simm.s32 $0x19000  }
0x159: {  	[spmem:s24] =	stream.indirect.scatter.add.f32 [tilespmem:s3], [sflag:$0x3], $0x20, s19, s10, $0xb8;
	[tilespmem:$0x1F500] =	vst v63  }
0x15a: {  	s21 =	simm.s32 $0x1A400  }
0x15b: {  	[spmem:s24] =	stream.indirect.scatter.add.f32 [tilespmem:s4], [sflag:$0x3], $0x20, s21, s10, $0xb8;
	[tilespmem:$0x1F500] =	vst v63  }
0x15c: {  	_ =	swait.ge [sflag:s14], $0x1000  }
0x15d: {  	[sflag:s14] =	ssyncset.done $0x0  }
0x15e: {  	[sflag:s14] =	ssyncadd.s32 $0xFFFFF000  }
0x15f: {  	[spmem:s24] =	stream.indirect.scatter.add.f32 [tilespmem:s12], [sflag:$0x4], $0x20, s20, s10, $0xb8;
	[tilespmem:$0x1F500] =	vst v63  }
0x160: {  	_ =	swait.ge [sflag:s23], $0x1000  }
0x161: {  	[sflag:s23] =	ssyncset.done $0x0  }
0x162: {  	s26 =	simm.s32 $0x17C80;
	[sflag:s23] =	ssyncadd.s32 $0xFFFFF000  }
0x163: {  	[spmem:s24] =	stream.indirect.scatter.add.f32 [tilespmem:s2], [sflag:$0x3], $0x20, s26, s10, $0xb8;
	[tilespmem:$0x1F500] =	vst v63  }
0x164: {  	s28 =	simm.s32 $0x19080  }
0x165: {  	[spmem:s24] =	stream.indirect.scatter.add.f32 [tilespmem:s3], [sflag:$0x3], $0x20, s28, s10, $0xb8;
	[tilespmem:$0x1F500] =	vst v63  }
0x166: {  	s29 =	simm.s32 $0x1A480  }
0x167: {  	[spmem:s24] =	stream.indirect.scatter.add.f32 [tilespmem:s4], [sflag:$0x3], $0x20, s29, s10, $0xb8;
	[tilespmem:$0x1F500] =	vst v63  }
0x168: {  	_ =	swait.ge [sflag:s30], $0x1000  }
0x169: {  	s0 =	simm.s32 $0x77;
	[sflag:s30] =	ssyncset.done $0x0  }
.LBB2_12:
0x16a: {  	p2 =	seq.s32 s0, $0x1;
	s0 =	sadd.s32 $0xFFFFFFFF, s0;
	[sflag:s30] =	ssyncadd.s32 $0xFFFFF000  }
.Ltmp8:
0x16b: {  	(pc) =	sbr.rel @!p2 .LBB2_12-.Ltmp8, $3  }
0x16c: {  	_ =	sdelay $0x1  }
0x16d: {  	_ =	swait.ge [sflag:s30], $0x1000  }
0x16e: {  	[sflag:s30] =	ssyncset.done $0x0  }
.Ltmp9:
0x16f: {  	(pc) =	sbr.rel .LBB2_15-.Ltmp9, $2  }
0x170: {  	_ =	sdelay $0x2  }
0x171: {  	[sflag:s30] =	ssyncadd.s32 $0xFFFFF000  }
.LBB2_14:
0x172: {  	_ =	swait.ge [sflag:s14], $0x1000  }
0x173: {  	[sflag:s14] =	ssyncset.done $0x0  }
0x174: {  	[sflag:s14] =	ssyncadd.s32 $0xFFFFF000  }
0x175: {  	[spmem:s24] =	stream.indirect.scatter.add.f32 [tilespmem:s12], [sflag:$0x4], $0x20, s20, s10, $0xb8;
	[tilespmem:$0x1F500] =	vst v63  }
0x176: {  	_ =	swait.ge [sflag:s23], $0x1000  }
0x177: {  	[sflag:s23] =	ssyncset.done $0x0  }
0x178: {  	[sflag:s23] =	ssyncadd.s32 $0xFFFFF000  }
.LBB2_15:
0x179: {  	s0 =	simm.s32 $0x0;
	s6 =	rddreg [dreg:$0xe]  }
0x17a: {  	[tilespmem:s5], [sflag:$0x4] =	stream.linear.gather [hbm4b:s6+s0], $0x1400, $0x38;
	[tilespmem:$0x1F500] =	vst v63  }
0x17b: {  	_ =	swait.ge [sflag:s23], $0x1400  }
0x17c: {  	[sflag:s23] =	ssyncset.done $0x0  }
0x17d: {  	s7 =	simm.s32 $0x15500;
	s26 =	rddreg [dreg:$0xf];
	[sflag:s23] =	ssyncadd.s32 $0xFFFFEC00  }
0x17e: {  	[tilespmem:s7], [sflag:$0x4] =	stream.linear.gather [hbm4b:s26+s0], $0x1400, $0x38;
	[tilespmem:$0x1F500] =	vst v63  }
0x17f: {  	_ =	swait.ge [sflag:s23], $0x1400  }
0x180: {  	[sflag:s23] =	ssyncset.done $0x0  }
0x181: {  	s17 =	simm.s32 $0x16900;
	s8 =	rddreg [dreg:$0x10];
	[sflag:s23] =	ssyncadd.s32 $0xFFFFEC00  }
0x182: {  	[tilespmem:s17], [sflag:$0x4] =	stream.linear.gather [hbm4b:s8+s0], $0x1400, $0x38;
	[tilespmem:$0x1F500] =	vst v63  }
0x183: {  	_ =	swait.ge [sflag:s23], $0x1400  }
0x184: {  	[sflag:s23] =	ssyncset.done $0x0  }
0x185: {  	s19 =	simm.s32 $0x17D00;
	s18 =	rddreg [dreg:$0x12];
	[sflag:s23] =	ssyncadd.s32 $0xFFFFEC00  }
0x186: {  	[tilespmem:s19], [sflag:$0x4] =	stream.linear.gather [hbm4b:s18+s0], $0x1400, $0x38;
	[tilespmem:$0x1F500] =	vst v63  }
0x187: {  	_ =	swait.ge [sflag:s23], $0x1400  }
0x188: {  	[sflag:s23] =	ssyncset.done $0x0  }
0x189: {  	s26 =	simm.s32 $0x19100;
	s21 =	rddreg [dreg:$0x13];
	[sflag:s23] =	ssyncadd.s32 $0xFFFFEC00  }
0x18a: {  	[tilespmem:s26], [sflag:$0x4] =	stream.linear.gather [hbm4b:s21+s0], $0x1400, $0x38;
	[tilespmem:$0x1F500] =	vst v63  }
0x18b: {  	_ =	swait.ge [sflag:s23], $0x1400  }
0x18c: {  	[sflag:s23] =	ssyncset.done $0x0  }
0x18d: {  	[sflag:s23] =	ssyncadd.s32 $0xFFFFEC00  }
0x18e: {  	[tilespmem:s11], [sflag:$0x1] =	stream.indirect.gather [hbm4b:s25+s10], $0x20, s5, s10, $0xb8;
	[tilespmem:$0x1F500] =	vst v63  }
0x18f: {  	s6 =	simm.s32 $0x14180  }
0x190: {  	[tilespmem:s12], [sflag:$0x2] =	stream.indirect.gather [hbm4b:s25+s10], $0x20, s6, s10, $0xb8;
	[tilespmem:$0x1F500] =	vst v63  }
0x191: {  	_ =	swait.ge [sflag:s13], $0x1000  }
0x192: {  	[sflag:s13] =	ssyncset.done $0x0  }
0x193: {  	s7 =	simm.s32 $0x15500;
	[sflag:s13] =	ssyncadd.s32 $0xFFFFF000  }
0x194: {  	[spmem:s24] =	stream.indirect.scatter.add.f32 [tilespmem:s11], [sflag:$0x4], $0x20, s7, s10, $0xb8;
	[tilespmem:$0x1F500] =	vst v63  }
0x195: {  	_ =	swait.ge [sflag:s23], $0x1000  }
0x196: {  	s17 =	simm.s32 @!p1 $0x1C500;
	[sflag:s23] =	ssyncset.done $0x0  }
0x197: {  	s18 =	simm.s32 @!p1 $0x80;
	s0 =	simm.s32 @!p1 $0x16900;
	[sflag:s23] =	ssyncadd.s32 $0xFFFFF000  }
0x198: {  	[spmem:s24] =	stream.indirect.scatter.add.f32 @!p1 [tilespmem:s17], [sflag:$0x3], $0x20, s0, s18, $0xb8;
	[tilespmem:$0x1F500] =	vst v63  }
0x199: {  	s19 =	simm.s32 @!p1 $0x1D500;
	s0 =	simm.s32 @!p1 $0x17D00  }
0x19a: {  	[spmem:s24] =	stream.indirect.scatter.add.f32 @!p1 [tilespmem:s19], [sflag:$0x3], $0x20, s0, s18, $0xb8;
	[tilespmem:$0x1F500] =	vst v63  }
0x19b: {  	s21 =	simm.s32 @!p1 $0x1E500;
	s0 =	simm.s32 @!p1 $0x19100  }
0x19c: {  	[spmem:s24] =	stream.indirect.scatter.add.f32 @!p1 [tilespmem:s21], [sflag:$0x3], $0x20, s0, s18, $0xb8;
	[tilespmem:$0x1F500] =	vst v63  }
0x19d: {  	s8 =	simm.s32 $0x14200  }
0x19e: {  	[tilespmem:s11], [sflag:$0x1] =	stream.indirect.gather [hbm4b:s25+s10], $0x20, s8, s10, $0xb8;
	[tilespmem:$0x1F500] =	vst v63  }
0x19f: {  	_ =	swait.ge [sflag:s14], $0x1000  }
0x1a0: {  	[sflag:s14] =	ssyncset.done $0x0  }
0x1a1: {  	s26 =	simm.s32 $0x15580;
	[sflag:s14] =	ssyncadd.s32 $0xFFFFF000  }
0x1a2: {  	[spmem:s24] =	stream.indirect.scatter.add.f32 [tilespmem:s12], [sflag:$0x4], $0x20, s26, s10, $0xb8;
	[tilespmem:$0x1F500] =	vst v63  }
0x1a3: {  	_ =	swait.ge [sflag:s23], $0x1000  }
0x1a4: {  	[sflag:s23] =	ssyncset.done $0x0  }
0x1a5: {  	s0 =	simm.s32 @!p1 $0x16980;
	[sflag:s23] =	ssyncadd.s32 $0xFFFFF000  }
0x1a6: {  	[spmem:s24] =	stream.indirect.scatter.add.f32 @!p1 [tilespmem:s17], [sflag:$0x3], $0x20, s0, s18, $0xb8;
	[tilespmem:$0x1F500] =	vst v63  }
0x1a7: {  	s28 =	simm.s32 $0x800;
	s0 =	simm.s32 @!p1 $0x17D80  }
0x1a8: {  	[spmem:s24] =	stream.indirect.scatter.add.f32 @!p1 [tilespmem:s19], [sflag:$0x3], $0x20, s0, s18, $0xb8;
	[tilespmem:$0x1F500] =	vst v63  }
0x1a9: {  	s29 =	simm.s32 @!p1 $0x19180;
	s26 =	simm.s32 $0x400;
	s0 =	simm.s32 $0x100  }
.LBB2_16:
0x1aa: {  	[spmem:s24] =	stream.indirect.scatter.add.f32 @!p1 [tilespmem:s21], [sflag:$0x3], $0x20, s29, s18, $0xb8;
	[tilespmem:$0x1F500] =	vst v63  }
0x1ab: {  	s6 =	smov.u32 s28  }
0x1ac: {  	s28 =	sadd.s32 $0x400, s28;
	s8 =	sadd.s32 $0x14180, s0;
	s7 =	sshra.s32 s6, $0x2  }
0x1ad: {  	[tilespmem:s12], [sflag:$0x2] =	stream.indirect.gather [hbm4b:s25+s10], $0x20, s8, s10, $0xb8;
	[tilespmem:$0x1F500] =	vst v63  }
0x1ae: {  	p2 =	sne.s32 s28, $0x4C00;
	_ =	swait.ge [sflag:s13], $0x1000  }
0x1af: {  	[sflag:s13] =	ssyncset.done $0x0  }
0x1b0: {  	s8 =	sadd.s32 $0x15500, s0;
	[sflag:s13] =	ssyncadd.s32 $0xFFFFF000  }
0x1b1: {  	[spmem:s24] =	stream.indirect.scatter.add.f32 [tilespmem:s11], [sflag:$0x4], $0x20, s8, s10, $0xb8;
	[tilespmem:$0x1F500] =	vst v63  }
0x1b2: {  	_ =	swait.ge [sflag:s23], $0x1000  }
0x1b3: {  	s8 =	sshra.s32 @!p1 s26, $0x2;
	[sflag:s23] =	ssyncset.done $0x0  }
0x1b4: {  	s26 =	sadd.s32 @!p1 $0x16900, s8;
	[sflag:s23] =	ssyncadd.s32 $0xFFFFF000  }
0x1b5: {  	[spmem:s24] =	stream.indirect.scatter.add.f32 @!p1 [tilespmem:s17], [sflag:$0x3], $0x20, s26, s18, $0xb8;
	[tilespmem:$0x1F500] =	vst v63  }
0x1b6: {  	s29 =	sadd.s32 @!p1 $0x17D00, s8;
	s26 =	smov.u32 s6  }
0x1b7: {  	[spmem:s24] =	stream.indirect.scatter.add.f32 @!p1 [tilespmem:s19], [sflag:$0x3], $0x20, s29, s18, $0xb8;
	[tilespmem:$0x1F500] =	vst v63  }
0x1b8: {  	s6 =	sadd.s32 @!p1 $0x19100, s8  }
0x1b9: {  	[spmem:s24] =	stream.indirect.scatter.add.f32 @!p1 [tilespmem:s21], [sflag:$0x3], $0x20, s6, s18, $0xb8;
	[tilespmem:$0x1F500] =	vst v63  }
0x1ba: {  	s6 =	sadd.s32 $0x14200, s0  }
0x1bb: {  	[tilespmem:s11], [sflag:$0x1] =	stream.indirect.gather [hbm4b:s25+s10], $0x20, s6, s10, $0xb8;
	[tilespmem:$0x1F500] =	vst v63  }
0x1bc: {  	_ =	swait.ge [sflag:s14], $0x1000  }
0x1bd: {  	[sflag:s14] =	ssyncset.done $0x0  }
0x1be: {  	s6 =	sadd.s32 $0x15580, s0;
	s0 =	smov.u32 s7;
	[sflag:s14] =	ssyncadd.s32 $0xFFFFF000  }
0x1bf: {  	[spmem:s24] =	stream.indirect.scatter.add.f32 [tilespmem:s12], [sflag:$0x4], $0x20, s6, s10, $0xb8;
	[tilespmem:$0x1F500] =	vst v63  }
0x1c0: {  	_ =	swait.ge [sflag:s23], $0x1000  }
0x1c1: {  	[sflag:s23] =	ssyncset.done $0x0  }
.Ltmp10:
0x1c2: {  	s6 =	sadd.s32 @!p1 $0x16980, s8;
	[sflag:s23] =	ssyncadd.s32 $0xFFFFF000;
	(pc) =	sbr.rel @p2 .LBB2_16-.Ltmp10, $4  }
0x1c3: {  	[spmem:s24] =	stream.indirect.scatter.add.f32 @!p1 [tilespmem:s17], [sflag:$0x3], $0x20, s6, s18, $0xb8;
	[tilespmem:$0x1F500] =	vst v63  }
0x1c4: {  	s6 =	sadd.s32 @!p1 $0x17D80, s8  }
0x1c5: {  	[spmem:s24] =	stream.indirect.scatter.add.f32 @!p1 [tilespmem:s19], [sflag:$0x3], $0x20, s6, s18, $0xb8;
	[tilespmem:$0x1F500] =	vst v63  }
0x1c6: {  	s29 =	sadd.s32 @!p1 $0x19180, s8  }
0x1c7: {  	[spmem:s24] =	stream.indirect.scatter.add.f32 @!p1 [tilespmem:s21], [sflag:$0x3], $0x20, s29, s18, $0xb8;
	[tilespmem:$0x1F500] =	vst v63  }
0x1c8: {  	s6 =	sadd.s32 $0x14180, s0  }
0x1c9: {  	[tilespmem:s12], [sflag:$0x2] =	stream.indirect.gather [hbm4b:s25+s10], $0x20, s6, s10, $0xb8;
	[tilespmem:$0x1F500] =	vst v63  }
0x1ca: {  	_ =	swait.ge [sflag:s13], $0x1000  }
0x1cb: {  	[sflag:s13] =	ssyncset.done $0x0  }
0x1cc: {  	s21 =	sadd.s32 $0x15500, s0;
	[sflag:s13] =	ssyncadd.s32 $0xFFFFF000  }
0x1cd: {  	[spmem:s24] =	stream.indirect.scatter.add.f32 [tilespmem:s11], [sflag:$0x4], $0x20, s21, s10, $0xb8;
	[tilespmem:$0x1F500] =	vst v63  }
0x1ce: {  	_ =	swait.ge [sflag:s23], $0x1000  }
0x1cf: {  	s7 =	simm.s32 @!p1 $0x1C500;
	s6 =	sshra.s32 @!p1 s26, $0x2;
	[sflag:s23] =	ssyncset.done $0x0  }
0x1d0: {  	s17 =	simm.s32 @!p1 $0x80;
	s8 =	sadd.s32 @!p1 $0x16900, s6;
	[sflag:s23] =	ssyncadd.s32 $0xFFFFF000  }
0x1d1: {  	[spmem:s24] =	stream.indirect.scatter.add.f32 @!p1 [tilespmem:s7], [sflag:$0x3], $0x20, s8, s17, $0xb8;
	[tilespmem:$0x1F500] =	vst v63  }
0x1d2: {  	s18 =	simm.s32 @!p1 $0x1D500;
	s8 =	sadd.s32 @!p1 $0x17D00, s6  }
0x1d3: {  	[spmem:s24] =	stream.indirect.scatter.add.f32 @!p1 [tilespmem:s18], [sflag:$0x3], $0x20, s8, s17, $0xb8;
	[tilespmem:$0x1F500] =	vst v63  }
0x1d4: {  	s19 =	simm.s32 @!p1 $0x1E500;
	s8 =	sadd.s32 @!p1 $0x19100, s6  }
0x1d5: {  	[spmem:s24] =	stream.indirect.scatter.add.f32 @!p1 [tilespmem:s19], [sflag:$0x3], $0x20, s8, s17, $0xb8;
	[tilespmem:$0x1F500] =	vst v63  }
0x1d6: {  	s28 =	sadd.s32 $0x14200, s0  }
0x1d7: {  	[tilespmem:s11], [sflag:$0x1] =	stream.indirect.gather [hbm4b:s25+s10], $0x20, s28, s10, $0xb8;
	[tilespmem:$0x1F500] =	vst v63  }
0x1d8: {  	_ =	swait.ge [sflag:s14], $0x1000  }
0x1d9: {  	[sflag:s14] =	ssyncset.done $0x0  }
0x1da: {  	s29 =	sadd.s32 $0x15580, s0;
	[sflag:s14] =	ssyncadd.s32 $0xFFFFF000  }
0x1db: {  	[spmem:s24] =	stream.indirect.scatter.add.f32 [tilespmem:s12], [sflag:$0x4], $0x20, s29, s10, $0xb8;
	[tilespmem:$0x1F500] =	vst v63  }
0x1dc: {  	_ =	swait.ge [sflag:s23], $0x1000  }
0x1dd: {  	[sflag:s23] =	ssyncset.done $0x0  }
0x1de: {  	s0 =	sadd.s32 @!p1 $0x16980, s6;
	[sflag:s23] =	ssyncadd.s32 $0xFFFFF000  }
0x1df: {  	[spmem:s24] =	stream.indirect.scatter.add.f32 @!p1 [tilespmem:s7], [sflag:$0x3], $0x20, s0, s17, $0xb8;
	[tilespmem:$0x1F500] =	vst v63  }
0x1e0: {  	s0 =	sadd.s32 @!p1 $0x17D80, s6  }
0x1e1: {  	[spmem:s24] =	stream.indirect.scatter.add.f32 @!p1 [tilespmem:s18], [sflag:$0x3], $0x20, s0, s17, $0xb8;
	[tilespmem:$0x1F500] =	vst v63  }
0x1e2: {  	s0 =	sadd.s32 @!p1 $0x19180, s6  }
0x1e3: {  	[spmem:s24] =	stream.indirect.scatter.add.f32 @!p1 [tilespmem:s19], [sflag:$0x3], $0x20, s0, s17, $0xb8;
	[tilespmem:$0x1F500] =	vst v63  }
0x1e4: {  	_ = 	snop  }
0x1e5: {  	[tilespmem:s12], [sflag:$0x2] =	stream.indirect.gather [hbm4b:s25+s10], $0x20, s15, s10, $0xb8;
	[tilespmem:$0x1F500] =	vst v63  }
0x1e6: {  	_ =	swait.ge [sflag:s13], $0x1000  }
0x1e7: {  	[sflag:s13] =	ssyncset.done $0x0  }
.Ltmp11:
0x1e8: {  	[sflag:s13] =	ssyncadd.s32 $0xFFFFF000;
	(pc) =	sbr.rel @!p1 .LBB2_18-.Ltmp11, $4  }
0x1e9: {  	[spmem:s24] =	stream.indirect.scatter.add.f32 [tilespmem:s11], [sflag:$0x4], $0x20, s16, s10, $0xb8;
	[tilespmem:$0x1F500] =	vst v63  }
0x1ea: {  	_ =	swait.ge [sflag:s23], $0x1000  }
0x1eb: {  	[sflag:s23] =	ssyncset.done $0x0  }
0x1ec: {  	[sflag:s23] =	ssyncadd.s32 $0xFFFFF000  }
0x1ed: {  	_ =	swait.ge [sflag:s14], $0x1000  }
0x1ee: {  	[sflag:s14] =	ssyncset.done $0x0  }
.Ltmp12:
0x1ef: {  	[sflag:s14] =	ssyncadd.s32 $0xFFFFF000;
	(pc) =	sbr.rel .LBB2_22-.Ltmp12, $4  }
0x1f0: {  	[spmem:s24] =	stream.indirect.scatter.add.f32 [tilespmem:s12], [sflag:$0x4], $0x20, s20, s10, $0xb8;
	[tilespmem:$0x1F500] =	vst v63  }
0x1f1: {  	_ =	swait.ge [sflag:s23], $0x1000  }
0x1f2: {  	[sflag:s23] =	ssyncset.done $0x0  }
0x1f3: {  	[sflag:s23] =	ssyncadd.s32 $0xFFFFF000  }
.LBB2_18:
0x1f4: {  	s0 =	simm.s32 $0x17C00  }
0x1f5: {  	[spmem:s24] =	stream.indirect.scatter.add.f32 [tilespmem:s2], [sflag:$0x3], $0x20, s0, s10, $0xb8;
	[tilespmem:$0x1F500] =	vst v63  }
0x1f6: {  	s19 =	simm.s32 $0x19000  }
0x1f7: {  	[spmem:s24] =	stream.indirect.scatter.add.f32 [tilespmem:s3], [sflag:$0x3], $0x20, s19, s10, $0xb8;
	[tilespmem:$0x1F500] =	vst v63  }
0x1f8: {  	s21 =	simm.s32 $0x1A400  }
0x1f9: {  	[spmem:s24] =	stream.indirect.scatter.add.f32 [tilespmem:s4], [sflag:$0x3], $0x20, s21, s10, $0xb8;
	[tilespmem:$0x1F500] =	vst v63  }
0x1fa: {  	_ =	swait.ge [sflag:s14], $0x1000  }
0x1fb: {  	[sflag:s14] =	ssyncset.done $0x0  }
0x1fc: {  	[sflag:s14] =	ssyncadd.s32 $0xFFFFF000  }
0x1fd: {  	[spmem:s24] =	stream.indirect.scatter.add.f32 [tilespmem:s12], [sflag:$0x4], $0x20, s20, s10, $0xb8;
	[tilespmem:$0x1F500] =	vst v63  }
0x1fe: {  	_ =	swait.ge [sflag:s23], $0x1000  }
0x1ff: {  	[sflag:s23] =	ssyncset.done $0x0  }
0x200: {  	s26 =	simm.s32 $0x17C80;
	[sflag:s23] =	ssyncadd.s32 $0xFFFFF000  }
0x201: {  	[spmem:s24] =	stream.indirect.scatter.add.f32 [tilespmem:s2], [sflag:$0x3], $0x20, s26, s10, $0xb8;
	[tilespmem:$0x1F500] =	vst v63  }
0x202: {  	s28 =	simm.s32 $0x19080  }
0x203: {  	[spmem:s24] =	stream.indirect.scatter.add.f32 [tilespmem:s3], [sflag:$0x3], $0x20, s28, s10, $0xb8;
	[tilespmem:$0x1F500] =	vst v63  }
0x204: {  	s29 =	simm.s32 $0x1A480  }
0x205: {  	[spmem:s24] =	stream.indirect.scatter.add.f32 [tilespmem:s4], [sflag:$0x3], $0x20, s29, s10, $0xb8;
	[tilespmem:$0x1F500] =	vst v63  }
0x206: {  	_ =	swait.ge [sflag:s30], $0x1000  }
0x207: {  	s0 =	simm.s32 $0x77;
	[sflag:s30] =	ssyncset.done $0x0  }
.LBB2_19:
0x208: {  	p2 =	seq.s32 s0, $0x1;
	s0 =	sadd.s32 $0xFFFFFFFF, s0;
	[sflag:s30] =	ssyncadd.s32 $0xFFFFF000  }
.Ltmp13:
0x209: {  	(pc) =	sbr.rel @!p2 .LBB2_19-.Ltmp13, $3  }
0x20a: {  	_ =	sdelay $0x1  }
0x20b: {  	_ =	swait.ge [sflag:s30], $0x1000  }
0x20c: {  	[sflag:s30] =	ssyncset.done $0x0  }
0x20d: {  	[sflag:s30] =	ssyncadd.s32 $0xFFFFF000  }
.LBB2_22:
0x20e: {  	s0 =	simm.s32 $0x0;
	s6 =	rddreg [dreg:$0x11]  }
0x20f: {  	[tilespmem:s5], [sflag:$0x4] =	stream.linear.gather [hbm4b:s6+s0], $0x1400, $0x38;
	[tilespmem:$0x1F500] =	vst v63  }
0x210: {  	_ =	swait.ge [sflag:s23], $0x1400  }
0x211: {  	[sflag:s23] =	ssyncset.done $0x0  }
0x212: {  	s7 =	simm.s32 $0x15500;
	s26 =	rddreg [dreg:$0x14];
	[sflag:s23] =	ssyncadd.s32 $0xFFFFEC00  }
0x213: {  	[tilespmem:s7], [sflag:$0x4] =	stream.linear.gather [hbm4b:s26+s0], $0x1400, $0x38;
	[tilespmem:$0x1F500] =	vst v63  }
0x214: {  	_ =	swait.ge [sflag:s23], $0x1400  }
0x215: {  	[sflag:s23] =	ssyncset.done $0x0  }
0x216: {  	s17 =	simm.s32 $0x16900;
	s8 =	rddreg [dreg:$0x15];
	[sflag:s23] =	ssyncadd.s32 $0xFFFFEC00  }
0x217: {  	[tilespmem:s17], [sflag:$0x4] =	stream.linear.gather [hbm4b:s8+s0], $0x1400, $0x38;
	[tilespmem:$0x1F500] =	vst v63  }
0x218: {  	_ =	swait.ge [sflag:s23], $0x1400  }
0x219: {  	[sflag:s23] =	ssyncset.done $0x0  }
0x21a: {  	s19 =	simm.s32 $0x17D00;
	s18 =	rddreg [dreg:$0x16];
	[sflag:s23] =	ssyncadd.s32 $0xFFFFEC00  }
0x21b: {  	[tilespmem:s19], [sflag:$0x4] =	stream.linear.gather [hbm4b:s18+s0], $0x1400, $0x38;
	[tilespmem:$0x1F500] =	vst v63  }
0x21c: {  	_ =	swait.ge [sflag:s23], $0x1400  }
0x21d: {  	[sflag:s23] =	ssyncset.done $0x0  }
0x21e: {  	s26 =	simm.s32 $0x19100;
	s21 =	rddreg [dreg:$0x17];
	[sflag:s23] =	ssyncadd.s32 $0xFFFFEC00  }
0x21f: {  	[tilespmem:s26], [sflag:$0x4] =	stream.linear.gather [hbm4b:s21+s0], $0x1400, $0x38;
	[tilespmem:$0x1F500] =	vst v63  }
0x220: {  	_ =	swait.ge [sflag:s23], $0x1400  }
0x221: {  	[sflag:s23] =	ssyncset.done $0x0  }
0x222: {  	[sflag:s23] =	ssyncadd.s32 $0xFFFFEC00  }
0x223: {  	[tilespmem:s11], [sflag:$0x1] =	stream.indirect.gather [hbm4b:s25+s10], $0x20, s5, s10, $0xb8;
	[tilespmem:$0x1F500] =	vst v63  }
0x224: {  	s6 =	simm.s32 $0x14180  }
0x225: {  	[tilespmem:s12], [sflag:$0x2] =	stream.indirect.gather [hbm4b:s25+s10], $0x20, s6, s10, $0xb8;
	[tilespmem:$0x1F500] =	vst v63  }
0x226: {  	_ =	swait.ge [sflag:s13], $0x1000  }
0x227: {  	[sflag:s13] =	ssyncset.done $0x0  }
0x228: {  	s7 =	simm.s32 $0x15500;
	[sflag:s13] =	ssyncadd.s32 $0xFFFFF000  }
0x229: {  	[spmem:s24] =	stream.indirect.scatter.add.f32 [tilespmem:s11], [sflag:$0x4], $0x20, s7, s10, $0xb8;
	[tilespmem:$0x1F500] =	vst v63  }
0x22a: {  	_ =	swait.ge [sflag:s23], $0x1000  }
0x22b: {  	s17 =	simm.s32 @!p1 $0x1C500;
	[sflag:s23] =	ssyncset.done $0x0  }
0x22c: {  	s18 =	simm.s32 @!p1 $0x80;
	s0 =	simm.s32 @!p1 $0x16900;
	[sflag:s23] =	ssyncadd.s32 $0xFFFFF000  }
0x22d: {  	[spmem:s24] =	stream.indirect.scatter.add.f32 @!p1 [tilespmem:s17], [sflag:$0x3], $0x20, s0, s18, $0xb8;
	[tilespmem:$0x1F500] =	vst v63  }
0x22e: {  	s19 =	simm.s32 @!p1 $0x1D500;
	s0 =	simm.s32 @!p1 $0x17D00  }
0x22f: {  	[spmem:s24] =	stream.indirect.scatter.add.f32 @!p1 [tilespmem:s19], [sflag:$0x3], $0x20, s0, s18, $0xb8;
	[tilespmem:$0x1F500] =	vst v63  }
0x230: {  	s21 =	simm.s32 @!p1 $0x1E500;
	s0 =	simm.s32 @!p1 $0x19100  }
0x231: {  	[spmem:s24] =	stream.indirect.scatter.add.f32 @!p1 [tilespmem:s21], [sflag:$0x3], $0x20, s0, s18, $0xb8;
	[tilespmem:$0x1F500] =	vst v63  }
0x232: {  	s8 =	simm.s32 $0x14200  }
0x233: {  	[tilespmem:s11], [sflag:$0x1] =	stream.indirect.gather [hbm4b:s25+s10], $0x20, s8, s10, $0xb8;
	[tilespmem:$0x1F500] =	vst v63  }
0x234: {  	_ =	swait.ge [sflag:s14], $0x1000  }
0x235: {  	[sflag:s14] =	ssyncset.done $0x0  }
0x236: {  	s26 =	simm.s32 $0x15580;
	[sflag:s14] =	ssyncadd.s32 $0xFFFFF000  }
0x237: {  	[spmem:s24] =	stream.indirect.scatter.add.f32 [tilespmem:s12], [sflag:$0x4], $0x20, s26, s10, $0xb8;
	[tilespmem:$0x1F500] =	vst v63  }
0x238: {  	_ =	swait.ge [sflag:s23], $0x1000  }
0x239: {  	[sflag:s23] =	ssyncset.done $0x0  }
0x23a: {  	s0 =	simm.s32 @!p1 $0x16980;
	[sflag:s23] =	ssyncadd.s32 $0xFFFFF000  }
0x23b: {  	[spmem:s24] =	stream.indirect.scatter.add.f32 @!p1 [tilespmem:s17], [sflag:$0x3], $0x20, s0, s18, $0xb8;
	[tilespmem:$0x1F500] =	vst v63  }
0x23c: {  	s28 =	simm.s32 $0x800;
	s0 =	simm.s32 @!p1 $0x17D80  }
0x23d: {  	[spmem:s24] =	stream.indirect.scatter.add.f32 @!p1 [tilespmem:s19], [sflag:$0x3], $0x20, s0, s18, $0xb8;
	[tilespmem:$0x1F500] =	vst v63  }
0x23e: {  	s29 =	simm.s32 @!p1 $0x19180;
	s26 =	simm.s32 $0x400;
	s0 =	simm.s32 $0x100  }
.LBB2_23:
0x23f: {  	[spmem:s24] =	stream.indirect.scatter.add.f32 @!p1 [tilespmem:s21], [sflag:$0x3], $0x20, s29, s18, $0xb8;
	[tilespmem:$0x1F500] =	vst v63  }
0x240: {  	s6 =	smov.u32 s28  }
0x241: {  	s28 =	sadd.s32 $0x400, s28;
	s8 =	sadd.s32 $0x14180, s0;
	s7 =	sshra.s32 s6, $0x2  }
0x242: {  	[tilespmem:s12], [sflag:$0x2] =	stream.indirect.gather [hbm4b:s25+s10], $0x20, s8, s10, $0xb8;
	[tilespmem:$0x1F500] =	vst v63  }
0x243: {  	p2 =	sne.s32 s28, $0x4C00;
	_ =	swait.ge [sflag:s13], $0x1000  }
0x244: {  	[sflag:s13] =	ssyncset.done $0x0  }
0x245: {  	s8 =	sadd.s32 $0x15500, s0;
	[sflag:s13] =	ssyncadd.s32 $0xFFFFF000  }
0x246: {  	[spmem:s24] =	stream.indirect.scatter.add.f32 [tilespmem:s11], [sflag:$0x4], $0x20, s8, s10, $0xb8;
	[tilespmem:$0x1F500] =	vst v63  }
0x247: {  	_ =	swait.ge [sflag:s23], $0x1000  }
0x248: {  	s8 =	sshra.s32 @!p1 s26, $0x2;
	[sflag:s23] =	ssyncset.done $0x0  }
0x249: {  	s26 =	sadd.s32 @!p1 $0x16900, s8;
	[sflag:s23] =	ssyncadd.s32 $0xFFFFF000  }
0x24a: {  	[spmem:s24] =	stream.indirect.scatter.add.f32 @!p1 [tilespmem:s17], [sflag:$0x3], $0x20, s26, s18, $0xb8;
	[tilespmem:$0x1F500] =	vst v63  }
0x24b: {  	s29 =	sadd.s32 @!p1 $0x17D00, s8;
	s26 =	smov.u32 s6  }
0x24c: {  	[spmem:s24] =	stream.indirect.scatter.add.f32 @!p1 [tilespmem:s19], [sflag:$0x3], $0x20, s29, s18, $0xb8;
	[tilespmem:$0x1F500] =	vst v63  }
0x24d: {  	s6 =	sadd.s32 @!p1 $0x19100, s8  }
0x24e: {  	[spmem:s24] =	stream.indirect.scatter.add.f32 @!p1 [tilespmem:s21], [sflag:$0x3], $0x20, s6, s18, $0xb8;
	[tilespmem:$0x1F500] =	vst v63  }
0x24f: {  	s6 =	sadd.s32 $0x14200, s0  }
0x250: {  	[tilespmem:s11], [sflag:$0x1] =	stream.indirect.gather [hbm4b:s25+s10], $0x20, s6, s10, $0xb8;
	[tilespmem:$0x1F500] =	vst v63  }
0x251: {  	_ =	swait.ge [sflag:s14], $0x1000  }
0x252: {  	[sflag:s14] =	ssyncset.done $0x0  }
0x253: {  	s6 =	sadd.s32 $0x15580, s0;
	s0 =	smov.u32 s7;
	[sflag:s14] =	ssyncadd.s32 $0xFFFFF000  }
0x254: {  	[spmem:s24] =	stream.indirect.scatter.add.f32 [tilespmem:s12], [sflag:$0x4], $0x20, s6, s10, $0xb8;
	[tilespmem:$0x1F500] =	vst v63  }
0x255: {  	_ =	swait.ge [sflag:s23], $0x1000  }
0x256: {  	[sflag:s23] =	ssyncset.done $0x0  }
.Ltmp14:
0x257: {  	s6 =	sadd.s32 @!p1 $0x16980, s8;
	[sflag:s23] =	ssyncadd.s32 $0xFFFFF000;
	(pc) =	sbr.rel @p2 .LBB2_23-.Ltmp14, $4  }
0x258: {  	[spmem:s24] =	stream.indirect.scatter.add.f32 @!p1 [tilespmem:s17], [sflag:$0x3], $0x20, s6, s18, $0xb8;
	[tilespmem:$0x1F500] =	vst v63  }
0x259: {  	s6 =	sadd.s32 @!p1 $0x17D80, s8  }
0x25a: {  	[spmem:s24] =	stream.indirect.scatter.add.f32 @!p1 [tilespmem:s19], [sflag:$0x3], $0x20, s6, s18, $0xb8;
	[tilespmem:$0x1F500] =	vst v63  }
0x25b: {  	s29 =	sadd.s32 @!p1 $0x19180, s8  }
0x25c: {  	[spmem:s24] =	stream.indirect.scatter.add.f32 @!p1 [tilespmem:s21], [sflag:$0x3], $0x20, s29, s18, $0xb8;
	[tilespmem:$0x1F500] =	vst v63  }
0x25d: {  	s6 =	sadd.s32 $0x14180, s0  }
0x25e: {  	[tilespmem:s12], [sflag:$0x2] =	stream.indirect.gather [hbm4b:s25+s10], $0x20, s6, s10, $0xb8;
	[tilespmem:$0x1F500] =	vst v63  }
0x25f: {  	_ =	swait.ge [sflag:s13], $0x1000  }
0x260: {  	[sflag:s13] =	ssyncset.done $0x0  }
0x261: {  	s21 =	sadd.s32 $0x15500, s0;
	[sflag:s13] =	ssyncadd.s32 $0xFFFFF000  }
0x262: {  	[spmem:s24] =	stream.indirect.scatter.add.f32 [tilespmem:s11], [sflag:$0x4], $0x20, s21, s10, $0xb8;
	[tilespmem:$0x1F500] =	vst v63  }
0x263: {  	_ =	swait.ge [sflag:s23], $0x1000  }
0x264: {  	s7 =	simm.s32 @!p1 $0x1C500;
	s6 =	sshra.s32 @!p1 s26, $0x2;
	[sflag:s23] =	ssyncset.done $0x0  }
0x265: {  	s17 =	simm.s32 @!p1 $0x80;
	s8 =	sadd.s32 @!p1 $0x16900, s6;
	[sflag:s23] =	ssyncadd.s32 $0xFFFFF000  }
0x266: {  	[spmem:s24] =	stream.indirect.scatter.add.f32 @!p1 [tilespmem:s7], [sflag:$0x3], $0x20, s8, s17, $0xb8;
	[tilespmem:$0x1F500] =	vst v63  }
0x267: {  	s18 =	simm.s32 @!p1 $0x1D500;
	s8 =	sadd.s32 @!p1 $0x17D00, s6  }
0x268: {  	[spmem:s24] =	stream.indirect.scatter.add.f32 @!p1 [tilespmem:s18], [sflag:$0x3], $0x20, s8, s17, $0xb8;
	[tilespmem:$0x1F500] =	vst v63  }
0x269: {  	s19 =	simm.s32 @!p1 $0x1E500;
	s8 =	sadd.s32 @!p1 $0x19100, s6  }
0x26a: {  	[spmem:s24] =	stream.indirect.scatter.add.f32 @!p1 [tilespmem:s19], [sflag:$0x3], $0x20, s8, s17, $0xb8;
	[tilespmem:$0x1F500] =	vst v63  }
0x26b: {  	s28 =	sadd.s32 $0x14200, s0  }
0x26c: {  	[tilespmem:s11], [sflag:$0x1] =	stream.indirect.gather [hbm4b:s25+s10], $0x20, s28, s10, $0xb8;
	[tilespmem:$0x1F500] =	vst v63  }
0x26d: {  	_ =	swait.ge [sflag:s14], $0x1000  }
0x26e: {  	[sflag:s14] =	ssyncset.done $0x0  }
0x26f: {  	s29 =	sadd.s32 $0x15580, s0;
	[sflag:s14] =	ssyncadd.s32 $0xFFFFF000  }
0x270: {  	[spmem:s24] =	stream.indirect.scatter.add.f32 [tilespmem:s12], [sflag:$0x4], $0x20, s29, s10, $0xb8;
	[tilespmem:$0x1F500] =	vst v63  }
0x271: {  	_ =	swait.ge [sflag:s23], $0x1000  }
0x272: {  	[sflag:s23] =	ssyncset.done $0x0  }
0x273: {  	s0 =	sadd.s32 @!p1 $0x16980, s6;
	[sflag:s23] =	ssyncadd.s32 $0xFFFFF000  }
0x274: {  	[spmem:s24] =	stream.indirect.scatter.add.f32 @!p1 [tilespmem:s7], [sflag:$0x3], $0x20, s0, s17, $0xb8;
	[tilespmem:$0x1F500] =	vst v63  }
0x275: {  	s0 =	sadd.s32 @!p1 $0x17D80, s6  }
0x276: {  	[spmem:s24] =	stream.indirect.scatter.add.f32 @!p1 [tilespmem:s18], [sflag:$0x3], $0x20, s0, s17, $0xb8;
	[tilespmem:$0x1F500] =	vst v63  }
0x277: {  	s0 =	sadd.s32 @!p1 $0x19180, s6  }
0x278: {  	[spmem:s24] =	stream.indirect.scatter.add.f32 @!p1 [tilespmem:s19], [sflag:$0x3], $0x20, s0, s17, $0xb8;
	[tilespmem:$0x1F500] =	vst v63  }
0x279: {  	_ = 	snop  }
0x27a: {  	[tilespmem:s12], [sflag:$0x2] =	stream.indirect.gather [hbm4b:s25+s10], $0x20, s15, s10, $0xb8;
	[tilespmem:$0x1F500] =	vst v63  }
0x27b: {  	_ =	swait.ge [sflag:s13], $0x1000  }
0x27c: {  	[sflag:s13] =	ssyncset.done $0x0  }
.Ltmp15:
0x27d: {  	[sflag:s13] =	ssyncadd.s32 $0xFFFFF000;
	(pc) =	sbr.rel @p1 .LBB2_28-.Ltmp15, $4  }
0x27e: {  	[spmem:s24] =	stream.indirect.scatter.add.f32 [tilespmem:s11], [sflag:$0x4], $0x20, s16, s10, $0xb8;
	[tilespmem:$0x1F500] =	vst v63  }
0x27f: {  	_ =	swait.ge [sflag:s23], $0x1000  }
0x280: {  	[sflag:s23] =	ssyncset.done $0x0  }
0x281: {  	[sflag:s23] =	ssyncadd.s32 $0xFFFFF000  }
0x282: {  	s0 =	simm.s32 $0x17C00  }
0x283: {  	[spmem:s24] =	stream.indirect.scatter.add.f32 [tilespmem:s2], [sflag:$0x3], $0x20, s0, s10, $0xb8;
	[tilespmem:$0x1F500] =	vst v63  }
0x284: {  	s19 =	simm.s32 $0x19000  }
0x285: {  	[spmem:s24] =	stream.indirect.scatter.add.f32 [tilespmem:s3], [sflag:$0x3], $0x20, s19, s10, $0xb8;
	[tilespmem:$0x1F500] =	vst v63  }
0x286: {  	s21 =	simm.s32 $0x1A400  }
0x287: {  	[spmem:s24] =	stream.indirect.scatter.add.f32 [tilespmem:s4], [sflag:$0x3], $0x20, s21, s10, $0xb8;
	[tilespmem:$0x1F500] =	vst v63  }
0x288: {  	_ =	swait.ge [sflag:s14], $0x1000  }
0x289: {  	[sflag:s14] =	ssyncset.done $0x0  }
0x28a: {  	[sflag:s14] =	ssyncadd.s32 $0xFFFFF000  }
0x28b: {  	[spmem:s24] =	stream.indirect.scatter.add.f32 [tilespmem:s12], [sflag:$0x4], $0x20, s20, s10, $0xb8;
	[tilespmem:$0x1F500] =	vst v63  }
0x28c: {  	_ =	swait.ge [sflag:s23], $0x1000  }
0x28d: {  	[sflag:s23] =	ssyncset.done $0x0  }
0x28e: {  	s26 =	simm.s32 $0x17C80;
	[sflag:s23] =	ssyncadd.s32 $0xFFFFF000  }
0x28f: {  	[spmem:s24] =	stream.indirect.scatter.add.f32 [tilespmem:s2], [sflag:$0x3], $0x20, s26, s10, $0xb8;
	[tilespmem:$0x1F500] =	vst v63  }
0x290: {  	s28 =	simm.s32 $0x19080  }
0x291: {  	[spmem:s24] =	stream.indirect.scatter.add.f32 [tilespmem:s3], [sflag:$0x3], $0x20, s28, s10, $0xb8;
	[tilespmem:$0x1F500] =	vst v63  }
0x292: {  	s29 =	simm.s32 $0x1A480  }
0x293: {  	[spmem:s24] =	stream.indirect.scatter.add.f32 [tilespmem:s4], [sflag:$0x3], $0x20, s29, s10, $0xb8;
	[tilespmem:$0x1F500] =	vst v63  }
0x294: {  	_ =	swait.ge [sflag:s30], $0x1000  }
0x295: {  	s7 =	smov.u32 s9;
	s0 =	simm.s32 $0x77;
	[sflag:s30] =	ssyncset.done $0x0  }
.LBB2_26:
0x296: {  	p2 =	seq.s32 s0, $0x1;
	s0 =	sadd.s32 $0xFFFFFFFF, s0;
	[sflag:s30] =	ssyncadd.s32 $0xFFFFF000  }
.Ltmp16:
0x297: {  	(pc) =	sbr.rel @!p2 .LBB2_26-.Ltmp16, $3  }
0x298: {  	_ =	sdelay $0x1  }
0x299: {  	_ =	swait.ge [sflag:s30], $0x1000  }
0x29a: {  	[sflag:s30] =	ssyncset.done $0x0  }
.Ltmp17:
0x29b: {  	(pc) =	sbr.rel .LBB2_29-.Ltmp17, $2  }
0x29c: {  	_ =	sdelay $0x2  }
0x29d: {  	[sflag:s30] =	ssyncadd.s32 $0xFFFFF000  }
.LBB2_30:
0x29e: {  	_ =	sfence.sel $0x180000  }
0x29f: {  	[bflag:$0x0] =	sbarrier.arrive $0xFFFF  }
0x2a0: {  	_ =	strace $0x90000047  }
0x2a1: {  	s0 =	stileid.u32;
	[bflag:$0x2] =	sbarrier.arrive $0xFFFF  }
0x2a2: {  	p0 =	sne.s32 s0, $0x0;
	s0 =	rddreg [dreg:$0x3]  }
0x2a3: {  	s0 =	sadd.s32 @!p0 $0x100000, s0  }
0x2a4: {  	[sflag:s0] =	ssyncadd.tile.s32 @!p0 $0x1;
	_ =	shalt  }
.Lfunc_end2:
_tile_overlayer_lowered:
.L_overlay_start_2:
0x2a5: {  	(tag) =	ssettag $0x2  }
0x2a6: {  	s0 =	rddreg [dreg:$0x0];
	s2 =	stileid.u32  }
0x2a7: {  	s1 =	rddreg [dreg:$0x1];
	p0 =	sne.s32 s2, $0x0  }
0x2a8: {  	s3 =	rddreg [dreg:$0x2];
	[bflag:$0x3] =	sbarrier.arrive $0xFFFF;
	s2 =	simm.s32 @!p0 $0x1C04  }
0x2a9: {  	[timem:s3], [sflag:s2] =	dma.local @!p0 [hbm:s0], s1  }
0x2aa: {  	s0 =	simm.s32 @!p0 $0x4  }
0x2ab: {  	_ =	swait.ge @!p0 [sflag:s0], s1  }
0x2ac: {  	s1 =	ssub.s32 @!p0 $0x0, s1;
	[sflag:s0] =	ssyncset.done @!p0 $0x0  }
0x2ad: {  	[sflag:s0] =	ssyncadd.s32 @!p0 s1  }
0x2ae: {  	[bflag:$0x3] =	sbarrier.arrive $0xFFFF  }
0x2af: {  	_ =	shalt  }

</sc_bundles>
